<compile_context>
chip_gen: v7x
topology: tpu7x:2x2x1
jax: 0.10.2.dev20260603
libtpu: 0.0.44.dev20260713+nightly
codegen_flags: <defaults>
</compile_context>

<pallas_src>
import functools

import jax
import jax.numpy as jnp
from jax import lax
from jax.experimental import pallas as pl
from jax.experimental.pallas import tpu as pltpu
from jax.experimental.pallas import tpu_sc as plsc

NC = 2
NS = 16
NW = NC * NS
LANE = 128
SUB = 8
NBUF = 8


@functools.lru_cache(maxsize=None)
def _build(batch, seq, dim):
    bt = batch // LANE
    assert bt == NW and seq % SUB == 0
    sg = seq // SUB
    lg = LANE // 16

    mesh = plsc.VectorSubcoreMesh(core_axis_name="c", subcore_axis_name="s")

    @functools.partial(
        pl.kernel,
        mesh=mesh,
        out_type=jax.ShapeDtypeStruct((batch, seq * 2 * dim), jnp.float32),
        compiler_params=pltpu.CompilerParams(
            use_tc_tiling_on_sc=False, needs_layout_passes=False
        ),
        scratch_types=[
            pltpu.VMEM((sg, SUB, LANE), jnp.int32),
            pltpu.VMEM((NBUF, LANE), jnp.int32),
            pltpu.VMEM((NBUF, LANE, dim), jnp.float32),
            [pltpu.SemaphoreType.DMA] * NBUF,
            [pltpu.SemaphoreType.DMA] * NBUF,
        ],
    )
    def emb(ids_hbm, table_hbm, out_hbm, idx_v, stage, bufs, gsem, wsem):
        w = lax.axis_index("s") * NC + lax.axis_index("c")

        pltpu.sync_copy(ids_hbm.at[pl.ds(0, 1), w], idx_v.at[pl.ds(0, 1)])

        def stage_and_fire(g, r, slot):
            for l in range(lg):
                iv = idx_v[g, r, pl.ds(16 * l, 16)]
                stage[slot, pl.ds(16 * l, 16)] = iv + iv
            pltpu.make_async_copy(
                table_hbm.at[stage.at[slot]], bufs.at[slot], gsem[slot]
            ).start()

        def wait_gather(slot):
            pltpu.make_async_copy(
                table_hbm.at[stage.at[slot]], bufs.at[slot], gsem[slot]
            ).wait()

        def out_slice(g, r):
            s = g * SUB + r
            return out_hbm.at[pl.ds(w * LANE, LANE), pl.ds(s * 2 * dim, dim)]

        def fire_write(g, r, slot):
            pltpu.make_async_copy(
                bufs.at[slot], out_slice(g, r), wsem[slot]
            ).start()

        def wait_write(g, r, slot):
            pltpu.make_async_copy(
                bufs.at[slot], out_slice(g, r), wsem[slot]
            ).wait()

        for k in range(NBUF - 1):
            stage_and_fire(0, k, k)
        pltpu.sync_copy(
            ids_hbm.at[pl.ds(1, sg - 1), w], idx_v.at[pl.ds(1, sg - 1)]
        )

        def body(g, carry):
            for r in range(SUB):
                slot = r % NBUF
                nslot = (r + NBUF - 1) % NBUF
                nr = r + NBUF - 1
                if nr < SUB:
                    if r == 0:
                        @pl.when(g > 0)
                        def _():
                            wait_write(g, r, nslot)
                    else:
                        wait_write(g, r, nslot)
                    stage_and_fire(g, nr, nslot)
                else:
                    @pl.when(g < sg - 1)
                    def _():
                        wait_write(g, r, nslot)
                        stage_and_fire(g + 1, nr - SUB, nslot)
                wait_gather(slot)
                fire_write(g, r, slot)
            return carry

        lax.fori_loop(0, sg, body, 0)
        for k in range(NBUF):
            wait_write(sg - 1, k, k)

    return emb


def kernel(word_ids, word_emb_table):
    batch, seq = word_ids.shape
    vocab, dim = word_emb_table.shape
    ids_lin = (
        word_ids.astype(jnp.int32)
        .T.reshape(seq // SUB, SUB, batch // LANE, LANE)
        .transpose(0, 2, 1, 3)
    )
    table_rows = jnp.pad(word_emb_table, ((0, 0), (0, dim))).reshape(
        2 * vocab, dim
    )
    emb = _build(batch, seq, dim)
    out_pad = emb(ids_lin, table_rows).reshape(batch, seq, 2 * dim)
    return out_pad[:, :, :dim]

# --- scband reference (transcript-rebuilt; emitter-appended) ---
"""Pipeline reference for scband-word-embedding-79680233275601 (READ-ONLY COPY).

The authoritative reference and input builder live on the scoring server;
editing this copy changes nothing except your own understanding.
"""

import jax, jax.numpy as jnp
import numpy as np

VOCAB = 1000000
EMB_DIM = 64
BATCH = 4096
SEQ = 200

def setup_inputs(seed: int = 0) -> dict:
    key = jax.random.key(seed)
    k_ids, k_tab = jax.random.split(key)
    word_ids = jax.random.randint(k_ids, (BATCH, SEQ), 0, VOCAB, dtype=jnp.int64 if jax.config.jax_enable_x64 else jnp.int32)
    word_emb_table = jax.random.normal(k_tab, (VOCAB, EMB_DIM), dtype=jnp.float32)
    return {"word_ids": word_ids, "word_emb_table": word_emb_table}

def reference(word_ids, word_emb_table):
    # Faithful to WordEmbedding.forward with use_pretrained_word=True:
    # word_emb = self.word_embeds(word_ids)  -> embedding gather from pretrained table
    word_emb = jnp.take(word_emb_table, word_ids, axis=0)
    return word_emb

if __name__ == "__main__":
    import jax
    _d = setup_inputs()
    print(jax.jit(kernel)(*tuple(_d.values())))

</pallas_src>

<mosaic_0001>
#map = affine_map<(d0, d1) -> (0, 0, 0, 0)>
#map1 = affine_map<(d0, d1) -> (0, 0)>
module attributes {stable_mosaic.version = 14 : i64} {
  func.func @emb(%arg0: i32, %arg1: i32, %arg2: memref<25x32x8x128xi32, #tpu.memory_space<hbm>>, %arg3: memref<2000000x64xf32, #tpu.memory_space<hbm>>, %arg4: memref<4096x25600xf32, #tpu.memory_space<hbm>>, %arg5: memref<25x8x128xi32, #tpu.memory_space<vmem>>, %arg6: memref<8x128xi32, #tpu.memory_space<vmem>>, %arg7: memref<8x128x64xf32, #tpu.memory_space<vmem>>, %arg8: memref<!tpu.dma_semaphore, #tpu.memory_space<semaphore_mem>>, %arg9: memref<!tpu.dma_semaphore, #tpu.memory_space<semaphore_mem>>, %arg10: memref<!tpu.dma_semaphore, #tpu.memory_space<semaphore_mem>>, %arg11: memref<!tpu.dma_semaphore, #tpu.memory_space<semaphore_mem>>, %arg12: memref<!tpu.dma_semaphore, #tpu.memory_space<semaphore_mem>>, %arg13: memref<!tpu.dma_semaphore, #tpu.memory_space<semaphore_mem>>, %arg14: memref<!tpu.dma_semaphore, #tpu.memory_space<semaphore_mem>>, %arg15: memref<!tpu.dma_semaphore, #tpu.memory_space<semaphore_mem>>, %arg16: memref<!tpu.dma_semaphore, #tpu.memory_space<semaphore_mem>>, %arg17: memref<!tpu.dma_semaphore, #tpu.memory_space<semaphore_mem>>, %arg18: memref<!tpu.dma_semaphore, #tpu.memory_space<semaphore_mem>>, %arg19: memref<!tpu.dma_semaphore, #tpu.memory_space<semaphore_mem>>, %arg20: memref<!tpu.dma_semaphore, #tpu.memory_space<semaphore_mem>>, %arg21: memref<!tpu.dma_semaphore, #tpu.memory_space<semaphore_mem>>, %arg22: memref<!tpu.dma_semaphore, #tpu.memory_space<semaphore_mem>>, %arg23: memref<!tpu.dma_semaphore, #tpu.memory_space<semaphore_mem>>) attributes {dimension_semantics = [#tpu.dimension_semantics<core_parallel>, #tpu.dimension_semantics<subcore_parallel>], iteration_bounds = array<i64: 2, 16>, scalar_prefetch = 0 : i64, scratch_operands = 19 : i64, tpu.core_type = #tpu.core_type<sc_vector_subcore>, window_params = [{transform_indices = #map}, {transform_indices = #map1}, {transform_indices = #map1}]} {
    %mul3A = arith.constant 2 : i32
    %mul3A_0 = arith.muli %arg1, %mul3A : i32
    %add3A = arith.addi %mul3A_0, %arg0 : i32
    "tpu.region"() ({
      %run_scoped3A = tpu.sem_alloc : memref<!tpu.dma_semaphore, #tpu.memory_space<semaphore_mem>>
      %dma_start3A_822 = arith.constant 0 : i32
      %dma_start3A_823 = arith.constant 0 : i32
      %dma_start3A_824 = arith.constant 0 : i32
      %dma_start3A_825 = tpu.memref_slice %arg5[%dma_start3A_822, %dma_start3A_823, %dma_start3A_824] : memref<25x8x128xi32, #tpu.memory_space<vmem>> -> memref<1x8x128xi32, #tpu.memory_space<vmem>>
      %dma_start3A_826 = arith.constant 0 : i32
      %dma_start3A_827 = arith.constant 0 : i32
      %dma_start3A_828 = arith.constant 0 : i32
      %dma_start3A_829 = tpu.memref_slice %arg2[%dma_start3A_826, %add3A, %dma_start3A_827, %dma_start3A_828] : memref<25x32x8x128xi32, #tpu.memory_space<hbm>> -> memref<1x1x8x128xi32, #tpu.memory_space<hbm>>
      %dma_start3A_830 = tpu.memref_squeeze %dma_start3A_829 : memref<1x1x8x128xi32, #tpu.memory_space<hbm>> -> memref<1x8x128xi32, #tpu.memory_space<hbm>>
      %dma_start3A_831 = arith.constant 0 : i32
      %dma_start3A_832 = arith.constant 0 : i32
      %dma_start3A_833 = arith.constant 0 : i32
      %dma_start3A_834 = tpu.memref_slice %arg5[%dma_start3A_831, %dma_start3A_832, %dma_start3A_833] : memref<25x8x128xi32, #tpu.memory_space<vmem>> -> memref<1x8x128xi32, #tpu.memory_space<vmem>>
      %dma_start3A_835 = arith.constant 0 : i32
      %dma_start3A_836 = arith.constant 0 : i32
      %dma_start3A_837 = arith.constant 0 : i32
      %dma_start3A_838 = tpu.memref_slice %arg2[%dma_start3A_835, %add3A, %dma_start3A_836, %dma_start3A_837] : memref<25x32x8x128xi32, #tpu.memory_space<hbm>> -> memref<1x1x8x128xi32, #tpu.memory_space<hbm>>
      %dma_start3A_839 = tpu.memref_squeeze %dma_start3A_838 : memref<1x1x8x128xi32, #tpu.memory_space<hbm>> -> memref<1x8x128xi32, #tpu.memory_space<hbm>>
      tpu.enqueue_dma source(%dma_start3A_839 : memref<1x8x128xi32, #tpu.memory_space<hbm>>) target(%dma_start3A_834 : memref<1x8x128xi32, #tpu.memory_space<vmem>>) target_semaphore(%run_scoped3A : memref<!tpu.dma_semaphore, #tpu.memory_space<semaphore_mem>>)
      %dma_wait3A_840 = arith.constant 0 : i32
      %dma_wait3A_841 = arith.constant 0 : i32
      %dma_wait3A_842 = arith.constant 0 : i32
      %dma_wait3A_843 = tpu.memref_slice %arg5[%dma_wait3A_840, %dma_wait3A_841, %dma_wait3A_842] : memref<25x8x128xi32, #tpu.memory_space<vmem>> -> memref<1x8x128xi32, #tpu.memory_space<vmem>>
      %dma_wait3A_844 = arith.constant 0 : i32
      %dma_wait3A_845 = arith.constant 0 : i32
      %dma_wait3A_846 = arith.constant 0 : i32
      %dma_wait3A_847 = tpu.memref_slice %arg2[%dma_wait3A_844, %add3A, %dma_wait3A_845, %dma_wait3A_846] : memref<25x32x8x128xi32, #tpu.memory_space<hbm>> -> memref<1x1x8x128xi32, #tpu.memory_space<hbm>>
      %dma_wait3A_848 = tpu.memref_squeeze %dma_wait3A_847 : memref<1x1x8x128xi32, #tpu.memory_space<hbm>> -> memref<1x8x128xi32, #tpu.memory_space<hbm>>
      %dma_wait3A_849 = arith.constant 0 : i32
      %dma_wait3A_850 = arith.constant 0 : i32
      %dma_wait3A_851 = arith.constant 0 : i32
      %dma_wait3A_852 = tpu.memref_slice %arg5[%dma_wait3A_849, %dma_wait3A_850, %dma_wait3A_851] : memref<25x8x128xi32, #tpu.memory_space<vmem>> -> memref<1x8x128xi32, #tpu.memory_space<vmem>>
      %dma_wait3A_853 = arith.constant 0 : i32
      %dma_wait3A_854 = arith.constant 0 : i32
      %dma_wait3A_855 = arith.constant 0 : i32
      %dma_wait3A_856 = tpu.memref_slice %arg2[%dma_wait3A_853, %add3A, %dma_wait3A_854, %dma_wait3A_855] : memref<25x32x8x128xi32, #tpu.memory_space<hbm>> -> memref<1x1x8x128xi32, #tpu.memory_space<hbm>>
      %dma_wait3A_857 = tpu.memref_squeeze %dma_wait3A_856 : memref<1x1x8x128xi32, #tpu.memory_space<hbm>> -> memref<1x8x128xi32, #tpu.memory_space<hbm>>
      tpu.wait_dma2 semaphore(%run_scoped3A : memref<!tpu.dma_semaphore, #tpu.memory_space<semaphore_mem>>) src(%dma_wait3A_857 : memref<1x8x128xi32, #tpu.memory_space<hbm>>) dst(%dma_wait3A_852 : memref<1x8x128xi32, #tpu.memory_space<vmem>>)
      tpu.yield
    }) : () -> ()
    %get3A = arith.constant 0 : i32
    %get3A_1 = arith.constant 0 : i32
    %get3A_2 = arith.index_cast %get3A : i32 to index
    %get3A_3 = arith.index_cast %get3A_1 : i32 to index
    %get3A_4 = arith.constant 0 : index
    %get3A_5 = tpu.vector_load %arg5[%get3A_2, %get3A_3, %get3A_4] {strides = array<i32>} : memref<25x8x128xi32, #tpu.memory_space<vmem>>, vector<16xi32>,
    %add3A_6 = arith.addi %get3A_5, %get3A_5 : vector<16xi32>
    %swap3A = arith.constant 0 : i32
    %swap3A_7 = arith.index_cast %swap3A : i32 to index
    %swap3A_8 = arith.constant 0 : index
    %swap3A_9 = tpu.vector_load %arg6[%swap3A_7, %swap3A_8] {strides = array<i32>} : memref<8x128xi32, #tpu.memory_space<vmem>>, vector<16xi32>,
    tpu.vector_store %arg6[%swap3A_7, %swap3A_8], %add3A_6 {strides = array<i32>} : memref<8x128xi32, #tpu.memory_space<vmem>>, vector<16xi32>,
    %get3A_10 = arith.constant 0 : i32
    %get3A_11 = arith.constant 0 : i32
    %get3A_12 = arith.index_cast %get3A_10 : i32 to index
    %get3A_13 = arith.index_cast %get3A_11 : i32 to index
    %get3A_14 = arith.constant 16 : index
    %get3A_15 = tpu.vector_load %arg5[%get3A_12, %get3A_13, %get3A_14] {strides = array<i32>} : memref<25x8x128xi32, #tpu.memory_space<vmem>>, vector<16xi32>,
    %add3A_16 = arith.addi %get3A_15, %get3A_15 : vector<16xi32>
    %swap3A_17 = arith.constant 0 : i32
    %swap3A_18 = arith.index_cast %swap3A_17 : i32 to index
    %swap3A_19 = arith.constant 16 : index
    %swap3A_20 = tpu.vector_load %arg6[%swap3A_18, %swap3A_19] {strides = array<i32>} : memref<8x128xi32, #tpu.memory_space<vmem>>, vector<16xi32>,
    tpu.vector_store %arg6[%swap3A_18, %swap3A_19], %add3A_16 {strides = array<i32>} : memref<8x128xi32, #tpu.memory_space<vmem>>, vector<16xi32>,
    %get3A_21 = arith.constant 0 : i32
    %get3A_22 = arith.constant 0 : i32
    %get3A_23 = arith.index_cast %get3A_21 : i32 to index
    %get3A_24 = arith.index_cast %get3A_22 : i32 to index
    %get3A_25 = arith.constant 32 : index
    %get3A_26 = tpu.vector_load %arg5[%get3A_23, %get3A_24, %get3A_25] {strides = array<i32>} : memref<25x8x128xi32, #tpu.memory_space<vmem>>, vector<16xi32>,
    %add3A_27 = arith.addi %get3A_26, %get3A_26 : vector<16xi32>
    %swap3A_28 = arith.constant 0 : i32
    %swap3A_29 = arith.index_cast %swap3A_28 : i32 to index
    %swap3A_30 = arith.constant 32 : index
    %swap3A_31 = tpu.vector_load %arg6[%swap3A_29, %swap3A_30] {strides = array<i32>} : memref<8x128xi32, #tpu.memory_space<vmem>>, vector<16xi32>,
    tpu.vector_store %arg6[%swap3A_29, %swap3A_30], %add3A_27 {strides = array<i32>} : memref<8x128xi32, #tpu.memory_space<vmem>>, vector<16xi32>,
    %get3A_32 = arith.constant 0 : i32
    %get3A_33 = arith.constant 0 : i32
    %get3A_34 = arith.index_cast %get3A_32 : i32 to index
    %get3A_35 = arith.index_cast %get3A_33 : i32 to index
    %get3A_36 = arith.constant 48 : index
    %get3A_37 = tpu.vector_load %arg5[%get3A_34, %get3A_35, %get3A_36] {strides = array<i32>} : memref<25x8x128xi32, #tpu.memory_space<vmem>>, vector<16xi32>,
    %add3A_38 = arith.addi %get3A_37, %get3A_37 : vector<16xi32>
    %swap3A_39 = arith.constant 0 : i32
    %swap3A_40 = arith.index_cast %swap3A_39 : i32 to index
    %swap3A_41 = arith.constant 48 : index
    %swap3A_42 = tpu.vector_load %arg6[%swap3A_40, %swap3A_41] {strides = array<i32>} : memref<8x128xi32, #tpu.memory_space<vmem>>, vector<16xi32>,
    tpu.vector_store %arg6[%swap3A_40, %swap3A_41], %add3A_38 {strides = array<i32>} : memref<8x128xi32, #tpu.memory_space<vmem>>, vector<16xi32>,
    %get3A_43 = arith.constant 0 : i32
    %get3A_44 = arith.constant 0 : i32
    %get3A_45 = arith.index_cast %get3A_43 : i32 to index
    %get3A_46 = arith.index_cast %get3A_44 : i32 to index
    %get3A_47 = arith.constant 64 : index
    %get3A_48 = tpu.vector_load %arg5[%get3A_45, %get3A_46, %get3A_47] {strides = array<i32>} : memref<25x8x128xi32, #tpu.memory_space<vmem>>, vector<16xi32>,
    %add3A_49 = arith.addi %get3A_48, %get3A_48 : vector<16xi32>
    %swap3A_50 = arith.constant 0 : i32
    %swap3A_51 = arith.index_cast %swap3A_50 : i32 to index
    %swap3A_52 = arith.constant 64 : index
    %swap3A_53 = tpu.vector_load %arg6[%swap3A_51, %swap3A_52] {strides = array<i32>} : memref<8x128xi32, #tpu.memory_space<vmem>>, vector<16xi32>,
    tpu.vector_store %arg6[%swap3A_51, %swap3A_52], %add3A_49 {strides = array<i32>} : memref<8x128xi32, #tpu.memory_space<vmem>>, vector<16xi32>,
    %get3A_54 = arith.constant 0 : i32
    %get3A_55 = arith.constant 0 : i32
    %get3A_56 = arith.index_cast %get3A_54 : i32 to index
    %get3A_57 = arith.index_cast %get3A_55 : i32 to index
    %get3A_58 = arith.constant 80 : index
    %get3A_59 = tpu.vector_load %arg5[%get3A_56, %get3A_57, %get3A_58] {strides = array<i32>} : memref<25x8x128xi32, #tpu.memory_space<vmem>>, vector<16xi32>,
    %add3A_60 = arith.addi %get3A_59, %get3A_59 : vector<16xi32>
    %swap3A_61 = arith.constant 0 : i32
    %swap3A_62 = arith.index_cast %swap3A_61 : i32 to index
    %swap3A_63 = arith.constant 80 : index
    %swap3A_64 = tpu.vector_load %arg6[%swap3A_62, %swap3A_63] {strides = array<i32>} : memref<8x128xi32, #tpu.memory_space<vmem>>, vector<16xi32>,
    tpu.vector_store %arg6[%swap3A_62, %swap3A_63], %add3A_60 {strides = array<i32>} : memref<8x128xi32, #tpu.memory_space<vmem>>, vector<16xi32>,
    %get3A_65 = arith.constant 0 : i32
    %get3A_66 = arith.constant 0 : i32
    %get3A_67 = arith.index_cast %get3A_65 : i32 to index
    %get3A_68 = arith.index_cast %get3A_66 : i32 to index
    %get3A_69 = arith.constant 96 : index
    %get3A_70 = tpu.vector_load %arg5[%get3A_67, %get3A_68, %get3A_69] {strides = array<i32>} : memref<25x8x128xi32, #tpu.memory_space<vmem>>, vector<16xi32>,
    %add3A_71 = arith.addi %get3A_70, %get3A_70 : vector<16xi32>
    %swap3A_72 = arith.constant 0 : i32
    %swap3A_73 = arith.index_cast %swap3A_72 : i32 to index
    %swap3A_74 = arith.constant 96 : index
    %swap3A_75 = tpu.vector_load %arg6[%swap3A_73, %swap3A_74] {strides = array<i32>} : memref<8x128xi32, #tpu.memory_space<vmem>>, vector<16xi32>,
    tpu.vector_store %arg6[%swap3A_73, %swap3A_74], %add3A_71 {strides = array<i32>} : memref<8x128xi32, #tpu.memory_space<vmem>>, vector<16xi32>,
    %get3A_76 = arith.constant 0 : i32
    %get3A_77 = arith.constant 0 : i32
    %get3A_78 = arith.index_cast %get3A_76 : i32 to index
    %get3A_79 = arith.index_cast %get3A_77 : i32 to index
    %get3A_80 = arith.constant 112 : index
    %get3A_81 = tpu.vector_load %arg5[%get3A_78, %get3A_79, %get3A_80] {strides = array<i32>} : memref<25x8x128xi32, #tpu.memory_space<vmem>>, vector<16xi32>,
    %add3A_82 = arith.addi %get3A_81, %get3A_81 : vector<16xi32>
    %swap3A_83 = arith.constant 0 : i32
    %swap3A_84 = arith.index_cast %swap3A_83 : i32 to index
    %swap3A_85 = arith.constant 112 : index
    %swap3A_86 = tpu.vector_load %arg6[%swap3A_84, %swap3A_85] {strides = array<i32>} : memref<8x128xi32, #tpu.memory_space<vmem>>, vector<16xi32>,
    tpu.vector_store %arg6[%swap3A_84, %swap3A_85], %add3A_82 {strides = array<i32>} : memref<8x128xi32, #tpu.memory_space<vmem>>, vector<16xi32>,
    %dma_start3A = arith.constant 0 : i32
    %dma_start3A_87 = arith.constant 0 : i32
    %dma_start3A_88 = arith.constant 0 : i32
    %dma_start3A_89 = arith.constant 0 : i32
    %dma_start3A_90 = tpu.memref_slice %arg7[%dma_start3A_87, %dma_start3A_88, %dma_start3A_89] : memref<8x128x64xf32, #tpu.memory_space<vmem>> -> memref<1x128x64xf32, #tpu.memory_space<vmem>>
    %dma_start3A_91 = tpu.memref_squeeze %dma_start3A_90 : memref<1x128x64xf32, #tpu.memory_space<vmem>> -> memref<128x64xf32, #tpu.memory_space<vmem>>
    %dma_start3A_92 = arith.constant 0 : i32
    %dma_start3A_93 = tpu.memref_slice %arg6[%dma_start3A, %dma_start3A_92] : memref<8x128xi32, #tpu.memory_space<vmem>> -> memref<1x128xi32, #tpu.memory_space<vmem>>
    %dma_start3A_94 = tpu.memref_squeeze %dma_start3A_93 : memref<1x128xi32, #tpu.memory_space<vmem>> -> memref<128xi32, #tpu.memory_space<vmem>>
    %dma_start3A_95 = arith.constant 0 : i32
    %dma_start3A_96 = arith.constant 0 : i32
    %dma_start3A_97 = tpu.memref_slice %arg3[%dma_start3A_95, %dma_start3A_96] : memref<2000000x64xf32, #tpu.memory_space<hbm>> -> memref<2000000x64xf32, #tpu.memory_space<hbm>>
    tpu.enqueue_indirect_dma source(%dma_start3A_97 : memref<2000000x64xf32, #tpu.memory_space<hbm>>) target(%dma_start3A_91 : memref<128x64xf32, #tpu.memory_space<vmem>>) offsets(%dma_start3A_94 : memref<128xi32, #tpu.memory_space<vmem>>) semaphore(%arg8 : memref<!tpu.dma_semaphore, #tpu.memory_space<semaphore_mem>>)
    %get3A_98 = arith.constant 0 : i32
    %get3A_99 = arith.constant 1 : i32
    %get3A_100 = arith.index_cast %get3A_98 : i32 to index
    %get3A_101 = arith.index_cast %get3A_99 : i32 to index
    %get3A_102 = arith.constant 0 : index
    %get3A_103 = tpu.vector_load %arg5[%get3A_100, %get3A_101, %get3A_102] {strides = array<i32>} : memref<25x8x128xi32, #tpu.memory_space<vmem>>, vector<16xi32>,
    %add3A_104 = arith.addi %get3A_103, %get3A_103 : vector<16xi32>
    %swap3A_105 = arith.constant 1 : i32
    %swap3A_106 = arith.index_cast %swap3A_105 : i32 to index
    %swap3A_107 = arith.constant 0 : index
    %swap3A_108 = tpu.vector_load %arg6[%swap3A_106, %swap3A_107] {strides = array<i32>} : memref<8x128xi32, #tpu.memory_space<vmem>>, vector<16xi32>,
    tpu.vector_store %arg6[%swap3A_106, %swap3A_107], %add3A_104 {strides = array<i32>} : memref<8x128xi32, #tpu.memory_space<vmem>>, vector<16xi32>,
    %get3A_109 = arith.constant 0 : i32
    %get3A_110 = arith.constant 1 : i32
    %get3A_111 = arith.index_cast %get3A_109 : i32 to index
    %get3A_112 = arith.index_cast %get3A_110 : i32 to index
    %get3A_113 = arith.constant 16 : index
    %get3A_114 = tpu.vector_load %arg5[%get3A_111, %get3A_112, %get3A_113] {strides = array<i32>} : memref<25x8x128xi32, #tpu.memory_space<vmem>>, vector<16xi32>,
    %add3A_115 = arith.addi %get3A_114, %get3A_114 : vector<16xi32>
    %swap3A_116 = arith.constant 1 : i32
    %swap3A_117 = arith.index_cast %swap3A_116 : i32 to index
    %swap3A_118 = arith.constant 16 : index
    %swap3A_119 = tpu.vector_load %arg6[%swap3A_117, %swap3A_118] {strides = array<i32>} : memref<8x128xi32, #tpu.memory_space<vmem>>, vector<16xi32>,
    tpu.vector_store %arg6[%swap3A_117, %swap3A_118], %add3A_115 {strides = array<i32>} : memref<8x128xi32, #tpu.memory_space<vmem>>, vector<16xi32>,
    %get3A_120 = arith.constant 0 : i32
    %get3A_121 = arith.constant 1 : i32
    %get3A_122 = arith.index_cast %get3A_120 : i32 to index
    %get3A_123 = arith.index_cast %get3A_121 : i32 to index
    %get3A_124 = arith.constant 32 : index
    %get3A_125 = tpu.vector_load %arg5[%get3A_122, %get3A_123, %get3A_124] {strides = array<i32>} : memref<25x8x128xi32, #tpu.memory_space<vmem>>, vector<16xi32>,
    %add3A_126 = arith.addi %get3A_125, %get3A_125 : vector<16xi32>
    %swap3A_127 = arith.constant 1 : i32
    %swap3A_128 = arith.index_cast %swap3A_127 : i32 to index
    %swap3A_129 = arith.constant 32 : index
    %swap3A_130 = tpu.vector_load %arg6[%swap3A_128, %swap3A_129] {strides = array<i32>} : memref<8x128xi32, #tpu.memory_space<vmem>>, vector<16xi32>,
    tpu.vector_store %arg6[%swap3A_128, %swap3A_129], %add3A_126 {strides = array<i32>} : memref<8x128xi32, #tpu.memory_space<vmem>>, vector<16xi32>,
    %get3A_131 = arith.constant 0 : i32
    %get3A_132 = arith.constant 1 : i32
    %get3A_133 = arith.index_cast %get3A_131 : i32 to index
    %get3A_134 = arith.index_cast %get3A_132 : i32 to index
    %get3A_135 = arith.constant 48 : index
    %get3A_136 = tpu.vector_load %arg5[%get3A_133, %get3A_134, %get3A_135] {strides = array<i32>} : memref<25x8x128xi32, #tpu.memory_space<vmem>>, vector<16xi32>,
    %add3A_137 = arith.addi %get3A_136, %get3A_136 : vector<16xi32>
    %swap3A_138 = arith.constant 1 : i32
    %swap3A_139 = arith.index_cast %swap3A_138 : i32 to index
    %swap3A_140 = arith.constant 48 : index
    %swap3A_141 = tpu.vector_load %arg6[%swap3A_139, %swap3A_140] {strides = array<i32>} : memref<8x128xi32, #tpu.memory_space<vmem>>, vector<16xi32>,
    tpu.vector_store %arg6[%swap3A_139, %swap3A_140], %add3A_137 {strides = array<i32>} : memref<8x128xi32, #tpu.memory_space<vmem>>, vector<16xi32>,
    %get3A_142 = arith.constant 0 : i32
    %get3A_143 = arith.constant 1 : i32
    %get3A_144 = arith.index_cast %get3A_142 : i32 to index
    %get3A_145 = arith.index_cast %get3A_143 : i32 to index
    %get3A_146 = arith.constant 64 : index
    %get3A_147 = tpu.vector_load %arg5[%get3A_144, %get3A_145, %get3A_146] {strides = array<i32>} : memref<25x8x128xi32, #tpu.memory_space<vmem>>, vector<16xi32>,
    %add3A_148 = arith.addi %get3A_147, %get3A_147 : vector<16xi32>
    %swap3A_149 = arith.constant 1 : i32
    %swap3A_150 = arith.index_cast %swap3A_149 : i32 to index
    %swap3A_151 = arith.constant 64 : index
    %swap3A_152 = tpu.vector_load %arg6[%swap3A_150, %swap3A_151] {strides = array<i32>} : memref<8x128xi32, #tpu.memory_space<vmem>>, vector<16xi32>,
    tpu.vector_store %arg6[%swap3A_150, %swap3A_151], %add3A_148 {strides = array<i32>} : memref<8x128xi32, #tpu.memory_space<vmem>>, vector<16xi32>,
    %get3A_153 = arith.constant 0 : i32
    %get3A_154 = arith.constant 1 : i32
    %get3A_155 = arith.index_cast %get3A_153 : i32 to index
    %get3A_156 = arith.index_cast %get3A_154 : i32 to index
    %get3A_157 = arith.constant 80 : index
    %get3A_158 = tpu.vector_load %arg5[%get3A_155, %get3A_156, %get3A_157] {strides = array<i32>} : memref<25x8x128xi32, #tpu.memory_space<vmem>>, vector<16xi32>,
    %add3A_159 = arith.addi %get3A_158, %get3A_158 : vector<16xi32>
    %swap3A_160 = arith.constant 1 : i32
    %swap3A_161 = arith.index_cast %swap3A_160 : i32 to index
    %swap3A_162 = arith.constant 80 : index
    %swap3A_163 = tpu.vector_load %arg6[%swap3A_161, %swap3A_162] {strides = array<i32>} : memref<8x128xi32, #tpu.memory_space<vmem>>, vector<16xi32>,
    tpu.vector_store %arg6[%swap3A_161, %swap3A_162], %add3A_159 {strides = array<i32>} : memref<8x128xi32, #tpu.memory_space<vmem>>, vector<16xi32>,
    %get3A_164 = arith.constant 0 : i32
    %get3A_165 = arith.constant 1 : i32
    %get3A_166 = arith.index_cast %get3A_164 : i32 to index
    %get3A_167 = arith.index_cast %get3A_165 : i32 to index
    %get3A_168 = arith.constant 96 : index
    %get3A_169 = tpu.vector_load %arg5[%get3A_166, %get3A_167, %get3A_168] {strides = array<i32>} : memref<25x8x128xi32, #tpu.memory_space<vmem>>, vector<16xi32>,
    %add3A_170 = arith.addi %get3A_169, %get3A_169 : vector<16xi32>
    %swap3A_171 = arith.constant 1 : i32
    %swap3A_172 = arith.index_cast %swap3A_171 : i32 to index
    %swap3A_173 = arith.constant 96 : index
    %swap3A_174 = tpu.vector_load %arg6[%swap3A_172, %swap3A_173] {strides = array<i32>} : memref<8x128xi32, #tpu.memory_space<vmem>>, vector<16xi32>,
    tpu.vector_store %arg6[%swap3A_172, %swap3A_173], %add3A_170 {strides = array<i32>} : memref<8x128xi32, #tpu.memory_space<vmem>>, vector<16xi32>,
    %get3A_175 = arith.constant 0 : i32
    %get3A_176 = arith.constant 1 : i32
    %get3A_177 = arith.index_cast %get3A_175 : i32 to index
    %get3A_178 = arith.index_cast %get3A_176 : i32 to index
    %get3A_179 = arith.constant 112 : index
    %get3A_180 = tpu.vector_load %arg5[%get3A_177, %get3A_178, %get3A_179] {strides = array<i32>} : memref<25x8x128xi32, #tpu.memory_space<vmem>>, vector<16xi32>,
    %add3A_181 = arith.addi %get3A_180, %get3A_180 : vector<16xi32>
    %swap3A_182 = arith.constant 1 : i32
    %swap3A_183 = arith.index_cast %swap3A_182 : i32 to index
    %swap3A_184 = arith.constant 112 : index
    %swap3A_185 = tpu.vector_load %arg6[%swap3A_183, %swap3A_184] {strides = array<i32>} : memref<8x128xi32, #tpu.memory_space<vmem>>, vector<16xi32>,
    tpu.vector_store %arg6[%swap3A_183, %swap3A_184], %add3A_181 {strides = array<i32>} : memref<8x128xi32, #tpu.memory_space<vmem>>, vector<16xi32>,
    %dma_start3A_186 = arith.constant 1 : i32
    %dma_start3A_187 = arith.constant 1 : i32
    %dma_start3A_188 = arith.constant 0 : i32
    %dma_start3A_189 = arith.constant 0 : i32
    %dma_start3A_190 = tpu.memref_slice %arg7[%dma_start3A_187, %dma_start3A_188, %dma_start3A_189] : memref<8x128x64xf32, #tpu.memory_space<vmem>> -> memref<1x128x64xf32, #tpu.memory_space<vmem>>
    %dma_start3A_191 = tpu.memref_squeeze %dma_start3A_190 : memref<1x128x64xf32, #tpu.memory_space<vmem>> -> memref<128x64xf32, #tpu.memory_space<vmem>>
    %dma_start3A_192 = arith.constant 0 : i32
    %dma_start3A_193 = tpu.memref_slice %arg6[%dma_start3A_186, %dma_start3A_192] : memref<8x128xi32, #tpu.memory_space<vmem>> -> memref<1x128xi32, #tpu.memory_space<vmem>>
    %dma_start3A_194 = tpu.memref_squeeze %dma_start3A_193 : memref<1x128xi32, #tpu.memory_space<vmem>> -> memref<128xi32, #tpu.memory_space<vmem>>
    %dma_start3A_195 = arith.constant 0 : i32
    %dma_start3A_196 = arith.constant 0 : i32
    %dma_start3A_197 = tpu.memref_slice %arg3[%dma_start3A_195, %dma_start3A_196] : memref<2000000x64xf32, #tpu.memory_space<hbm>> -> memref<2000000x64xf32, #tpu.memory_space<hbm>>
    tpu.enqueue_indirect_dma source(%dma_start3A_197 : memref<2000000x64xf32, #tpu.memory_space<hbm>>) target(%dma_start3A_191 : memref<128x64xf32, #tpu.memory_space<vmem>>) offsets(%dma_start3A_194 : memref<128xi32, #tpu.memory_space<vmem>>) semaphore(%arg9 : memref<!tpu.dma_semaphore, #tpu.memory_space<semaphore_mem>>)
    %get3A_198 = arith.constant 0 : i32
    %get3A_199 = arith.constant 2 : i32
    %get3A_200 = arith.index_cast %get3A_198 : i32 to index
    %get3A_201 = arith.index_cast %get3A_199 : i32 to index
    %get3A_202 = arith.constant 0 : index
    %get3A_203 = tpu.vector_load %arg5[%get3A_200, %get3A_201, %get3A_202] {strides = array<i32>} : memref<25x8x128xi32, #tpu.memory_space<vmem>>, vector<16xi32>,
    %add3A_204 = arith.addi %get3A_203, %get3A_203 : vector<16xi32>
    %swap3A_205 = arith.constant 2 : i32
    %swap3A_206 = arith.index_cast %swap3A_205 : i32 to index
    %swap3A_207 = arith.constant 0 : index
    %swap3A_208 = tpu.vector_load %arg6[%swap3A_206, %swap3A_207] {strides = array<i32>} : memref<8x128xi32, #tpu.memory_space<vmem>>, vector<16xi32>,
    tpu.vector_store %arg6[%swap3A_206, %swap3A_207], %add3A_204 {strides = array<i32>} : memref<8x128xi32, #tpu.memory_space<vmem>>, vector<16xi32>,
    %get3A_209 = arith.constant 0 : i32
    %get3A_210 = arith.constant 2 : i32
    %get3A_211 = arith.index_cast %get3A_209 : i32 to index
    %get3A_212 = arith.index_cast %get3A_210 : i32 to index
    %get3A_213 = arith.constant 16 : index
    %get3A_214 = tpu.vector_load %arg5[%get3A_211, %get3A_212, %get3A_213] {strides = array<i32>} : memref<25x8x128xi32, #tpu.memory_space<vmem>>, vector<16xi32>,
    %add3A_215 = arith.addi %get3A_214, %get3A_214 : vector<16xi32>
    %swap3A_216 = arith.constant 2 : i32
    %swap3A_217 = arith.index_cast %swap3A_216 : i32 to index
    %swap3A_218 = arith.constant 16 : index
    %swap3A_219 = tpu.vector_load %arg6[%swap3A_217, %swap3A_218] {strides = array<i32>} : memref<8x128xi32, #tpu.memory_space<vmem>>, vector<16xi32>,
    tpu.vector_store %arg6[%swap3A_217, %swap3A_218], %add3A_215 {strides = array<i32>} : memref<8x128xi32, #tpu.memory_space<vmem>>, vector<16xi32>,
    %get3A_220 = arith.constant 0 : i32
    %get3A_221 = arith.constant 2 : i32
    %get3A_222 = arith.index_cast %get3A_220 : i32 to index
    %get3A_223 = arith.index_cast %get3A_221 : i32 to index
    %get3A_224 = arith.constant 32 : index
    %get3A_225 = tpu.vector_load %arg5[%get3A_222, %get3A_223, %get3A_224] {strides = array<i32>} : memref<25x8x128xi32, #tpu.memory_space<vmem>>, vector<16xi32>,
    %add3A_226 = arith.addi %get3A_225, %get3A_225 : vector<16xi32>
    %swap3A_227 = arith.constant 2 : i32
    %swap3A_228 = arith.index_cast %swap3A_227 : i32 to index
    %swap3A_229 = arith.constant 32 : index
    %swap3A_230 = tpu.vector_load %arg6[%swap3A_228, %swap3A_229] {strides = array<i32>} : memref<8x128xi32, #tpu.memory_space<vmem>>, vector<16xi32>,
    tpu.vector_store %arg6[%swap3A_228, %swap3A_229], %add3A_226 {strides = array<i32>} : memref<8x128xi32, #tpu.memory_space<vmem>>, vector<16xi32>,
    %get3A_231 = arith.constant 0 : i32
    %get3A_232 = arith.constant 2 : i32
    %get3A_233 = arith.index_cast %get3A_231 : i32 to index
    %get3A_234 = arith.index_cast %get3A_232 : i32 to index
    %get3A_235 = arith.constant 48 : index
    %get3A_236 = tpu.vector_load %arg5[%get3A_233, %get3A_234, %get3A_235] {strides = array<i32>} : memref<25x8x128xi32, #tpu.memory_space<vmem>>, vector<16xi32>,
    %add3A_237 = arith.addi %get3A_236, %get3A_236 : vector<16xi32>
    %swap3A_238 = arith.constant 2 : i32
    %swap3A_239 = arith.index_cast %swap3A_238 : i32 to index
    %swap3A_240 = arith.constant 48 : index
    %swap3A_241 = tpu.vector_load %arg6[%swap3A_239, %swap3A_240] {strides = array<i32>} : memref<8x128xi32, #tpu.memory_space<vmem>>, vector<16xi32>,
    tpu.vector_store %arg6[%swap3A_239, %swap3A_240], %add3A_237 {strides = array<i32>} : memref<8x128xi32, #tpu.memory_space<vmem>>, vector<16xi32>,
    %get3A_242 = arith.constant 0 : i32
    %get3A_243 = arith.constant 2 : i32
    %get3A_244 = arith.index_cast %get3A_242 : i32 to index
    %get3A_245 = arith.index_cast %get3A_243 : i32 to index
    %get3A_246 = arith.constant 64 : index
    %get3A_247 = tpu.vector_load %arg5[%get3A_244, %get3A_245, %get3A_246] {strides = array<i32>} : memref<25x8x128xi32, #tpu.memory_space<vmem>>, vector<16xi32>,
    %add3A_248 = arith.addi %get3A_247, %get3A_247 : vector<16xi32>
    %swap3A_249 = arith.constant 2 : i32
    %swap3A_250 = arith.index_cast %swap3A_249 : i32 to index
    %swap3A_251 = arith.constant 64 : index
    %swap3A_252 = tpu.vector_load %arg6[%swap3A_250, %swap3A_251] {strides = array<i32>} : memref<8x128xi32, #tpu.memory_space<vmem>>, vector<16xi32>,
    tpu.vector_store %arg6[%swap3A_250, %swap3A_251], %add3A_248 {strides = array<i32>} : memref<8x128xi32, #tpu.memory_space<vmem>>, vector<16xi32>,
    %get3A_253 = arith.constant 0 : i32
    %get3A_254 = arith.constant 2 : i32
    %get3A_255 = arith.index_cast %get3A_253 : i32 to index
    %get3A_256 = arith.index_cast %get3A_254 : i32 to index
    %get3A_257 = arith.constant 80 : index
    %get3A_258 = tpu.vector_load %arg5[%get3A_255, %get3A_256, %get3A_257] {strides = array<i32>} : memref<25x8x128xi32, #tpu.memory_space<vmem>>, vector<16xi32>,
    %add3A_259 = arith.addi %get3A_258, %get3A_258 : vector<16xi32>
    %swap3A_260 = arith.constant 2 : i32
    %swap3A_261 = arith.index_cast %swap3A_260 : i32 to index
    %swap3A_262 = arith.constant 80 : index
    %swap3A_263 = tpu.vector_load %arg6[%swap3A_261, %swap3A_262] {strides = array<i32>} : memref<8x128xi32, #tpu.memory_space<vmem>>, vector<16xi32>,
    tpu.vector_store %arg6[%swap3A_261, %swap3A_262], %add3A_259 {strides = array<i32>} : memref<8x128xi32, #tpu.memory_space<vmem>>, vector<16xi32>,
    %get3A_264 = arith.constant 0 : i32
    %get3A_265 = arith.constant 2 : i32
    %get3A_266 = arith.index_cast %get3A_264 : i32 to index
    %get3A_267 = arith.index_cast %get3A_265 : i32 to index
    %get3A_268 = arith.constant 96 : index
    %get3A_269 = tpu.vector_load %arg5[%get3A_266, %get3A_267, %get3A_268] {strides = array<i32>} : memref<25x8x128xi32, #tpu.memory_space<vmem>>, vector<16xi32>,
    %add3A_270 = arith.addi %get3A_269, %get3A_269 : vector<16xi32>
    %swap3A_271 = arith.constant 2 : i32
    %swap3A_272 = arith.index_cast %swap3A_271 : i32 to index
    %swap3A_273 = arith.constant 96 : index
    %swap3A_274 = tpu.vector_load %arg6[%swap3A_272, %swap3A_273] {strides = array<i32>} : memref<8x128xi32, #tpu.memory_space<vmem>>, vector<16xi32>,
    tpu.vector_store %arg6[%swap3A_272, %swap3A_273], %add3A_270 {strides = array<i32>} : memref<8x128xi32, #tpu.memory_space<vmem>>, vector<16xi32>,
    %get3A_275 = arith.constant 0 : i32
    %get3A_276 = arith.constant 2 : i32
    %get3A_277 = arith.index_cast %get3A_275 : i32 to index
    %get3A_278 = arith.index_cast %get3A_276 : i32 to index
    %get3A_279 = arith.constant 112 : index
    %get3A_280 = tpu.vector_load %arg5[%get3A_277, %get3A_278, %get3A_279] {strides = array<i32>} : memref<25x8x128xi32, #tpu.memory_space<vmem>>, vector<16xi32>,
    %add3A_281 = arith.addi %get3A_280, %get3A_280 : vector<16xi32>
    %swap3A_282 = arith.constant 2 : i32
    %swap3A_283 = arith.index_cast %swap3A_282 : i32 to index
    %swap3A_284 = arith.constant 112 : index
    %swap3A_285 = tpu.vector_load %arg6[%swap3A_283, %swap3A_284] {strides = array<i32>} : memref<8x128xi32, #tpu.memory_space<vmem>>, vector<16xi32>,
    tpu.vector_store %arg6[%swap3A_283, %swap3A_284], %add3A_281 {strides = array<i32>} : memref<8x128xi32, #tpu.memory_space<vmem>>, vector<16xi32>,
    %dma_start3A_286 = arith.constant 2 : i32
    %dma_start3A_287 = arith.constant 2 : i32
    %dma_start3A_288 = arith.constant 0 : i32
    %dma_start3A_289 = arith.constant 0 : i32
    %dma_start3A_290 = tpu.memref_slice %arg7[%dma_start3A_287, %dma_start3A_288, %dma_start3A_289] : memref<8x128x64xf32, #tpu.memory_space<vmem>> -> memref<1x128x64xf32, #tpu.memory_space<vmem>>
    %dma_start3A_291 = tpu.memref_squeeze %dma_start3A_290 : memref<1x128x64xf32, #tpu.memory_space<vmem>> -> memref<128x64xf32, #tpu.memory_space<vmem>>
    %dma_start3A_292 = arith.constant 0 : i32
    %dma_start3A_293 = tpu.memref_slice %arg6[%dma_start3A_286, %dma_start3A_292] : memref<8x128xi32, #tpu.memory_space<vmem>> -> memref<1x128xi32, #tpu.memory_space<vmem>>
    %dma_start3A_294 = tpu.memref_squeeze %dma_start3A_293 : memref<1x128xi32, #tpu.memory_space<vmem>> -> memref<128xi32, #tpu.memory_space<vmem>>
    %dma_start3A_295 = arith.constant 0 : i32
    %dma_start3A_296 = arith.constant 0 : i32
    %dma_start3A_297 = tpu.memref_slice %arg3[%dma_start3A_295, %dma_start3A_296] : memref<2000000x64xf32, #tpu.memory_space<hbm>> -> memref<2000000x64xf32, #tpu.memory_space<hbm>>
    tpu.enqueue_indirect_dma source(%dma_start3A_297 : memref<2000000x64xf32, #tpu.memory_space<hbm>>) target(%dma_start3A_291 : memref<128x64xf32, #tpu.memory_space<vmem>>) offsets(%dma_start3A_294 : memref<128xi32, #tpu.memory_space<vmem>>) semaphore(%arg10 : memref<!tpu.dma_semaphore, #tpu.memory_space<semaphore_mem>>)
    %get3A_298 = arith.constant 0 : i32
    %get3A_299 = arith.constant 3 : i32
    %get3A_300 = arith.index_cast %get3A_298 : i32 to index
    %get3A_301 = arith.index_cast %get3A_299 : i32 to index
    %get3A_302 = arith.constant 0 : index
    %get3A_303 = tpu.vector_load %arg5[%get3A_300, %get3A_301, %get3A_302] {strides = array<i32>} : memref<25x8x128xi32, #tpu.memory_space<vmem>>, vector<16xi32>,
    %add3A_304 = arith.addi %get3A_303, %get3A_303 : vector<16xi32>
    %swap3A_305 = arith.constant 3 : i32
    %swap3A_306 = arith.index_cast %swap3A_305 : i32 to index
    %swap3A_307 = arith.constant 0 : index
    %swap3A_308 = tpu.vector_load %arg6[%swap3A_306, %swap3A_307] {strides = array<i32>} : memref<8x128xi32, #tpu.memory_space<vmem>>, vector<16xi32>,
    tpu.vector_store %arg6[%swap3A_306, %swap3A_307], %add3A_304 {strides = array<i32>} : memref<8x128xi32, #tpu.memory_space<vmem>>, vector<16xi32>,
    %get3A_309 = arith.constant 0 : i32
    %get3A_310 = arith.constant 3 : i32
    %get3A_311 = arith.index_cast %get3A_309 : i32 to index
    %get3A_312 = arith.index_cast %get3A_310 : i32 to index
    %get3A_313 = arith.constant 16 : index
    %get3A_314 = tpu.vector_load %arg5[%get3A_311, %get3A_312, %get3A_313] {strides = array<i32>} : memref<25x8x128xi32, #tpu.memory_space<vmem>>, vector<16xi32>,
    %add3A_315 = arith.addi %get3A_314, %get3A_314 : vector<16xi32>
    %swap3A_316 = arith.constant 3 : i32
    %swap3A_317 = arith.index_cast %swap3A_316 : i32 to index
    %swap3A_318 = arith.constant 16 : index
    %swap3A_319 = tpu.vector_load %arg6[%swap3A_317, %swap3A_318] {strides = array<i32>} : memref<8x128xi32, #tpu.memory_space<vmem>>, vector<16xi32>,
    tpu.vector_store %arg6[%swap3A_317, %swap3A_318], %add3A_315 {strides = array<i32>} : memref<8x128xi32, #tpu.memory_space<vmem>>, vector<16xi32>,
    %get3A_320 = arith.constant 0 : i32
    %get3A_321 = arith.constant 3 : i32
    %get3A_322 = arith.index_cast %get3A_320 : i32 to index
    %get3A_323 = arith.index_cast %get3A_321 : i32 to index
    %get3A_324 = arith.constant 32 : index
    %get3A_325 = tpu.vector_load %arg5[%get3A_322, %get3A_323, %get3A_324] {strides = array<i32>} : memref<25x8x128xi32, #tpu.memory_space<vmem>>, vector<16xi32>,
    %add3A_326 = arith.addi %get3A_325, %get3A_325 : vector<16xi32>
    %swap3A_327 = arith.constant 3 : i32
    %swap3A_328 = arith.index_cast %swap3A_327 : i32 to index
    %swap3A_329 = arith.constant 32 : index
    %swap3A_330 = tpu.vector_load %arg6[%swap3A_328, %swap3A_329] {strides = array<i32>} : memref<8x128xi32, #tpu.memory_space<vmem>>, vector<16xi32>,
    tpu.vector_store %arg6[%swap3A_328, %swap3A_329], %add3A_326 {strides = array<i32>} : memref<8x128xi32, #tpu.memory_space<vmem>>, vector<16xi32>,
    %get3A_331 = arith.constant 0 : i32
    %get3A_332 = arith.constant 3 : i32
    %get3A_333 = arith.index_cast %get3A_331 : i32 to index
    %get3A_334 = arith.index_cast %get3A_332 : i32 to index
    %get3A_335 = arith.constant 48 : index
    %get3A_336 = tpu.vector_load %arg5[%get3A_333, %get3A_334, %get3A_335] {strides = array<i32>} : memref<25x8x128xi32, #tpu.memory_space<vmem>>, vector<16xi32>,
    %add3A_337 = arith.addi %get3A_336, %get3A_336 : vector<16xi32>
    %swap3A_338 = arith.constant 3 : i32
    %swap3A_339 = arith.index_cast %swap3A_338 : i32 to index
    %swap3A_340 = arith.constant 48 : index
    %swap3A_341 = tpu.vector_load %arg6[%swap3A_339, %swap3A_340] {strides = array<i32>} : memref<8x128xi32, #tpu.memory_space<vmem>>, vector<16xi32>,
    tpu.vector_store %arg6[%swap3A_339, %swap3A_340], %add3A_337 {strides = array<i32>} : memref<8x128xi32, #tpu.memory_space<vmem>>, vector<16xi32>,
    %get3A_342 = arith.constant 0 : i32
    %get3A_343 = arith.constant 3 : i32
    %get3A_344 = arith.index_cast %get3A_342 : i32 to index
    %get3A_345 = arith.index_cast %get3A_343 : i32 to index
    %get3A_346 = arith.constant 64 : index
    %get3A_347 = tpu.vector_load %arg5[%get3A_344, %get3A_345, %get3A_346] {strides = array<i32>} : memref<25x8x128xi32, #tpu.memory_space<vmem>>, vector<16xi32>,
    %add3A_348 = arith.addi %get3A_347, %get3A_347 : vector<16xi32>
    %swap3A_349 = arith.constant 3 : i32
    %swap3A_350 = arith.index_cast %swap3A_349 : i32 to index
    %swap3A_351 = arith.constant 64 : index
    %swap3A_352 = tpu.vector_load %arg6[%swap3A_350, %swap3A_351] {strides = array<i32>} : memref<8x128xi32, #tpu.memory_space<vmem>>, vector<16xi32>,
    tpu.vector_store %arg6[%swap3A_350, %swap3A_351], %add3A_348 {strides = array<i32>} : memref<8x128xi32, #tpu.memory_space<vmem>>, vector<16xi32>,
    %get3A_353 = arith.constant 0 : i32
    %get3A_354 = arith.constant 3 : i32
    %get3A_355 = arith.index_cast %get3A_353 : i32 to index
    %get3A_356 = arith.index_cast %get3A_354 : i32 to index
    %get3A_357 = arith.constant 80 : index
    %get3A_358 = tpu.vector_load %arg5[%get3A_355, %get3A_356, %get3A_357] {strides = array<i32>} : memref<25x8x128xi32, #tpu.memory_space<vmem>>, vector<16xi32>,
    %add3A_359 = arith.addi %get3A_358, %get3A_358 : vector<16xi32>
    %swap3A_360 = arith.constant 3 : i32
    %swap3A_361 = arith.index_cast %swap3A_360 : i32 to index
    %swap3A_362 = arith.constant 80 : index
    %swap3A_363 = tpu.vector_load %arg6[%swap3A_361, %swap3A_362] {strides = array<i32>} : memref<8x128xi32, #tpu.memory_space<vmem>>, vector<16xi32>,
    tpu.vector_store %arg6[%swap3A_361, %swap3A_362], %add3A_359 {strides = array<i32>} : memref<8x128xi32, #tpu.memory_space<vmem>>, vector<16xi32>,
    %get3A_364 = arith.constant 0 : i32
    %get3A_365 = arith.constant 3 : i32
    %get3A_366 = arith.index_cast %get3A_364 : i32 to index
    %get3A_367 = arith.index_cast %get3A_365 : i32 to index
    %get3A_368 = arith.constant 96 : index
    %get3A_369 = tpu.vector_load %arg5[%get3A_366, %get3A_367, %get3A_368] {strides = array<i32>} : memref<25x8x128xi32, #tpu.memory_space<vmem>>, vector<16xi32>,
    %add3A_370 = arith.addi %get3A_369, %get3A_369 : vector<16xi32>
    %swap3A_371 = arith.constant 3 : i32
    %swap3A_372 = arith.index_cast %swap3A_371 : i32 to index
    %swap3A_373 = arith.constant 96 : index
    %swap3A_374 = tpu.vector_load %arg6[%swap3A_372, %swap3A_373] {strides = array<i32>} : memref<8x128xi32, #tpu.memory_space<vmem>>, vector<16xi32>,
    tpu.vector_store %arg6[%swap3A_372, %swap3A_373], %add3A_370 {strides = array<i32>} : memref<8x128xi32, #tpu.memory_space<vmem>>, vector<16xi32>,
    %get3A_375 = arith.constant 0 : i32
    %get3A_376 = arith.constant 3 : i32
    %get3A_377 = arith.index_cast %get3A_375 : i32 to index
    %get3A_378 = arith.index_cast %get3A_376 : i32 to index
    %get3A_379 = arith.constant 112 : index
    %get3A_380 = tpu.vector_load %arg5[%get3A_377, %get3A_378, %get3A_379] {strides = array<i32>} : memref<25x8x128xi32, #tpu.memory_space<vmem>>, vector<16xi32>,
    %add3A_381 = arith.addi %get3A_380, %get3A_380 : vector<16xi32>
    %swap3A_382 = arith.constant 3 : i32
    %swap3A_383 = arith.index_cast %swap3A_382 : i32 to index
    %swap3A_384 = arith.constant 112 : index
    %swap3A_385 = tpu.vector_load %arg6[%swap3A_383, %swap3A_384] {strides = array<i32>} : memref<8x128xi32, #tpu.memory_space<vmem>>, vector<16xi32>,
    tpu.vector_store %arg6[%swap3A_383, %swap3A_384], %add3A_381 {strides = array<i32>} : memref<8x128xi32, #tpu.memory_space<vmem>>, vector<16xi32>,
    %dma_start3A_386 = arith.constant 3 : i32
    %dma_start3A_387 = arith.constant 3 : i32
    %dma_start3A_388 = arith.constant 0 : i32
    %dma_start3A_389 = arith.constant 0 : i32
    %dma_start3A_390 = tpu.memref_slice %arg7[%dma_start3A_387, %dma_start3A_388, %dma_start3A_389] : memref<8x128x64xf32, #tpu.memory_space<vmem>> -> memref<1x128x64xf32, #tpu.memory_space<vmem>>
    %dma_start3A_391 = tpu.memref_squeeze %dma_start3A_390 : memref<1x128x64xf32, #tpu.memory_space<vmem>> -> memref<128x64xf32, #tpu.memory_space<vmem>>
    %dma_start3A_392 = arith.constant 0 : i32
    %dma_start3A_393 = tpu.memref_slice %arg6[%dma_start3A_386, %dma_start3A_392] : memref<8x128xi32, #tpu.memory_space<vmem>> -> memref<1x128xi32, #tpu.memory_space<vmem>>
    %dma_start3A_394 = tpu.memref_squeeze %dma_start3A_393 : memref<1x128xi32, #tpu.memory_space<vmem>> -> memref<128xi32, #tpu.memory_space<vmem>>
    %dma_start3A_395 = arith.constant 0 : i32
    %dma_start3A_396 = arith.constant 0 : i32
    %dma_start3A_397 = tpu.memref_slice %arg3[%dma_start3A_395, %dma_start3A_396] : memref<2000000x64xf32, #tpu.memory_space<hbm>> -> memref<2000000x64xf32, #tpu.memory_space<hbm>>
    tpu.enqueue_indirect_dma source(%dma_start3A_397 : memref<2000000x64xf32, #tpu.memory_space<hbm>>) target(%dma_start3A_391 : memref<128x64xf32, #tpu.memory_space<vmem>>) offsets(%dma_start3A_394 : memref<128xi32, #tpu.memory_space<vmem>>) semaphore(%arg11 : memref<!tpu.dma_semaphore, #tpu.memory_space<semaphore_mem>>)
    %get3A_398 = arith.constant 0 : i32
    %get3A_399 = arith.constant 4 : i32
    %get3A_400 = arith.index_cast %get3A_398 : i32 to index
    %get3A_401 = arith.index_cast %get3A_399 : i32 to index
    %get3A_402 = arith.constant 0 : index
    %get3A_403 = tpu.vector_load %arg5[%get3A_400, %get3A_401, %get3A_402] {strides = array<i32>} : memref<25x8x128xi32, #tpu.memory_space<vmem>>, vector<16xi32>,
    %add3A_404 = arith.addi %get3A_403, %get3A_403 : vector<16xi32>
    %swap3A_405 = arith.constant 4 : i32
    %swap3A_406 = arith.index_cast %swap3A_405 : i32 to index
    %swap3A_407 = arith.constant 0 : index
    %swap3A_408 = tpu.vector_load %arg6[%swap3A_406, %swap3A_407] {strides = array<i32>} : memref<8x128xi32, #tpu.memory_space<vmem>>, vector<16xi32>,
    tpu.vector_store %arg6[%swap3A_406, %swap3A_407], %add3A_404 {strides = array<i32>} : memref<8x128xi32, #tpu.memory_space<vmem>>, vector<16xi32>,
    %get3A_409 = arith.constant 0 : i32
    %get3A_410 = arith.constant 4 : i32
    %get3A_411 = arith.index_cast %get3A_409 : i32 to index
    %get3A_412 = arith.index_cast %get3A_410 : i32 to index
    %get3A_413 = arith.constant 16 : index
    %get3A_414 = tpu.vector_load %arg5[%get3A_411, %get3A_412, %get3A_413] {strides = array<i32>} : memref<25x8x128xi32, #tpu.memory_space<vmem>>, vector<16xi32>,
    %add3A_415 = arith.addi %get3A_414, %get3A_414 : vector<16xi32>
    %swap3A_416 = arith.constant 4 : i32
    %swap3A_417 = arith.index_cast %swap3A_416 : i32 to index
    %swap3A_418 = arith.constant 16 : index
    %swap3A_419 = tpu.vector_load %arg6[%swap3A_417, %swap3A_418] {strides = array<i32>} : memref<8x128xi32, #tpu.memory_space<vmem>>, vector<16xi32>,
    tpu.vector_store %arg6[%swap3A_417, %swap3A_418], %add3A_415 {strides = array<i32>} : memref<8x128xi32, #tpu.memory_space<vmem>>, vector<16xi32>,
    %get3A_420 = arith.constant 0 : i32
    %get3A_421 = arith.constant 4 : i32
    %get3A_422 = arith.index_cast %get3A_420 : i32 to index
    %get3A_423 = arith.index_cast %get3A_421 : i32 to index
    %get3A_424 = arith.constant 32 : index
    %get3A_425 = tpu.vector_load %arg5[%get3A_422, %get3A_423, %get3A_424] {strides = array<i32>} : memref<25x8x128xi32, #tpu.memory_space<vmem>>, vector<16xi32>,
    %add3A_426 = arith.addi %get3A_425, %get3A_425 : vector<16xi32>
    %swap3A_427 = arith.constant 4 : i32
    %swap3A_428 = arith.index_cast %swap3A_427 : i32 to index
    %swap3A_429 = arith.constant 32 : index
    %swap3A_430 = tpu.vector_load %arg6[%swap3A_428, %swap3A_429] {strides = array<i32>} : memref<8x128xi32, #tpu.memory_space<vmem>>, vector<16xi32>,
    tpu.vector_store %arg6[%swap3A_428, %swap3A_429], %add3A_426 {strides = array<i32>} : memref<8x128xi32, #tpu.memory_space<vmem>>, vector<16xi32>,
    %get3A_431 = arith.constant 0 : i32
    %get3A_432 = arith.constant 4 : i32
    %get3A_433 = arith.index_cast %get3A_431 : i32 to index
    %get3A_434 = arith.index_cast %get3A_432 : i32 to index
    %get3A_435 = arith.constant 48 : index
    %get3A_436 = tpu.vector_load %arg5[%get3A_433, %get3A_434, %get3A_435] {strides = array<i32>} : memref<25x8x128xi32, #tpu.memory_space<vmem>>, vector<16xi32>,
    %add3A_437 = arith.addi %get3A_436, %get3A_436 : vector<16xi32>
    %swap3A_438 = arith.constant 4 : i32
    %swap3A_439 = arith.index_cast %swap3A_438 : i32 to index
    %swap3A_440 = arith.constant 48 : index
    %swap3A_441 = tpu.vector_load %arg6[%swap3A_439, %swap3A_440] {strides = array<i32>} : memref<8x128xi32, #tpu.memory_space<vmem>>, vector<16xi32>,
    tpu.vector_store %arg6[%swap3A_439, %swap3A_440], %add3A_437 {strides = array<i32>} : memref<8x128xi32, #tpu.memory_space<vmem>>, vector<16xi32>,
    %get3A_442 = arith.constant 0 : i32
    %get3A_443 = arith.constant 4 : i32
    %get3A_444 = arith.index_cast %get3A_442 : i32 to index
    %get3A_445 = arith.index_cast %get3A_443 : i32 to index
    %get3A_446 = arith.constant 64 : index
    %get3A_447 = tpu.vector_load %arg5[%get3A_444, %get3A_445, %get3A_446] {strides = array<i32>} : memref<25x8x128xi32, #tpu.memory_space<vmem>>, vector<16xi32>,
    %add3A_448 = arith.addi %get3A_447, %get3A_447 : vector<16xi32>
    %swap3A_449 = arith.constant 4 : i32
    %swap3A_450 = arith.index_cast %swap3A_449 : i32 to index
    %swap3A_451 = arith.constant 64 : index
    %swap3A_452 = tpu.vector_load %arg6[%swap3A_450, %swap3A_451] {strides = array<i32>} : memref<8x128xi32, #tpu.memory_space<vmem>>, vector<16xi32>,
    tpu.vector_store %arg6[%swap3A_450, %swap3A_451], %add3A_448 {strides = array<i32>} : memref<8x128xi32, #tpu.memory_space<vmem>>, vector<16xi32>,
    %get3A_453 = arith.constant 0 : i32
    %get3A_454 = arith.constant 4 : i32
    %get3A_455 = arith.index_cast %get3A_453 : i32 to index
    %get3A_456 = arith.index_cast %get3A_454 : i32 to index
    %get3A_457 = arith.constant 80 : index
    %get3A_458 = tpu.vector_load %arg5[%get3A_455, %get3A_456, %get3A_457] {strides = array<i32>} : memref<25x8x128xi32, #tpu.memory_space<vmem>>, vector<16xi32>,
    %add3A_459 = arith.addi %get3A_458, %get3A_458 : vector<16xi32>
    %swap3A_460 = arith.constant 4 : i32
    %swap3A_461 = arith.index_cast %swap3A_460 : i32 to index
    %swap3A_462 = arith.constant 80 : index
    %swap3A_463 = tpu.vector_load %arg6[%swap3A_461, %swap3A_462] {strides = array<i32>} : memref<8x128xi32, #tpu.memory_space<vmem>>, vector<16xi32>,
    tpu.vector_store %arg6[%swap3A_461, %swap3A_462], %add3A_459 {strides = array<i32>} : memref<8x128xi32, #tpu.memory_space<vmem>>, vector<16xi32>,
    %get3A_464 = arith.constant 0 : i32
    %get3A_465 = arith.constant 4 : i32
    %get3A_466 = arith.index_cast %get3A_464 : i32 to index
    %get3A_467 = arith.index_cast %get3A_465 : i32 to index
    %get3A_468 = arith.constant 96 : index
    %get3A_469 = tpu.vector_load %arg5[%get3A_466, %get3A_467, %get3A_468] {strides = array<i32>} : memref<25x8x128xi32, #tpu.memory_space<vmem>>, vector<16xi32>,
    %add3A_470 = arith.addi %get3A_469, %get3A_469 : vector<16xi32>
    %swap3A_471 = arith.constant 4 : i32
    %swap3A_472 = arith.index_cast %swap3A_471 : i32 to index
    %swap3A_473 = arith.constant 96 : index
    %swap3A_474 = tpu.vector_load %arg6[%swap3A_472, %swap3A_473] {strides = array<i32>} : memref<8x128xi32, #tpu.memory_space<vmem>>, vector<16xi32>,
    tpu.vector_store %arg6[%swap3A_472, %swap3A_473], %add3A_470 {strides = array<i32>} : memref<8x128xi32, #tpu.memory_space<vmem>>, vector<16xi32>,
    %get3A_475 = arith.constant 0 : i32
    %get3A_476 = arith.constant 4 : i32
    %get3A_477 = arith.index_cast %get3A_475 : i32 to index
    %get3A_478 = arith.index_cast %get3A_476 : i32 to index
    %get3A_479 = arith.constant 112 : index
    %get3A_480 = tpu.vector_load %arg5[%get3A_477, %get3A_478, %get3A_479] {strides = array<i32>} : memref<25x8x128xi32, #tpu.memory_space<vmem>>, vector<16xi32>,
    %add3A_481 = arith.addi %get3A_480, %get3A_480 : vector<16xi32>
    %swap3A_482 = arith.constant 4 : i32
    %swap3A_483 = arith.index_cast %swap3A_482 : i32 to index
    %swap3A_484 = arith.constant 112 : index
    %swap3A_485 = tpu.vector_load %arg6[%swap3A_483, %swap3A_484] {strides = array<i32>} : memref<8x128xi32, #tpu.memory_space<vmem>>, vector<16xi32>,
    tpu.vector_store %arg6[%swap3A_483, %swap3A_484], %add3A_481 {strides = array<i32>} : memref<8x128xi32, #tpu.memory_space<vmem>>, vector<16xi32>,
    %dma_start3A_486 = arith.constant 4 : i32
    %dma_start3A_487 = arith.constant 4 : i32
    %dma_start3A_488 = arith.constant 0 : i32
    %dma_start3A_489 = arith.constant 0 : i32
    %dma_start3A_490 = tpu.memref_slice %arg7[%dma_start3A_487, %dma_start3A_488, %dma_start3A_489] : memref<8x128x64xf32, #tpu.memory_space<vmem>> -> memref<1x128x64xf32, #tpu.memory_space<vmem>>
    %dma_start3A_491 = tpu.memref_squeeze %dma_start3A_490 : memref<1x128x64xf32, #tpu.memory_space<vmem>> -> memref<128x64xf32, #tpu.memory_space<vmem>>
    %dma_start3A_492 = arith.constant 0 : i32
    %dma_start3A_493 = tpu.memref_slice %arg6[%dma_start3A_486, %dma_start3A_492] : memref<8x128xi32, #tpu.memory_space<vmem>> -> memref<1x128xi32, #tpu.memory_space<vmem>>
    %dma_start3A_494 = tpu.memref_squeeze %dma_start3A_493 : memref<1x128xi32, #tpu.memory_space<vmem>> -> memref<128xi32, #tpu.memory_space<vmem>>
    %dma_start3A_495 = arith.constant 0 : i32
    %dma_start3A_496 = arith.constant 0 : i32
    %dma_start3A_497 = tpu.memref_slice %arg3[%dma_start3A_495, %dma_start3A_496] : memref<2000000x64xf32, #tpu.memory_space<hbm>> -> memref<2000000x64xf32, #tpu.memory_space<hbm>>
    tpu.enqueue_indirect_dma source(%dma_start3A_497 : memref<2000000x64xf32, #tpu.memory_space<hbm>>) target(%dma_start3A_491 : memref<128x64xf32, #tpu.memory_space<vmem>>) offsets(%dma_start3A_494 : memref<128xi32, #tpu.memory_space<vmem>>) semaphore(%arg12 : memref<!tpu.dma_semaphore, #tpu.memory_space<semaphore_mem>>)
    %get3A_498 = arith.constant 0 : i32
    %get3A_499 = arith.constant 5 : i32
    %get3A_500 = arith.index_cast %get3A_498 : i32 to index
    %get3A_501 = arith.index_cast %get3A_499 : i32 to index
    %get3A_502 = arith.constant 0 : index
    %get3A_503 = tpu.vector_load %arg5[%get3A_500, %get3A_501, %get3A_502] {strides = array<i32>} : memref<25x8x128xi32, #tpu.memory_space<vmem>>, vector<16xi32>,
    %add3A_504 = arith.addi %get3A_503, %get3A_503 : vector<16xi32>
    %swap3A_505 = arith.constant 5 : i32
    %swap3A_506 = arith.index_cast %swap3A_505 : i32 to index
    %swap3A_507 = arith.constant 0 : index
    %swap3A_508 = tpu.vector_load %arg6[%swap3A_506, %swap3A_507] {strides = array<i32>} : memref<8x128xi32, #tpu.memory_space<vmem>>, vector<16xi32>,
    tpu.vector_store %arg6[%swap3A_506, %swap3A_507], %add3A_504 {strides = array<i32>} : memref<8x128xi32, #tpu.memory_space<vmem>>, vector<16xi32>,
    %get3A_509 = arith.constant 0 : i32
    %get3A_510 = arith.constant 5 : i32
    %get3A_511 = arith.index_cast %get3A_509 : i32 to index
    %get3A_512 = arith.index_cast %get3A_510 : i32 to index
    %get3A_513 = arith.constant 16 : index
    %get3A_514 = tpu.vector_load %arg5[%get3A_511, %get3A_512, %get3A_513] {strides = array<i32>} : memref<25x8x128xi32, #tpu.memory_space<vmem>>, vector<16xi32>,
    %add3A_515 = arith.addi %get3A_514, %get3A_514 : vector<16xi32>
    %swap3A_516 = arith.constant 5 : i32
    %swap3A_517 = arith.index_cast %swap3A_516 : i32 to index
    %swap3A_518 = arith.constant 16 : index
    %swap3A_519 = tpu.vector_load %arg6[%swap3A_517, %swap3A_518] {strides = array<i32>} : memref<8x128xi32, #tpu.memory_space<vmem>>, vector<16xi32>,
    tpu.vector_store %arg6[%swap3A_517, %swap3A_518], %add3A_515 {strides = array<i32>} : memref<8x128xi32, #tpu.memory_space<vmem>>, vector<16xi32>,
    %get3A_520 = arith.constant 0 : i32
    %get3A_521 = arith.constant 5 : i32
    %get3A_522 = arith.index_cast %get3A_520 : i32 to index
    %get3A_523 = arith.index_cast %get3A_521 : i32 to index
    %get3A_524 = arith.constant 32 : index
    %get3A_525 = tpu.vector_load %arg5[%get3A_522, %get3A_523, %get3A_524] {strides = array<i32>} : memref<25x8x128xi32, #tpu.memory_space<vmem>>, vector<16xi32>,
    %add3A_526 = arith.addi %get3A_525, %get3A_525 : vector<16xi32>
    %swap3A_527 = arith.constant 5 : i32
    %swap3A_528 = arith.index_cast %swap3A_527 : i32 to index
    %swap3A_529 = arith.constant 32 : index
    %swap3A_530 = tpu.vector_load %arg6[%swap3A_528, %swap3A_529] {strides = array<i32>} : memref<8x128xi32, #tpu.memory_space<vmem>>, vector<16xi32>,
    tpu.vector_store %arg6[%swap3A_528, %swap3A_529], %add3A_526 {strides = array<i32>} : memref<8x128xi32, #tpu.memory_space<vmem>>, vector<16xi32>,
    %get3A_531 = arith.constant 0 : i32
    %get3A_532 = arith.constant 5 : i32
    %get3A_533 = arith.index_cast %get3A_531 : i32 to index
    %get3A_534 = arith.index_cast %get3A_532 : i32 to index
    %get3A_535 = arith.constant 48 : index
    %get3A_536 = tpu.vector_load %arg5[%get3A_533, %get3A_534, %get3A_535] {strides = array<i32>} : memref<25x8x128xi32, #tpu.memory_space<vmem>>, vector<16xi32>,
    %add3A_537 = arith.addi %get3A_536, %get3A_536 : vector<16xi32>
    %swap3A_538 = arith.constant 5 : i32
    %swap3A_539 = arith.index_cast %swap3A_538 : i32 to index
    %swap3A_540 = arith.constant 48 : index
    %swap3A_541 = tpu.vector_load %arg6[%swap3A_539, %swap3A_540] {strides = array<i32>} : memref<8x128xi32, #tpu.memory_space<vmem>>, vector<16xi32>,
    tpu.vector_store %arg6[%swap3A_539, %swap3A_540], %add3A_537 {strides = array<i32>} : memref<8x128xi32, #tpu.memory_space<vmem>>, vector<16xi32>,
    %get3A_542 = arith.constant 0 : i32
    %get3A_543 = arith.constant 5 : i32
    %get3A_544 = arith.index_cast %get3A_542 : i32 to index
    %get3A_545 = arith.index_cast %get3A_543 : i32 to index
    %get3A_546 = arith.constant 64 : index
    %get3A_547 = tpu.vector_load %arg5[%get3A_544, %get3A_545, %get3A_546] {strides = array<i32>} : memref<25x8x128xi32, #tpu.memory_space<vmem>>, vector<16xi32>,
    %add3A_548 = arith.addi %get3A_547, %get3A_547 : vector<16xi32>
    %swap3A_549 = arith.constant 5 : i32
    %swap3A_550 = arith.index_cast %swap3A_549 : i32 to index
    %swap3A_551 = arith.constant 64 : index
    %swap3A_552 = tpu.vector_load %arg6[%swap3A_550, %swap3A_551] {strides = array<i32>} : memref<8x128xi32, #tpu.memory_space<vmem>>, vector<16xi32>,
    tpu.vector_store %arg6[%swap3A_550, %swap3A_551], %add3A_548 {strides = array<i32>} : memref<8x128xi32, #tpu.memory_space<vmem>>, vector<16xi32>,
    %get3A_553 = arith.constant 0 : i32
    %get3A_554 = arith.constant 5 : i32
    %get3A_555 = arith.index_cast %get3A_553 : i32 to index
    %get3A_556 = arith.index_cast %get3A_554 : i32 to index
    %get3A_557 = arith.constant 80 : index
    %get3A_558 = tpu.vector_load %arg5[%get3A_555, %get3A_556, %get3A_557] {strides = array<i32>} : memref<25x8x128xi32, #tpu.memory_space<vmem>>, vector<16xi32>,
    %add3A_559 = arith.addi %get3A_558, %get3A_558 : vector<16xi32>
    %swap3A_560 = arith.constant 5 : i32
    %swap3A_561 = arith.index_cast %swap3A_560 : i32 to index
    %swap3A_562 = arith.constant 80 : index
    %swap3A_563 = tpu.vector_load %arg6[%swap3A_561, %swap3A_562] {strides = array<i32>} : memref<8x128xi32, #tpu.memory_space<vmem>>, vector<16xi32>,
    tpu.vector_store %arg6[%swap3A_561, %swap3A_562], %add3A_559 {strides = array<i32>} : memref<8x128xi32, #tpu.memory_space<vmem>>, vector<16xi32>,
    %get3A_564 = arith.constant 0 : i32
    %get3A_565 = arith.constant 5 : i32
    %get3A_566 = arith.index_cast %get3A_564 : i32 to index
    %get3A_567 = arith.index_cast %get3A_565 : i32 to index
    %get3A_568 = arith.constant 96 : index
    %get3A_569 = tpu.vector_load %arg5[%get3A_566, %get3A_567, %get3A_568] {strides = array<i32>} : memref<25x8x128xi32, #tpu.memory_space<vmem>>, vector<16xi32>,
    %add3A_570 = arith.addi %get3A_569, %get3A_569 : vector<16xi32>
    %swap3A_571 = arith.constant 5 : i32
    %swap3A_572 = arith.index_cast %swap3A_571 : i32 to index
    %swap3A_573 = arith.constant 96 : index
    %swap3A_574 = tpu.vector_load %arg6[%swap3A_572, %swap3A_573] {strides = array<i32>} : memref<8x128xi32, #tpu.memory_space<vmem>>, vector<16xi32>,
    tpu.vector_store %arg6[%swap3A_572, %swap3A_573], %add3A_570 {strides = array<i32>} : memref<8x128xi32, #tpu.memory_space<vmem>>, vector<16xi32>,
    %get3A_575 = arith.constant 0 : i32
    %get3A_576 = arith.constant 5 : i32
    %get3A_577 = arith.index_cast %get3A_575 : i32 to index
    %get3A_578 = arith.index_cast %get3A_576 : i32 to index
    %get3A_579 = arith.constant 112 : index
    %get3A_580 = tpu.vector_load %arg5[%get3A_577, %get3A_578, %get3A_579] {strides = array<i32>} : memref<25x8x128xi32, #tpu.memory_space<vmem>>, vector<16xi32>,
    %add3A_581 = arith.addi %get3A_580, %get3A_580 : vector<16xi32>
    %swap3A_582 = arith.constant 5 : i32
    %swap3A_583 = arith.index_cast %swap3A_582 : i32 to index
    %swap3A_584 = arith.constant 112 : index
    %swap3A_585 = tpu.vector_load %arg6[%swap3A_583, %swap3A_584] {strides = array<i32>} : memref<8x128xi32, #tpu.memory_space<vmem>>, vector<16xi32>,
    tpu.vector_store %arg6[%swap3A_583, %swap3A_584], %add3A_581 {strides = array<i32>} : memref<8x128xi32, #tpu.memory_space<vmem>>, vector<16xi32>,
    %dma_start3A_586 = arith.constant 5 : i32
    %dma_start3A_587 = arith.constant 5 : i32
    %dma_start3A_588 = arith.constant 0 : i32
    %dma_start3A_589 = arith.constant 0 : i32
    %dma_start3A_590 = tpu.memref_slice %arg7[%dma_start3A_587, %dma_start3A_588, %dma_start3A_589] : memref<8x128x64xf32, #tpu.memory_space<vmem>> -> memref<1x128x64xf32, #tpu.memory_space<vmem>>
    %dma_start3A_591 = tpu.memref_squeeze %dma_start3A_590 : memref<1x128x64xf32, #tpu.memory_space<vmem>> -> memref<128x64xf32, #tpu.memory_space<vmem>>
    %dma_start3A_592 = arith.constant 0 : i32
    %dma_start3A_593 = tpu.memref_slice %arg6[%dma_start3A_586, %dma_start3A_592] : memref<8x128xi32, #tpu.memory_space<vmem>> -> memref<1x128xi32, #tpu.memory_space<vmem>>
    %dma_start3A_594 = tpu.memref_squeeze %dma_start3A_593 : memref<1x128xi32, #tpu.memory_space<vmem>> -> memref<128xi32, #tpu.memory_space<vmem>>
    %dma_start3A_595 = arith.constant 0 : i32
    %dma_start3A_596 = arith.constant 0 : i32
    %dma_start3A_597 = tpu.memref_slice %arg3[%dma_start3A_595, %dma_start3A_596] : memref<2000000x64xf32, #tpu.memory_space<hbm>> -> memref<2000000x64xf32, #tpu.memory_space<hbm>>
    tpu.enqueue_indirect_dma source(%dma_start3A_597 : memref<2000000x64xf32, #tpu.memory_space<hbm>>) target(%dma_start3A_591 : memref<128x64xf32, #tpu.memory_space<vmem>>) offsets(%dma_start3A_594 : memref<128xi32, #tpu.memory_space<vmem>>) semaphore(%arg13 : memref<!tpu.dma_semaphore, #tpu.memory_space<semaphore_mem>>)
    %get3A_598 = arith.constant 0 : i32
    %get3A_599 = arith.constant 6 : i32
    %get3A_600 = arith.index_cast %get3A_598 : i32 to index
    %get3A_601 = arith.index_cast %get3A_599 : i32 to index
    %get3A_602 = arith.constant 0 : index
    %get3A_603 = tpu.vector_load %arg5[%get3A_600, %get3A_601, %get3A_602] {strides = array<i32>} : memref<25x8x128xi32, #tpu.memory_space<vmem>>, vector<16xi32>,
    %add3A_604 = arith.addi %get3A_603, %get3A_603 : vector<16xi32>
    %swap3A_605 = arith.constant 6 : i32
    %swap3A_606 = arith.index_cast %swap3A_605 : i32 to index
    %swap3A_607 = arith.constant 0 : index
    %swap3A_608 = tpu.vector_load %arg6[%swap3A_606, %swap3A_607] {strides = array<i32>} : memref<8x128xi32, #tpu.memory_space<vmem>>, vector<16xi32>,
    tpu.vector_store %arg6[%swap3A_606, %swap3A_607], %add3A_604 {strides = array<i32>} : memref<8x128xi32, #tpu.memory_space<vmem>>, vector<16xi32>,
    %get3A_609 = arith.constant 0 : i32
    %get3A_610 = arith.constant 6 : i32
    %get3A_611 = arith.index_cast %get3A_609 : i32 to index
    %get3A_612 = arith.index_cast %get3A_610 : i32 to index
    %get3A_613 = arith.constant 16 : index
    %get3A_614 = tpu.vector_load %arg5[%get3A_611, %get3A_612, %get3A_613] {strides = array<i32>} : memref<25x8x128xi32, #tpu.memory_space<vmem>>, vector<16xi32>,
    %add3A_615 = arith.addi %get3A_614, %get3A_614 : vector<16xi32>
    %swap3A_616 = arith.constant 6 : i32
    %swap3A_617 = arith.index_cast %swap3A_616 : i32 to index
    %swap3A_618 = arith.constant 16 : index
    %swap3A_619 = tpu.vector_load %arg6[%swap3A_617, %swap3A_618] {strides = array<i32>} : memref<8x128xi32, #tpu.memory_space<vmem>>, vector<16xi32>,
    tpu.vector_store %arg6[%swap3A_617, %swap3A_618], %add3A_615 {strides = array<i32>} : memref<8x128xi32, #tpu.memory_space<vmem>>, vector<16xi32>,
    %get3A_620 = arith.constant 0 : i32
    %get3A_621 = arith.constant 6 : i32
    %get3A_622 = arith.index_cast %get3A_620 : i32 to index
    %get3A_623 = arith.index_cast %get3A_621 : i32 to index
    %get3A_624 = arith.constant 32 : index
    %get3A_625 = tpu.vector_load %arg5[%get3A_622, %get3A_623, %get3A_624] {strides = array<i32>} : memref<25x8x128xi32, #tpu.memory_space<vmem>>, vector<16xi32>,
    %add3A_626 = arith.addi %get3A_625, %get3A_625 : vector<16xi32>
    %swap3A_627 = arith.constant 6 : i32
    %swap3A_628 = arith.index_cast %swap3A_627 : i32 to index
    %swap3A_629 = arith.constant 32 : index
    %swap3A_630 = tpu.vector_load %arg6[%swap3A_628, %swap3A_629] {strides = array<i32>} : memref<8x128xi32, #tpu.memory_space<vmem>>, vector<16xi32>,
    tpu.vector_store %arg6[%swap3A_628, %swap3A_629], %add3A_626 {strides = array<i32>} : memref<8x128xi32, #tpu.memory_space<vmem>>, vector<16xi32>,
    %get3A_631 = arith.constant 0 : i32
    %get3A_632 = arith.constant 6 : i32
    %get3A_633 = arith.index_cast %get3A_631 : i32 to index
    %get3A_634 = arith.index_cast %get3A_632 : i32 to index
    %get3A_635 = arith.constant 48 : index
    %get3A_636 = tpu.vector_load %arg5[%get3A_633, %get3A_634, %get3A_635] {strides = array<i32>} : memref<25x8x128xi32, #tpu.memory_space<vmem>>, vector<16xi32>,
    %add3A_637 = arith.addi %get3A_636, %get3A_636 : vector<16xi32>
    %swap3A_638 = arith.constant 6 : i32
    %swap3A_639 = arith.index_cast %swap3A_638 : i32 to index
    %swap3A_640 = arith.constant 48 : index
    %swap3A_641 = tpu.vector_load %arg6[%swap3A_639, %swap3A_640] {strides = array<i32>} : memref<8x128xi32, #tpu.memory_space<vmem>>, vector<16xi32>,
    tpu.vector_store %arg6[%swap3A_639, %swap3A_640], %add3A_637 {strides = array<i32>} : memref<8x128xi32, #tpu.memory_space<vmem>>, vector<16xi32>,
    %get3A_642 = arith.constant 0 : i32
    %get3A_643 = arith.constant 6 : i32
    %get3A_644 = arith.index_cast %get3A_642 : i32 to index
    %get3A_645 = arith.index_cast %get3A_643 : i32 to index
    %get3A_646 = arith.constant 64 : index
    %get3A_647 = tpu.vector_load %arg5[%get3A_644, %get3A_645, %get3A_646] {strides = array<i32>} : memref<25x8x128xi32, #tpu.memory_space<vmem>>, vector<16xi32>,
    %add3A_648 = arith.addi %get3A_647, %get3A_647 : vector<16xi32>
    %swap3A_649 = arith.constant 6 : i32
    %swap3A_650 = arith.index_cast %swap3A_649 : i32 to index
    %swap3A_651 = arith.constant 64 : index
    %swap3A_652 = tpu.vector_load %arg6[%swap3A_650, %swap3A_651] {strides = array<i32>} : memref<8x128xi32, #tpu.memory_space<vmem>>, vector<16xi32>,
    tpu.vector_store %arg6[%swap3A_650, %swap3A_651], %add3A_648 {strides = array<i32>} : memref<8x128xi32, #tpu.memory_space<vmem>>, vector<16xi32>,
    %get3A_653 = arith.constant 0 : i32
    %get3A_654 = arith.constant 6 : i32
    %get3A_655 = arith.index_cast %get3A_653 : i32 to index
    %get3A_656 = arith.index_cast %get3A_654 : i32 to index
    %get3A_657 = arith.constant 80 : index
    %get3A_658 = tpu.vector_load %arg5[%get3A_655, %get3A_656, %get3A_657] {strides = array<i32>} : memref<25x8x128xi32, #tpu.memory_space<vmem>>, vector<16xi32>,
    %add3A_659 = arith.addi %get3A_658, %get3A_658 : vector<16xi32>
    %swap3A_660 = arith.constant 6 : i32
    %swap3A_661 = arith.index_cast %swap3A_660 : i32 to index
    %swap3A_662 = arith.constant 80 : index
    %swap3A_663 = tpu.vector_load %arg6[%swap3A_661, %swap3A_662] {strides = array<i32>} : memref<8x128xi32, #tpu.memory_space<vmem>>, vector<16xi32>,
    tpu.vector_store %arg6[%swap3A_661, %swap3A_662], %add3A_659 {strides = array<i32>} : memref<8x128xi32, #tpu.memory_space<vmem>>, vector<16xi32>,
    %get3A_664 = arith.constant 0 : i32
    %get3A_665 = arith.constant 6 : i32
    %get3A_666 = arith.index_cast %get3A_664 : i32 to index
    %get3A_667 = arith.index_cast %get3A_665 : i32 to index
    %get3A_668 = arith.constant 96 : index
    %get3A_669 = tpu.vector_load %arg5[%get3A_666, %get3A_667, %get3A_668] {strides = array<i32>} : memref<25x8x128xi32, #tpu.memory_space<vmem>>, vector<16xi32>,
    %add3A_670 = arith.addi %get3A_669, %get3A_669 : vector<16xi32>
    %swap3A_671 = arith.constant 6 : i32
    %swap3A_672 = arith.index_cast %swap3A_671 : i32 to index
    %swap3A_673 = arith.constant 96 : index
    %swap3A_674 = tpu.vector_load %arg6[%swap3A_672, %swap3A_673] {strides = array<i32>} : memref<8x128xi32, #tpu.memory_space<vmem>>, vector<16xi32>,
    tpu.vector_store %arg6[%swap3A_672, %swap3A_673], %add3A_670 {strides = array<i32>} : memref<8x128xi32, #tpu.memory_space<vmem>>, vector<16xi32>,
    %get3A_675 = arith.constant 0 : i32
    %get3A_676 = arith.constant 6 : i32
    %get3A_677 = arith.index_cast %get3A_675 : i32 to index
    %get3A_678 = arith.index_cast %get3A_676 : i32 to index
    %get3A_679 = arith.constant 112 : index
    %get3A_680 = tpu.vector_load %arg5[%get3A_677, %get3A_678, %get3A_679] {strides = array<i32>} : memref<25x8x128xi32, #tpu.memory_space<vmem>>, vector<16xi32>,
    %add3A_681 = arith.addi %get3A_680, %get3A_680 : vector<16xi32>
    %swap3A_682 = arith.constant 6 : i32
    %swap3A_683 = arith.index_cast %swap3A_682 : i32 to index
    %swap3A_684 = arith.constant 112 : index
    %swap3A_685 = tpu.vector_load %arg6[%swap3A_683, %swap3A_684] {strides = array<i32>} : memref<8x128xi32, #tpu.memory_space<vmem>>, vector<16xi32>,
    tpu.vector_store %arg6[%swap3A_683, %swap3A_684], %add3A_681 {strides = array<i32>} : memref<8x128xi32, #tpu.memory_space<vmem>>, vector<16xi32>,
    %dma_start3A_686 = arith.constant 6 : i32
    %dma_start3A_687 = arith.constant 6 : i32
    %dma_start3A_688 = arith.constant 0 : i32
    %dma_start3A_689 = arith.constant 0 : i32
    %dma_start3A_690 = tpu.memref_slice %arg7[%dma_start3A_687, %dma_start3A_688, %dma_start3A_689] : memref<8x128x64xf32, #tpu.memory_space<vmem>> -> memref<1x128x64xf32, #tpu.memory_space<vmem>>
    %dma_start3A_691 = tpu.memref_squeeze %dma_start3A_690 : memref<1x128x64xf32, #tpu.memory_space<vmem>> -> memref<128x64xf32, #tpu.memory_space<vmem>>
    %dma_start3A_692 = arith.constant 0 : i32
    %dma_start3A_693 = tpu.memref_slice %arg6[%dma_start3A_686, %dma_start3A_692] : memref<8x128xi32, #tpu.memory_space<vmem>> -> memref<1x128xi32, #tpu.memory_space<vmem>>
    %dma_start3A_694 = tpu.memref_squeeze %dma_start3A_693 : memref<1x128xi32, #tpu.memory_space<vmem>> -> memref<128xi32, #tpu.memory_space<vmem>>
    %dma_start3A_695 = arith.constant 0 : i32
    %dma_start3A_696 = arith.constant 0 : i32
    %dma_start3A_697 = tpu.memref_slice %arg3[%dma_start3A_695, %dma_start3A_696] : memref<2000000x64xf32, #tpu.memory_space<hbm>> -> memref<2000000x64xf32, #tpu.memory_space<hbm>>
    tpu.enqueue_indirect_dma source(%dma_start3A_697 : memref<2000000x64xf32, #tpu.memory_space<hbm>>) target(%dma_start3A_691 : memref<128x64xf32, #tpu.memory_space<vmem>>) offsets(%dma_start3A_694 : memref<128xi32, #tpu.memory_space<vmem>>) semaphore(%arg14 : memref<!tpu.dma_semaphore, #tpu.memory_space<semaphore_mem>>)
    "tpu.region"() ({
      %run_scoped3A = tpu.sem_alloc : memref<!tpu.dma_semaphore, #tpu.memory_space<semaphore_mem>>
      %dma_start3A_822 = arith.constant 1 : i32
      %dma_start3A_823 = arith.constant 0 : i32
      %dma_start3A_824 = arith.constant 0 : i32
      %dma_start3A_825 = tpu.memref_slice %arg5[%dma_start3A_822, %dma_start3A_823, %dma_start3A_824] : memref<25x8x128xi32, #tpu.memory_space<vmem>> -> memref<24x8x128xi32, #tpu.memory_space<vmem>>
      %dma_start3A_826 = arith.constant 1 : i32
      %dma_start3A_827 = arith.constant 0 : i32
      %dma_start3A_828 = arith.constant 0 : i32
      %dma_start3A_829 = tpu.memref_slice %arg2[%dma_start3A_826, %add3A, %dma_start3A_827, %dma_start3A_828] : memref<25x32x8x128xi32, #tpu.memory_space<hbm>> -> memref<24x1x8x128xi32, #tpu.memory_space<hbm>>
      %dma_start3A_830 = tpu.memref_squeeze %dma_start3A_829 : memref<24x1x8x128xi32, #tpu.memory_space<hbm>> -> memref<24x8x128xi32, #tpu.memory_space<hbm>>
      %dma_start3A_831 = arith.constant 1 : i32
      %dma_start3A_832 = arith.constant 0 : i32
      %dma_start3A_833 = arith.constant 0 : i32
      %dma_start3A_834 = tpu.memref_slice %arg5[%dma_start3A_831, %dma_start3A_832, %dma_start3A_833] : memref<25x8x128xi32, #tpu.memory_space<vmem>> -> memref<24x8x128xi32, #tpu.memory_space<vmem>>
      %dma_start3A_835 = arith.constant 1 : i32
      %dma_start3A_836 = arith.constant 0 : i32
      %dma_start3A_837 = arith.constant 0 : i32
      %dma_start3A_838 = tpu.memref_slice %arg2[%dma_start3A_835, %add3A, %dma_start3A_836, %dma_start3A_837] : memref<25x32x8x128xi32, #tpu.memory_space<hbm>> -> memref<24x1x8x128xi32, #tpu.memory_space<hbm>>
      %dma_start3A_839 = tpu.memref_squeeze %dma_start3A_838 : memref<24x1x8x128xi32, #tpu.memory_space<hbm>> -> memref<24x8x128xi32, #tpu.memory_space<hbm>>
      tpu.enqueue_dma source(%dma_start3A_839 : memref<24x8x128xi32, #tpu.memory_space<hbm>>) target(%dma_start3A_834 : memref<24x8x128xi32, #tpu.memory_space<vmem>>) target_semaphore(%run_scoped3A : memref<!tpu.dma_semaphore, #tpu.memory_space<semaphore_mem>>)
      %dma_wait3A_840 = arith.constant 1 : i32
      %dma_wait3A_841 = arith.constant 0 : i32
      %dma_wait3A_842 = arith.constant 0 : i32
      %dma_wait3A_843 = tpu.memref_slice %arg5[%dma_wait3A_840, %dma_wait3A_841, %dma_wait3A_842] : memref<25x8x128xi32, #tpu.memory_space<vmem>> -> memref<24x8x128xi32, #tpu.memory_space<vmem>>
      %dma_wait3A_844 = arith.constant 1 : i32
      %dma_wait3A_845 = arith.constant 0 : i32
      %dma_wait3A_846 = arith.constant 0 : i32
      %dma_wait3A_847 = tpu.memref_slice %arg2[%dma_wait3A_844, %add3A, %dma_wait3A_845, %dma_wait3A_846] : memref<25x32x8x128xi32, #tpu.memory_space<hbm>> -> memref<24x1x8x128xi32, #tpu.memory_space<hbm>>
      %dma_wait3A_848 = tpu.memref_squeeze %dma_wait3A_847 : memref<24x1x8x128xi32, #tpu.memory_space<hbm>> -> memref<24x8x128xi32, #tpu.memory_space<hbm>>
      %dma_wait3A_849 = arith.constant 1 : i32
      %dma_wait3A_850 = arith.constant 0 : i32
      %dma_wait3A_851 = arith.constant 0 : i32
      %dma_wait3A_852 = tpu.memref_slice %arg5[%dma_wait3A_849, %dma_wait3A_850, %dma_wait3A_851] : memref<25x8x128xi32, #tpu.memory_space<vmem>> -> memref<24x8x128xi32, #tpu.memory_space<vmem>>
      %dma_wait3A_853 = arith.constant 1 : i32
      %dma_wait3A_854 = arith.constant 0 : i32
      %dma_wait3A_855 = arith.constant 0 : i32
      %dma_wait3A_856 = tpu.memref_slice %arg2[%dma_wait3A_853, %add3A, %dma_wait3A_854, %dma_wait3A_855] : memref<25x32x8x128xi32, #tpu.memory_space<hbm>> -> memref<24x1x8x128xi32, #tpu.memory_space<hbm>>
      %dma_wait3A_857 = tpu.memref_squeeze %dma_wait3A_856 : memref<24x1x8x128xi32, #tpu.memory_space<hbm>> -> memref<24x8x128xi32, #tpu.memory_space<hbm>>
      tpu.wait_dma2 semaphore(%run_scoped3A : memref<!tpu.dma_semaphore, #tpu.memory_space<semaphore_mem>>) src(%dma_wait3A_857 : memref<24x8x128xi32, #tpu.memory_space<hbm>>) dst(%dma_wait3A_852 : memref<24x8x128xi32, #tpu.memory_space<vmem>>)
      tpu.yield
    }) : () -> ()
    %scan3A = arith.constant 0 : i32
    %scan3A_698 = arith.constant 0 : i32
    %scan3A_699 = arith.constant 25 : i32
    %scan3A_700 = arith.addi %scan3A_698, %scan3A_699 : i32
    %scan3A_701 = arith.constant 1 : i32
    scf.for %scan3A_822 = %scan3A_698 to %scan3A_700 step %scan3A_701  : i32 {
      %gt3A = arith.constant 0 : i32
      %gt3A_823 = arith.cmpi sgt, %scan3A_822, %gt3A : i32
      %convert_element_type3A = arith.extui %gt3A_823 : i1 to i32
      %cond3A = arith.constant 0 : i32
      %cond3A_824 = arith.cmpi ne, %convert_element_type3A, %cond3A : i32
      scf.if %cond3A_824 {
        %mul3A_1215 = arith.constant 8 : i32
        %mul3A_1216 = arith.muli %scan3A_822, %mul3A_1215 : i32
        %add3A_1217 = arith.constant 0 : i32
        %add3A_1218 = arith.addi %mul3A_1216, %add3A_1217 : i32
        %mul3A_1219 = arith.constant 128 : i32
        %mul3A_1220 = arith.muli %add3A, %mul3A_1219 : i32
        %mul3A_1221 = arith.constant 2 : i32
        %mul3A_1222 = arith.muli %add3A_1218, %mul3A_1221 : i32
        %mul3A_1223 = arith.constant 64 : i32
        %mul3A_1224 = arith.muli %mul3A_1222, %mul3A_1223 : i32
        %dma_wait3A_1225 = arith.constant 7 : i32
        %dma_wait3A_1226 = arith.constant 0 : i32
        %dma_wait3A_1227 = arith.constant 0 : i32
        %dma_wait3A_1228 = tpu.memref_slice %arg7[%dma_wait3A_1225, %dma_wait3A_1226, %dma_wait3A_1227] : memref<8x128x64xf32, #tpu.memory_space<vmem>> -> memref<1x128x64xf32, #tpu.memory_space<vmem>>
        %dma_wait3A_1229 = tpu.memref_squeeze %dma_wait3A_1228 : memref<1x128x64xf32, #tpu.memory_space<vmem>> -> memref<128x64xf32, #tpu.memory_space<vmem>>
        %dma_wait3A_1230 = tpu.memref_slice %arg4[%mul3A_1220, %mul3A_1224] : memref<4096x25600xf32, #tpu.memory_space<hbm>> -> memref<128x64xf32, #tpu.memory_space<hbm>>
        %dma_wait3A_1231 = tpu.memref_slice %arg4[%mul3A_1220, %mul3A_1224] : memref<4096x25600xf32, #tpu.memory_space<hbm>> -> memref<128x64xf32, #tpu.memory_space<hbm>>
        %dma_wait3A_1232 = arith.constant 0 : i32
        %dma_wait3A_1233 = arith.constant 0 : i32
        %dma_wait3A_1234 = tpu.memref_slice %arg7[%dma_wait3A_1225, %dma_wait3A_1232, %dma_wait3A_1233] : memref<8x128x64xf32, #tpu.memory_space<vmem>> -> memref<1x128x64xf32, #tpu.memory_space<vmem>>
        %dma_wait3A_1235 = tpu.memref_squeeze %dma_wait3A_1234 : memref<1x128x64xf32, #tpu.memory_space<vmem>> -> memref<128x64xf32, #tpu.memory_space<vmem>>
        tpu.wait_dma2 semaphore(%arg23 : memref<!tpu.dma_semaphore, #tpu.memory_space<semaphore_mem>>) src(%dma_wait3A_1235 : memref<128x64xf32, #tpu.memory_space<vmem>>) dst(%dma_wait3A_1231 : memref<128x64xf32, #tpu.memory_space<hbm>>)
      } else {
      }
      %get3A_825 = arith.constant 7 : i32
      %get3A_826 = arith.index_cast %scan3A_822 : i32 to index
      %get3A_827 = arith.index_cast %get3A_825 : i32 to index
      %get3A_828 = arith.constant 0 : index
      %get3A_829 = tpu.vector_load %arg5[%get3A_826, %get3A_827, %get3A_828] {strides = array<i32>} : memref<25x8x128xi32, #tpu.memory_space<vmem>>, vector<16xi32>,
      %add3A_830 = arith.addi %get3A_829, %get3A_829 : vector<16xi32>
      %swap3A_831 = arith.constant 7 : i32
      %swap3A_832 = arith.index_cast %swap3A_831 : i32 to index
      %swap3A_833 = arith.constant 0 : index
      %swap3A_834 = tpu.vector_load %arg6[%swap3A_832, %swap3A_833] {strides = array<i32>} : memref<8x128xi32, #tpu.memory_space<vmem>>, vector<16xi32>,
      tpu.vector_store %arg6[%swap3A_832, %swap3A_833], %add3A_830 {strides = array<i32>} : memref<8x128xi32, #tpu.memory_space<vmem>>, vector<16xi32>,
      %get3A_835 = arith.constant 7 : i32
      %get3A_836 = arith.index_cast %scan3A_822 : i32 to index
      %get3A_837 = arith.index_cast %get3A_835 : i32 to index
      %get3A_838 = arith.constant 16 : index
      %get3A_839 = tpu.vector_load %arg5[%get3A_836, %get3A_837, %get3A_838] {strides = array<i32>} : memref<25x8x128xi32, #tpu.memory_space<vmem>>, vector<16xi32>,
      %add3A_840 = arith.addi %get3A_839, %get3A_839 : vector<16xi32>
      %swap3A_841 = arith.constant 7 : i32
      %swap3A_842 = arith.index_cast %swap3A_841 : i32 to index
      %swap3A_843 = arith.constant 16 : index
      %swap3A_844 = tpu.vector_load %arg6[%swap3A_842, %swap3A_843] {strides = array<i32>} : memref<8x128xi32, #tpu.memory_space<vmem>>, vector<16xi32>,
      tpu.vector_store %arg6[%swap3A_842, %swap3A_843], %add3A_840 {strides = array<i32>} : memref<8x128xi32, #tpu.memory_space<vmem>>, vector<16xi32>,
      %get3A_845 = arith.constant 7 : i32
      %get3A_846 = arith.index_cast %scan3A_822 : i32 to index
      %get3A_847 = arith.index_cast %get3A_845 : i32 to index
      %get3A_848 = arith.constant 32 : index
      %get3A_849 = tpu.vector_load %arg5[%get3A_846, %get3A_847, %get3A_848] {strides = array<i32>} : memref<25x8x128xi32, #tpu.memory_space<vmem>>, vector<16xi32>,
      %add3A_850 = arith.addi %get3A_849, %get3A_849 : vector<16xi32>
      %swap3A_851 = arith.constant 7 : i32
      %swap3A_852 = arith.index_cast %swap3A_851 : i32 to index
      %swap3A_853 = arith.constant 32 : index
      %swap3A_854 = tpu.vector_load %arg6[%swap3A_852, %swap3A_853] {strides = array<i32>} : memref<8x128xi32, #tpu.memory_space<vmem>>, vector<16xi32>,
      tpu.vector_store %arg6[%swap3A_852, %swap3A_853], %add3A_850 {strides = array<i32>} : memref<8x128xi32, #tpu.memory_space<vmem>>, vector<16xi32>,
      %get3A_855 = arith.constant 7 : i32
      %get3A_856 = arith.index_cast %scan3A_822 : i32 to index
      %get3A_857 = arith.index_cast %get3A_855 : i32 to index
      %get3A_858 = arith.constant 48 : index
      %get3A_859 = tpu.vector_load %arg5[%get3A_856, %get3A_857, %get3A_858] {strides = array<i32>} : memref<25x8x128xi32, #tpu.memory_space<vmem>>, vector<16xi32>,
      %add3A_860 = arith.addi %get3A_859, %get3A_859 : vector<16xi32>
      %swap3A_861 = arith.constant 7 : i32
      %swap3A_862 = arith.index_cast %swap3A_861 : i32 to index
      %swap3A_863 = arith.constant 48 : index
      %swap3A_864 = tpu.vector_load %arg6[%swap3A_862, %swap3A_863] {strides = array<i32>} : memref<8x128xi32, #tpu.memory_space<vmem>>, vector<16xi32>,
      tpu.vector_store %arg6[%swap3A_862, %swap3A_863], %add3A_860 {strides = array<i32>} : memref<8x128xi32, #tpu.memory_space<vmem>>, vector<16xi32>,
      %get3A_865 = arith.constant 7 : i32
      %get3A_866 = arith.index_cast %scan3A_822 : i32 to index
      %get3A_867 = arith.index_cast %get3A_865 : i32 to index
      %get3A_868 = arith.constant 64 : index
      %get3A_869 = tpu.vector_load %arg5[%get3A_866, %get3A_867, %get3A_868] {strides = array<i32>} : memref<25x8x128xi32, #tpu.memory_space<vmem>>, vector<16xi32>,
      %add3A_870 = arith.addi %get3A_869, %get3A_869 : vector<16xi32>
      %swap3A_871 = arith.constant 7 : i32
      %swap3A_872 = arith.index_cast %swap3A_871 : i32 to index
      %swap3A_873 = arith.constant 64 : index
      %swap3A_874 = tpu.vector_load %arg6[%swap3A_872, %swap3A_873] {strides = array<i32>} : memref<8x128xi32, #tpu.memory_space<vmem>>, vector<16xi32>,
      tpu.vector_store %arg6[%swap3A_872, %swap3A_873], %add3A_870 {strides = array<i32>} : memref<8x128xi32, #tpu.memory_space<vmem>>, vector<16xi32>,
      %get3A_875 = arith.constant 7 : i32
      %get3A_876 = arith.index_cast %scan3A_822 : i32 to index
      %get3A_877 = arith.index_cast %get3A_875 : i32 to index
      %get3A_878 = arith.constant 80 : index
      %get3A_879 = tpu.vector_load %arg5[%get3A_876, %get3A_877, %get3A_878] {strides = array<i32>} : memref<25x8x128xi32, #tpu.memory_space<vmem>>, vector<16xi32>,
      %add3A_880 = arith.addi %get3A_879, %get3A_879 : vector<16xi32>
      %swap3A_881 = arith.constant 7 : i32
      %swap3A_882 = arith.index_cast %swap3A_881 : i32 to index
      %swap3A_883 = arith.constant 80 : index
      %swap3A_884 = tpu.vector_load %arg6[%swap3A_882, %swap3A_883] {strides = array<i32>} : memref<8x128xi32, #tpu.memory_space<vmem>>, vector<16xi32>,
      tpu.vector_store %arg6[%swap3A_882, %swap3A_883], %add3A_880 {strides = array<i32>} : memref<8x128xi32, #tpu.memory_space<vmem>>, vector<16xi32>,
      %get3A_885 = arith.constant 7 : i32
      %get3A_886 = arith.index_cast %scan3A_822 : i32 to index
      %get3A_887 = arith.index_cast %get3A_885 : i32 to index
      %get3A_888 = arith.constant 96 : index
      %get3A_889 = tpu.vector_load %arg5[%get3A_886, %get3A_887, %get3A_888] {strides = array<i32>} : memref<25x8x128xi32, #tpu.memory_space<vmem>>, vector<16xi32>,
      %add3A_890 = arith.addi %get3A_889, %get3A_889 : vector<16xi32>
      %swap3A_891 = arith.constant 7 : i32
      %swap3A_892 = arith.index_cast %swap3A_891 : i32 to index
      %swap3A_893 = arith.constant 96 : index
      %swap3A_894 = tpu.vector_load %arg6[%swap3A_892, %swap3A_893] {strides = array<i32>} : memref<8x128xi32, #tpu.memory_space<vmem>>, vector<16xi32>,
      tpu.vector_store %arg6[%swap3A_892, %swap3A_893], %add3A_890 {strides = array<i32>} : memref<8x128xi32, #tpu.memory_space<vmem>>, vector<16xi32>,
      %get3A_895 = arith.constant 7 : i32
      %get3A_896 = arith.index_cast %scan3A_822 : i32 to index
      %get3A_897 = arith.index_cast %get3A_895 : i32 to index
      %get3A_898 = arith.constant 112 : index
      %get3A_899 = tpu.vector_load %arg5[%get3A_896, %get3A_897, %get3A_898] {strides = array<i32>} : memref<25x8x128xi32, #tpu.memory_space<vmem>>, vector<16xi32>,
      %add3A_900 = arith.addi %get3A_899, %get3A_899 : vector<16xi32>
      %swap3A_901 = arith.constant 7 : i32
      %swap3A_902 = arith.index_cast %swap3A_901 : i32 to index
      %swap3A_903 = arith.constant 112 : index
      %swap3A_904 = tpu.vector_load %arg6[%swap3A_902, %swap3A_903] {strides = array<i32>} : memref<8x128xi32, #tpu.memory_space<vmem>>, vector<16xi32>,
      tpu.vector_store %arg6[%swap3A_902, %swap3A_903], %add3A_900 {strides = array<i32>} : memref<8x128xi32, #tpu.memory_space<vmem>>, vector<16xi32>,
      %dma_start3A_905 = arith.constant 7 : i32
      %dma_start3A_906 = arith.constant 7 : i32
      %dma_start3A_907 = arith.constant 0 : i32
      %dma_start3A_908 = arith.constant 0 : i32
      %dma_start3A_909 = tpu.memref_slice %arg7[%dma_start3A_906, %dma_start3A_907, %dma_start3A_908] : memref<8x128x64xf32, #tpu.memory_space<vmem>> -> memref<1x128x64xf32, #tpu.memory_space<vmem>>
      %dma_start3A_910 = tpu.memref_squeeze %dma_start3A_909 : memref<1x128x64xf32, #tpu.memory_space<vmem>> -> memref<128x64xf32, #tpu.memory_space<vmem>>
      %dma_start3A_911 = arith.constant 0 : i32
      %dma_start3A_912 = tpu.memref_slice %arg6[%dma_start3A_905, %dma_start3A_911] : memref<8x128xi32, #tpu.memory_space<vmem>> -> memref<1x128xi32, #tpu.memory_space<vmem>>
      %dma_start3A_913 = tpu.memref_squeeze %dma_start3A_912 : memref<1x128xi32, #tpu.memory_space<vmem>> -> memref<128xi32, #tpu.memory_space<vmem>>
      %dma_start3A_914 = arith.constant 0 : i32
      %dma_start3A_915 = arith.constant 0 : i32
      %dma_start3A_916 = tpu.memref_slice %arg3[%dma_start3A_914, %dma_start3A_915] : memref<2000000x64xf32, #tpu.memory_space<hbm>> -> memref<2000000x64xf32, #tpu.memory_space<hbm>>
      tpu.enqueue_indirect_dma source(%dma_start3A_916 : memref<2000000x64xf32, #tpu.memory_space<hbm>>) target(%dma_start3A_910 : memref<128x64xf32, #tpu.memory_space<vmem>>) offsets(%dma_start3A_913 : memref<128xi32, #tpu.memory_space<vmem>>) semaphore(%arg15 : memref<!tpu.dma_semaphore, #tpu.memory_space<semaphore_mem>>)
      %dma_wait3A_917 = arith.constant 0 : i32
      %dma_wait3A_918 = arith.constant 0 : i32
      %dma_wait3A_919 = arith.constant 0 : i32
      %dma_wait3A_920 = arith.constant 0 : i32
      %dma_wait3A_921 = tpu.memref_slice %arg7[%dma_wait3A_918, %dma_wait3A_919, %dma_wait3A_920] : memref<8x128x64xf32, #tpu.memory_space<vmem>> -> memref<1x128x64xf32, #tpu.memory_space<vmem>>
      %dma_wait3A_922 = tpu.memref_squeeze %dma_wait3A_921 : memref<1x128x64xf32, #tpu.memory_space<vmem>> -> memref<128x64xf32, #tpu.memory_space<vmem>>
      %dma_wait3A_923 = arith.constant 0 : i32
      %dma_wait3A_924 = tpu.memref_slice %arg6[%dma_wait3A_917, %dma_wait3A_923] : memref<8x128xi32, #tpu.memory_space<vmem>> -> memref<1x128xi32, #tpu.memory_space<vmem>>
      %dma_wait3A_925 = tpu.memref_squeeze %dma_wait3A_924 : memref<1x128xi32, #tpu.memory_space<vmem>> -> memref<128xi32, #tpu.memory_space<vmem>>
      %dma_wait3A_926 = arith.constant 0 : i32
      %dma_wait3A_927 = arith.constant 0 : i32
      %dma_wait3A_928 = tpu.memref_slice %arg3[%dma_wait3A_926, %dma_wait3A_927] : memref<2000000x64xf32, #tpu.memory_space<hbm>> -> memref<2000000x64xf32, #tpu.memory_space<hbm>>
      tpu.wait_indirect_dma semaphore(%arg8 : memref<!tpu.dma_semaphore, #tpu.memory_space<semaphore_mem>>) src(%dma_wait3A_928 : memref<2000000x64xf32, #tpu.memory_space<hbm>>) dst(%dma_wait3A_922 : memref<128x64xf32, #tpu.memory_space<vmem>>)
      %mul3A_929 = arith.constant 8 : i32
      %mul3A_930 = arith.muli %scan3A_822, %mul3A_929 : i32
      %add3A_931 = arith.constant 0 : i32
      %add3A_932 = arith.addi %mul3A_930, %add3A_931 : i32
      %mul3A_933 = arith.constant 128 : i32
      %mul3A_934 = arith.muli %add3A, %mul3A_933 : i32
      %mul3A_935 = arith.constant 2 : i32
      %mul3A_936 = arith.muli %add3A_932, %mul3A_935 : i32
      %mul3A_937 = arith.constant 64 : i32
      %mul3A_938 = arith.muli %mul3A_936, %mul3A_937 : i32
      %dma_start3A_939 = arith.constant 0 : i32
      %dma_start3A_940 = arith.constant 0 : i32
      %dma_start3A_941 = arith.constant 0 : i32
      %dma_start3A_942 = tpu.memref_slice %arg7[%dma_start3A_939, %dma_start3A_940, %dma_start3A_941] : memref<8x128x64xf32, #tpu.memory_space<vmem>> -> memref<1x128x64xf32, #tpu.memory_space<vmem>>
      %dma_start3A_943 = tpu.memref_squeeze %dma_start3A_942 : memref<1x128x64xf32, #tpu.memory_space<vmem>> -> memref<128x64xf32, #tpu.memory_space<vmem>>
      %dma_start3A_944 = tpu.memref_slice %arg4[%mul3A_934, %mul3A_938] : memref<4096x25600xf32, #tpu.memory_space<hbm>> -> memref<128x64xf32, #tpu.memory_space<hbm>>
      %dma_start3A_945 = tpu.memref_slice %arg4[%mul3A_934, %mul3A_938] : memref<4096x25600xf32, #tpu.memory_space<hbm>> -> memref<128x64xf32, #tpu.memory_space<hbm>>
      %dma_start3A_946 = arith.constant 0 : i32
      %dma_start3A_947 = arith.constant 0 : i32
      %dma_start3A_948 = tpu.memref_slice %arg7[%dma_start3A_939, %dma_start3A_946, %dma_start3A_947] : memref<8x128x64xf32, #tpu.memory_space<vmem>> -> memref<1x128x64xf32, #tpu.memory_space<vmem>>
      %dma_start3A_949 = tpu.memref_squeeze %dma_start3A_948 : memref<1x128x64xf32, #tpu.memory_space<vmem>> -> memref<128x64xf32, #tpu.memory_space<vmem>>
      tpu.enqueue_dma source(%dma_start3A_949 : memref<128x64xf32, #tpu.memory_space<vmem>>) target(%dma_start3A_945 : memref<128x64xf32, #tpu.memory_space<hbm>>) target_semaphore(%arg16 : memref<!tpu.dma_semaphore, #tpu.memory_space<semaphore_mem>>)
      %lt3A = arith.constant 24 : i32
      %lt3A_950 = arith.cmpi slt, %scan3A_822, %lt3A : i32
      %convert_element_type3A_951 = arith.extui %lt3A_950 : i1 to i32
      %cond3A_952 = arith.constant 0 : i32
      %cond3A_953 = arith.cmpi ne, %convert_element_type3A_951, %cond3A_952 : i32
      scf.if %cond3A_953 {
        %mul3A_1215 = arith.constant 8 : i32
        %mul3A_1216 = arith.muli %scan3A_822, %mul3A_1215 : i32
        %add3A_1217 = arith.constant 1 : i32
        %add3A_1218 = arith.addi %mul3A_1216, %add3A_1217 : i32
        %mul3A_1219 = arith.constant 128 : i32
        %mul3A_1220 = arith.muli %add3A, %mul3A_1219 : i32
        %mul3A_1221 = arith.constant 2 : i32
        %mul3A_1222 = arith.muli %add3A_1218, %mul3A_1221 : i32
        %mul3A_1223 = arith.constant 64 : i32
        %mul3A_1224 = arith.muli %mul3A_1222, %mul3A_1223 : i32
        %dma_wait3A_1225 = arith.constant 0 : i32
        %dma_wait3A_1226 = arith.constant 0 : i32
        %dma_wait3A_1227 = arith.constant 0 : i32
        %dma_wait3A_1228 = tpu.memref_slice %arg7[%dma_wait3A_1225, %dma_wait3A_1226, %dma_wait3A_1227] : memref<8x128x64xf32, #tpu.memory_space<vmem>> -> memref<1x128x64xf32, #tpu.memory_space<vmem>>
        %dma_wait3A_1229 = tpu.memref_squeeze %dma_wait3A_1228 : memref<1x128x64xf32, #tpu.memory_space<vmem>> -> memref<128x64xf32, #tpu.memory_space<vmem>>
        %dma_wait3A_1230 = tpu.memref_slice %arg4[%mul3A_1220, %mul3A_1224] : memref<4096x25600xf32, #tpu.memory_space<hbm>> -> memref<128x64xf32, #tpu.memory_space<hbm>>
        %dma_wait3A_1231 = tpu.memref_slice %arg4[%mul3A_1220, %mul3A_1224] : memref<4096x25600xf32, #tpu.memory_space<hbm>> -> memref<128x64xf32, #tpu.memory_space<hbm>>
        %dma_wait3A_1232 = arith.constant 0 : i32
        %dma_wait3A_1233 = arith.constant 0 : i32
        %dma_wait3A_1234 = tpu.memref_slice %arg7[%dma_wait3A_1225, %dma_wait3A_1232, %dma_wait3A_1233] : memref<8x128x64xf32, #tpu.memory_space<vmem>> -> memref<1x128x64xf32, #tpu.memory_space<vmem>>
        %dma_wait3A_1235 = tpu.memref_squeeze %dma_wait3A_1234 : memref<1x128x64xf32, #tpu.memory_space<vmem>> -> memref<128x64xf32, #tpu.memory_space<vmem>>
        tpu.wait_dma2 semaphore(%arg16 : memref<!tpu.dma_semaphore, #tpu.memory_space<semaphore_mem>>) src(%dma_wait3A_1235 : memref<128x64xf32, #tpu.memory_space<vmem>>) dst(%dma_wait3A_1231 : memref<128x64xf32, #tpu.memory_space<hbm>>)
        %add3A_1236 = arith.constant 1 : i32
        %add3A_1237 = arith.addi %scan3A_822, %add3A_1236 : i32
        %get3A_1238 = arith.constant 0 : i32
        %get3A_1239 = arith.index_cast %add3A_1237 : i32 to index
        %get3A_1240 = arith.index_cast %get3A_1238 : i32 to index
        %get3A_1241 = arith.constant 0 : index
        %get3A_1242 = tpu.vector_load %arg5[%get3A_1239, %get3A_1240, %get3A_1241] {strides = array<i32>} : memref<25x8x128xi32, #tpu.memory_space<vmem>>, vector<16xi32>,
        %add3A_1243 = arith.addi %get3A_1242, %get3A_1242 : vector<16xi32>
        %swap3A_1244 = arith.constant 0 : i32
        %swap3A_1245 = arith.index_cast %swap3A_1244 : i32 to index
        %swap3A_1246 = arith.constant 0 : index
        %swap3A_1247 = tpu.vector_load %arg6[%swap3A_1245, %swap3A_1246] {strides = array<i32>} : memref<8x128xi32, #tpu.memory_space<vmem>>, vector<16xi32>,
        tpu.vector_store %arg6[%swap3A_1245, %swap3A_1246], %add3A_1243 {strides = array<i32>} : memref<8x128xi32, #tpu.memory_space<vmem>>, vector<16xi32>,
        %get3A_1248 = arith.constant 0 : i32
        %get3A_1249 = arith.index_cast %add3A_1237 : i32 to index
        %get3A_1250 = arith.index_cast %get3A_1248 : i32 to index
        %get3A_1251 = arith.constant 16 : index
        %get3A_1252 = tpu.vector_load %arg5[%get3A_1249, %get3A_1250, %get3A_1251] {strides = array<i32>} : memref<25x8x128xi32, #tpu.memory_space<vmem>>, vector<16xi32>,
        %add3A_1253 = arith.addi %get3A_1252, %get3A_1252 : vector<16xi32>
        %swap3A_1254 = arith.constant 0 : i32
        %swap3A_1255 = arith.index_cast %swap3A_1254 : i32 to index
        %swap3A_1256 = arith.constant 16 : index
        %swap3A_1257 = tpu.vector_load %arg6[%swap3A_1255, %swap3A_1256] {strides = array<i32>} : memref<8x128xi32, #tpu.memory_space<vmem>>, vector<16xi32>,
        tpu.vector_store %arg6[%swap3A_1255, %swap3A_1256], %add3A_1253 {strides = array<i32>} : memref<8x128xi32, #tpu.memory_space<vmem>>, vector<16xi32>,
        %get3A_1258 = arith.constant 0 : i32
        %get3A_1259 = arith.index_cast %add3A_1237 : i32 to index
        %get3A_1260 = arith.index_cast %get3A_1258 : i32 to index
        %get3A_1261 = arith.constant 32 : index
        %get3A_1262 = tpu.vector_load %arg5[%get3A_1259, %get3A_1260, %get3A_1261] {strides = array<i32>} : memref<25x8x128xi32, #tpu.memory_space<vmem>>, vector<16xi32>,
        %add3A_1263 = arith.addi %get3A_1262, %get3A_1262 : vector<16xi32>
        %swap3A_1264 = arith.constant 0 : i32
        %swap3A_1265 = arith.index_cast %swap3A_1264 : i32 to index
        %swap3A_1266 = arith.constant 32 : index
        %swap3A_1267 = tpu.vector_load %arg6[%swap3A_1265, %swap3A_1266] {strides = array<i32>} : memref<8x128xi32, #tpu.memory_space<vmem>>, vector<16xi32>,
        tpu.vector_store %arg6[%swap3A_1265, %swap3A_1266], %add3A_1263 {strides = array<i32>} : memref<8x128xi32, #tpu.memory_space<vmem>>, vector<16xi32>,
        %get3A_1268 = arith.constant 0 : i32
        %get3A_1269 = arith.index_cast %add3A_1237 : i32 to index
        %get3A_1270 = arith.index_cast %get3A_1268 : i32 to index
        %get3A_1271 = arith.constant 48 : index
        %get3A_1272 = tpu.vector_load %arg5[%get3A_1269, %get3A_1270, %get3A_1271] {strides = array<i32>} : memref<25x8x128xi32, #tpu.memory_space<vmem>>, vector<16xi32>,
        %add3A_1273 = arith.addi %get3A_1272, %get3A_1272 : vector<16xi32>
        %swap3A_1274 = arith.constant 0 : i32
        %swap3A_1275 = arith.index_cast %swap3A_1274 : i32 to index
        %swap3A_1276 = arith.constant 48 : index
        %swap3A_1277 = tpu.vector_load %arg6[%swap3A_1275, %swap3A_1276] {strides = array<i32>} : memref<8x128xi32, #tpu.memory_space<vmem>>, vector<16xi32>,
        tpu.vector_store %arg6[%swap3A_1275, %swap3A_1276], %add3A_1273 {strides = array<i32>} : memref<8x128xi32, #tpu.memory_space<vmem>>, vector<16xi32>,
        %get3A_1278 = arith.constant 0 : i32
        %get3A_1279 = arith.index_cast %add3A_1237 : i32 to index
        %get3A_1280 = arith.index_cast %get3A_1278 : i32 to index
        %get3A_1281 = arith.constant 64 : index
        %get3A_1282 = tpu.vector_load %arg5[%get3A_1279, %get3A_1280, %get3A_1281] {strides = array<i32>} : memref<25x8x128xi32, #tpu.memory_space<vmem>>, vector<16xi32>,
        %add3A_1283 = arith.addi %get3A_1282, %get3A_1282 : vector<16xi32>
        %swap3A_1284 = arith.constant 0 : i32
        %swap3A_1285 = arith.index_cast %swap3A_1284 : i32 to index
        %swap3A_1286 = arith.constant 64 : index
        %swap3A_1287 = tpu.vector_load %arg6[%swap3A_1285, %swap3A_1286] {strides = array<i32>} : memref<8x128xi32, #tpu.memory_space<vmem>>, vector<16xi32>,
        tpu.vector_store %arg6[%swap3A_1285, %swap3A_1286], %add3A_1283 {strides = array<i32>} : memref<8x128xi32, #tpu.memory_space<vmem>>, vector<16xi32>,
        %get3A_1288 = arith.constant 0 : i32
        %get3A_1289 = arith.index_cast %add3A_1237 : i32 to index
        %get3A_1290 = arith.index_cast %get3A_1288 : i32 to index
        %get3A_1291 = arith.constant 80 : index
        %get3A_1292 = tpu.vector_load %arg5[%get3A_1289, %get3A_1290, %get3A_1291] {strides = array<i32>} : memref<25x8x128xi32, #tpu.memory_space<vmem>>, vector<16xi32>,
        %add3A_1293 = arith.addi %get3A_1292, %get3A_1292 : vector<16xi32>
        %swap3A_1294 = arith.constant 0 : i32
        %swap3A_1295 = arith.index_cast %swap3A_1294 : i32 to index
        %swap3A_1296 = arith.constant 80 : index
        %swap3A_1297 = tpu.vector_load %arg6[%swap3A_1295, %swap3A_1296] {strides = array<i32>} : memref<8x128xi32, #tpu.memory_space<vmem>>, vector<16xi32>,
        tpu.vector_store %arg6[%swap3A_1295, %swap3A_1296], %add3A_1293 {strides = array<i32>} : memref<8x128xi32, #tpu.memory_space<vmem>>, vector<16xi32>,
        %get3A_1298 = arith.constant 0 : i32
        %get3A_1299 = arith.index_cast %add3A_1237 : i32 to index
        %get3A_1300 = arith.index_cast %get3A_1298 : i32 to index
        %get3A_1301 = arith.constant 96 : index
        %get3A_1302 = tpu.vector_load %arg5[%get3A_1299, %get3A_1300, %get3A_1301] {strides = array<i32>} : memref<25x8x128xi32, #tpu.memory_space<vmem>>, vector<16xi32>,
        %add3A_1303 = arith.addi %get3A_1302, %get3A_1302 : vector<16xi32>
        %swap3A_1304 = arith.constant 0 : i32
        %swap3A_1305 = arith.index_cast %swap3A_1304 : i32 to index
        %swap3A_1306 = arith.constant 96 : index
        %swap3A_1307 = tpu.vector_load %arg6[%swap3A_1305, %swap3A_1306] {strides = array<i32>} : memref<8x128xi32, #tpu.memory_space<vmem>>, vector<16xi32>,
        tpu.vector_store %arg6[%swap3A_1305, %swap3A_1306], %add3A_1303 {strides = array<i32>} : memref<8x128xi32, #tpu.memory_space<vmem>>, vector<16xi32>,
        %get3A_1308 = arith.constant 0 : i32
        %get3A_1309 = arith.index_cast %add3A_1237 : i32 to index
        %get3A_1310 = arith.index_cast %get3A_1308 : i32 to index
        %get3A_1311 = arith.constant 112 : index
        %get3A_1312 = tpu.vector_load %arg5[%get3A_1309, %get3A_1310, %get3A_1311] {strides = array<i32>} : memref<25x8x128xi32, #tpu.memory_space<vmem>>, vector<16xi32>,
        %add3A_1313 = arith.addi %get3A_1312, %get3A_1312 : vector<16xi32>
        %swap3A_1314 = arith.constant 0 : i32
        %swap3A_1315 = arith.index_cast %swap3A_1314 : i32 to index
        %swap3A_1316 = arith.constant 112 : index
        %swap3A_1317 = tpu.vector_load %arg6[%swap3A_1315, %swap3A_1316] {strides = array<i32>} : memref<8x128xi32, #tpu.memory_space<vmem>>, vector<16xi32>,
        tpu.vector_store %arg6[%swap3A_1315, %swap3A_1316], %add3A_1313 {strides = array<i32>} : memref<8x128xi32, #tpu.memory_space<vmem>>, vector<16xi32>,
        %dma_start3A_1318 = arith.constant 0 : i32
        %dma_start3A_1319 = arith.constant 0 : i32
        %dma_start3A_1320 = arith.constant 0 : i32
        %dma_start3A_1321 = arith.constant 0 : i32
        %dma_start3A_1322 = tpu.memref_slice %arg7[%dma_start3A_1319, %dma_start3A_1320, %dma_start3A_1321] : memref<8x128x64xf32, #tpu.memory_space<vmem>> -> memref<1x128x64xf32, #tpu.memory_space<vmem>>
        %dma_start3A_1323 = tpu.memref_squeeze %dma_start3A_1322 : memref<1x128x64xf32, #tpu.memory_space<vmem>> -> memref<128x64xf32, #tpu.memory_space<vmem>>
        %dma_start3A_1324 = arith.constant 0 : i32
        %dma_start3A_1325 = tpu.memref_slice %arg6[%dma_start3A_1318, %dma_start3A_1324] : memref<8x128xi32, #tpu.memory_space<vmem>> -> memref<1x128xi32, #tpu.memory_space<vmem>>
        %dma_start3A_1326 = tpu.memref_squeeze %dma_start3A_1325 : memref<1x128xi32, #tpu.memory_space<vmem>> -> memref<128xi32, #tpu.memory_space<vmem>>
        %dma_start3A_1327 = arith.constant 0 : i32
        %dma_start3A_1328 = arith.constant 0 : i32
        %dma_start3A_1329 = tpu.memref_slice %arg3[%dma_start3A_1327, %dma_start3A_1328] : memref<2000000x64xf32, #tpu.memory_space<hbm>> -> memref<2000000x64xf32, #tpu.memory_space<hbm>>
        tpu.enqueue_indirect_dma source(%dma_start3A_1329 : memref<2000000x64xf32, #tpu.memory_space<hbm>>) target(%dma_start3A_1323 : memref<128x64xf32, #tpu.memory_space<vmem>>) offsets(%dma_start3A_1326 : memref<128xi32, #tpu.memory_space<vmem>>) semaphore(%arg8 : memref<!tpu.dma_semaphore, #tpu.memory_space<semaphore_mem>>)
      } else {
      }
      %dma_wait3A_954 = arith.constant 1 : i32
      %dma_wait3A_955 = arith.constant 1 : i32
      %dma_wait3A_956 = arith.constant 0 : i32
      %dma_wait3A_957 = arith.constant 0 : i32
      %dma_wait3A_958 = tpu.memref_slice %arg7[%dma_wait3A_955, %dma_wait3A_956, %dma_wait3A_957] : memref<8x128x64xf32, #tpu.memory_space<vmem>> -> memref<1x128x64xf32, #tpu.memory_space<vmem>>
      %dma_wait3A_959 = tpu.memref_squeeze %dma_wait3A_958 : memref<1x128x64xf32, #tpu.memory_space<vmem>> -> memref<128x64xf32, #tpu.memory_space<vmem>>
      %dma_wait3A_960 = arith.constant 0 : i32
      %dma_wait3A_961 = tpu.memref_slice %arg6[%dma_wait3A_954, %dma_wait3A_960] : memref<8x128xi32, #tpu.memory_space<vmem>> -> memref<1x128xi32, #tpu.memory_space<vmem>>
      %dma_wait3A_962 = tpu.memref_squeeze %dma_wait3A_961 : memref<1x128xi32, #tpu.memory_space<vmem>> -> memref<128xi32, #tpu.memory_space<vmem>>
      %dma_wait3A_963 = arith.constant 0 : i32
      %dma_wait3A_964 = arith.constant 0 : i32
      %dma_wait3A_965 = tpu.memref_slice %arg3[%dma_wait3A_963, %dma_wait3A_964] : memref<2000000x64xf32, #tpu.memory_space<hbm>> -> memref<2000000x64xf32, #tpu.memory_space<hbm>>
      tpu.wait_indirect_dma semaphore(%arg9 : memref<!tpu.dma_semaphore, #tpu.memory_space<semaphore_mem>>) src(%dma_wait3A_965 : memref<2000000x64xf32, #tpu.memory_space<hbm>>) dst(%dma_wait3A_959 : memref<128x64xf32, #tpu.memory_space<vmem>>)
      %mul3A_966 = arith.constant 8 : i32
      %mul3A_967 = arith.muli %scan3A_822, %mul3A_966 : i32
      %add3A_968 = arith.constant 1 : i32
      %add3A_969 = arith.addi %mul3A_967, %add3A_968 : i32
      %mul3A_970 = arith.constant 128 : i32
      %mul3A_971 = arith.muli %add3A, %mul3A_970 : i32
      %mul3A_972 = arith.constant 2 : i32
      %mul3A_973 = arith.muli %add3A_969, %mul3A_972 : i32
      %mul3A_974 = arith.constant 64 : i32
      %mul3A_975 = arith.muli %mul3A_973, %mul3A_974 : i32
      %dma_start3A_976 = arith.constant 1 : i32
      %dma_start3A_977 = arith.constant 0 : i32
      %dma_start3A_978 = arith.constant 0 : i32
      %dma_start3A_979 = tpu.memref_slice %arg7[%dma_start3A_976, %dma_start3A_977, %dma_start3A_978] : memref<8x128x64xf32, #tpu.memory_space<vmem>> -> memref<1x128x64xf32, #tpu.memory_space<vmem>>
      %dma_start3A_980 = tpu.memref_squeeze %dma_start3A_979 : memref<1x128x64xf32, #tpu.memory_space<vmem>> -> memref<128x64xf32, #tpu.memory_space<vmem>>
      %dma_start3A_981 = tpu.memref_slice %arg4[%mul3A_971, %mul3A_975] : memref<4096x25600xf32, #tpu.memory_space<hbm>> -> memref<128x64xf32, #tpu.memory_space<hbm>>
      %dma_start3A_982 = tpu.memref_slice %arg4[%mul3A_971, %mul3A_975] : memref<4096x25600xf32, #tpu.memory_space<hbm>> -> memref<128x64xf32, #tpu.memory_space<hbm>>
      %dma_start3A_983 = arith.constant 0 : i32
      %dma_start3A_984 = arith.constant 0 : i32
      %dma_start3A_985 = tpu.memref_slice %arg7[%dma_start3A_976, %dma_start3A_983, %dma_start3A_984] : memref<8x128x64xf32, #tpu.memory_space<vmem>> -> memref<1x128x64xf32, #tpu.memory_space<vmem>>
      %dma_start3A_986 = tpu.memref_squeeze %dma_start3A_985 : memref<1x128x64xf32, #tpu.memory_space<vmem>> -> memref<128x64xf32, #tpu.memory_space<vmem>>
      tpu.enqueue_dma source(%dma_start3A_986 : memref<128x64xf32, #tpu.memory_space<vmem>>) target(%dma_start3A_982 : memref<128x64xf32, #tpu.memory_space<hbm>>) target_semaphore(%arg17 : memref<!tpu.dma_semaphore, #tpu.memory_space<semaphore_mem>>)
      %lt3A_987 = arith.constant 24 : i32
      %lt3A_988 = arith.cmpi slt, %scan3A_822, %lt3A_987 : i32
      %convert_element_type3A_989 = arith.extui %lt3A_988 : i1 to i32
      %cond3A_990 = arith.constant 0 : i32
      %cond3A_991 = arith.cmpi ne, %convert_element_type3A_989, %cond3A_990 : i32
      scf.if %cond3A_991 {
        %mul3A_1215 = arith.constant 8 : i32
        %mul3A_1216 = arith.muli %scan3A_822, %mul3A_1215 : i32
        %add3A_1217 = arith.constant 2 : i32
        %add3A_1218 = arith.addi %mul3A_1216, %add3A_1217 : i32
        %mul3A_1219 = arith.constant 128 : i32
        %mul3A_1220 = arith.muli %add3A, %mul3A_1219 : i32
        %mul3A_1221 = arith.constant 2 : i32
        %mul3A_1222 = arith.muli %add3A_1218, %mul3A_1221 : i32
        %mul3A_1223 = arith.constant 64 : i32
        %mul3A_1224 = arith.muli %mul3A_1222, %mul3A_1223 : i32
        %dma_wait3A_1225 = arith.constant 1 : i32
        %dma_wait3A_1226 = arith.constant 0 : i32
        %dma_wait3A_1227 = arith.constant 0 : i32
        %dma_wait3A_1228 = tpu.memref_slice %arg7[%dma_wait3A_1225, %dma_wait3A_1226, %dma_wait3A_1227] : memref<8x128x64xf32, #tpu.memory_space<vmem>> -> memref<1x128x64xf32, #tpu.memory_space<vmem>>
        %dma_wait3A_1229 = tpu.memref_squeeze %dma_wait3A_1228 : memref<1x128x64xf32, #tpu.memory_space<vmem>> -> memref<128x64xf32, #tpu.memory_space<vmem>>
        %dma_wait3A_1230 = tpu.memref_slice %arg4[%mul3A_1220, %mul3A_1224] : memref<4096x25600xf32, #tpu.memory_space<hbm>> -> memref<128x64xf32, #tpu.memory_space<hbm>>
        %dma_wait3A_1231 = tpu.memref_slice %arg4[%mul3A_1220, %mul3A_1224] : memref<4096x25600xf32, #tpu.memory_space<hbm>> -> memref<128x64xf32, #tpu.memory_space<hbm>>
        %dma_wait3A_1232 = arith.constant 0 : i32
        %dma_wait3A_1233 = arith.constant 0 : i32
        %dma_wait3A_1234 = tpu.memref_slice %arg7[%dma_wait3A_1225, %dma_wait3A_1232, %dma_wait3A_1233] : memref<8x128x64xf32, #tpu.memory_space<vmem>> -> memref<1x128x64xf32, #tpu.memory_space<vmem>>
        %dma_wait3A_1235 = tpu.memref_squeeze %dma_wait3A_1234 : memref<1x128x64xf32, #tpu.memory_space<vmem>> -> memref<128x64xf32, #tpu.memory_space<vmem>>
        tpu.wait_dma2 semaphore(%arg17 : memref<!tpu.dma_semaphore, #tpu.memory_space<semaphore_mem>>) src(%dma_wait3A_1235 : memref<128x64xf32, #tpu.memory_space<vmem>>) dst(%dma_wait3A_1231 : memref<128x64xf32, #tpu.memory_space<hbm>>)
        %add3A_1236 = arith.constant 1 : i32
        %add3A_1237 = arith.addi %scan3A_822, %add3A_1236 : i32
        %get3A_1238 = arith.constant 1 : i32
        %get3A_1239 = arith.index_cast %add3A_1237 : i32 to index
        %get3A_1240 = arith.index_cast %get3A_1238 : i32 to index
        %get3A_1241 = arith.constant 0 : index
        %get3A_1242 = tpu.vector_load %arg5[%get3A_1239, %get3A_1240, %get3A_1241] {strides = array<i32>} : memref<25x8x128xi32, #tpu.memory_space<vmem>>, vector<16xi32>,
        %add3A_1243 = arith.addi %get3A_1242, %get3A_1242 : vector<16xi32>
        %swap3A_1244 = arith.constant 1 : i32
        %swap3A_1245 = arith.index_cast %swap3A_1244 : i32 to index
        %swap3A_1246 = arith.constant 0 : index
        %swap3A_1247 = tpu.vector_load %arg6[%swap3A_1245, %swap3A_1246] {strides = array<i32>} : memref<8x128xi32, #tpu.memory_space<vmem>>, vector<16xi32>,
        tpu.vector_store %arg6[%swap3A_1245, %swap3A_1246], %add3A_1243 {strides = array<i32>} : memref<8x128xi32, #tpu.memory_space<vmem>>, vector<16xi32>,
        %get3A_1248 = arith.constant 1 : i32
        %get3A_1249 = arith.index_cast %add3A_1237 : i32 to index
        %get3A_1250 = arith.index_cast %get3A_1248 : i32 to index
        %get3A_1251 = arith.constant 16 : index
        %get3A_1252 = tpu.vector_load %arg5[%get3A_1249, %get3A_1250, %get3A_1251] {strides = array<i32>} : memref<25x8x128xi32, #tpu.memory_space<vmem>>, vector<16xi32>,
        %add3A_1253 = arith.addi %get3A_1252, %get3A_1252 : vector<16xi32>
        %swap3A_1254 = arith.constant 1 : i32
        %swap3A_1255 = arith.index_cast %swap3A_1254 : i32 to index
        %swap3A_1256 = arith.constant 16 : index
        %swap3A_1257 = tpu.vector_load %arg6[%swap3A_1255, %swap3A_1256] {strides = array<i32>} : memref<8x128xi32, #tpu.memory_space<vmem>>, vector<16xi32>,
        tpu.vector_store %arg6[%swap3A_1255, %swap3A_1256], %add3A_1253 {strides = array<i32>} : memref<8x128xi32, #tpu.memory_space<vmem>>, vector<16xi32>,
        %get3A_1258 = arith.constant 1 : i32
        %get3A_1259 = arith.index_cast %add3A_1237 : i32 to index
        %get3A_1260 = arith.index_cast %get3A_1258 : i32 to index
        %get3A_1261 = arith.constant 32 : index
        %get3A_1262 = tpu.vector_load %arg5[%get3A_1259, %get3A_1260, %get3A_1261] {strides = array<i32>} : memref<25x8x128xi32, #tpu.memory_space<vmem>>, vector<16xi32>,
        %add3A_1263 = arith.addi %get3A_1262, %get3A_1262 : vector<16xi32>
        %swap3A_1264 = arith.constant 1 : i32
        %swap3A_1265 = arith.index_cast %swap3A_1264 : i32 to index
        %swap3A_1266 = arith.constant 32 : index
        %swap3A_1267 = tpu.vector_load %arg6[%swap3A_1265, %swap3A_1266] {strides = array<i32>} : memref<8x128xi32, #tpu.memory_space<vmem>>, vector<16xi32>,
        tpu.vector_store %arg6[%swap3A_1265, %swap3A_1266], %add3A_1263 {strides = array<i32>} : memref<8x128xi32, #tpu.memory_space<vmem>>, vector<16xi32>,
        %get3A_1268 = arith.constant 1 : i32
        %get3A_1269 = arith.index_cast %add3A_1237 : i32 to index
        %get3A_1270 = arith.index_cast %get3A_1268 : i32 to index
        %get3A_1271 = arith.constant 48 : index
        %get3A_1272 = tpu.vector_load %arg5[%get3A_1269, %get3A_1270, %get3A_1271] {strides = array<i32>} : memref<25x8x128xi32, #tpu.memory_space<vmem>>, vector<16xi32>,
        %add3A_1273 = arith.addi %get3A_1272, %get3A_1272 : vector<16xi32>
        %swap3A_1274 = arith.constant 1 : i32
        %swap3A_1275 = arith.index_cast %swap3A_1274 : i32 to index
        %swap3A_1276 = arith.constant 48 : index
        %swap3A_1277 = tpu.vector_load %arg6[%swap3A_1275, %swap3A_1276] {strides = array<i32>} : memref<8x128xi32, #tpu.memory_space<vmem>>, vector<16xi32>,
        tpu.vector_store %arg6[%swap3A_1275, %swap3A_1276], %add3A_1273 {strides = array<i32>} : memref<8x128xi32, #tpu.memory_space<vmem>>, vector<16xi32>,
        %get3A_1278 = arith.constant 1 : i32
        %get3A_1279 = arith.index_cast %add3A_1237 : i32 to index
        %get3A_1280 = arith.index_cast %get3A_1278 : i32 to index
        %get3A_1281 = arith.constant 64 : index
        %get3A_1282 = tpu.vector_load %arg5[%get3A_1279, %get3A_1280, %get3A_1281] {strides = array<i32>} : memref<25x8x128xi32, #tpu.memory_space<vmem>>, vector<16xi32>,
        %add3A_1283 = arith.addi %get3A_1282, %get3A_1282 : vector<16xi32>
        %swap3A_1284 = arith.constant 1 : i32
        %swap3A_1285 = arith.index_cast %swap3A_1284 : i32 to index
        %swap3A_1286 = arith.constant 64 : index
        %swap3A_1287 = tpu.vector_load %arg6[%swap3A_1285, %swap3A_1286] {strides = array<i32>} : memref<8x128xi32, #tpu.memory_space<vmem>>, vector<16xi32>,
        tpu.vector_store %arg6[%swap3A_1285, %swap3A_1286], %add3A_1283 {strides = array<i32>} : memref<8x128xi32, #tpu.memory_space<vmem>>, vector<16xi32>,
        %get3A_1288 = arith.constant 1 : i32
        %get3A_1289 = arith.index_cast %add3A_1237 : i32 to index
        %get3A_1290 = arith.index_cast %get3A_1288 : i32 to index
        %get3A_1291 = arith.constant 80 : index
        %get3A_1292 = tpu.vector_load %arg5[%get3A_1289, %get3A_1290, %get3A_1291] {strides = array<i32>} : memref<25x8x128xi32, #tpu.memory_space<vmem>>, vector<16xi32>,
        %add3A_1293 = arith.addi %get3A_1292, %get3A_1292 : vector<16xi32>
        %swap3A_1294 = arith.constant 1 : i32
        %swap3A_1295 = arith.index_cast %swap3A_1294 : i32 to index
        %swap3A_1296 = arith.constant 80 : index
        %swap3A_1297 = tpu.vector_load %arg6[%swap3A_1295, %swap3A_1296] {strides = array<i32>} : memref<8x128xi32, #tpu.memory_space<vmem>>, vector<16xi32>,
        tpu.vector_store %arg6[%swap3A_1295, %swap3A_1296], %add3A_1293 {strides = array<i32>} : memref<8x128xi32, #tpu.memory_space<vmem>>, vector<16xi32>,
        %get3A_1298 = arith.constant 1 : i32
        %get3A_1299 = arith.index_cast %add3A_1237 : i32 to index
        %get3A_1300 = arith.index_cast %get3A_1298 : i32 to index
        %get3A_1301 = arith.constant 96 : index
        %get3A_1302 = tpu.vector_load %arg5[%get3A_1299, %get3A_1300, %get3A_1301] {strides = array<i32>} : memref<25x8x128xi32, #tpu.memory_space<vmem>>, vector<16xi32>,
        %add3A_1303 = arith.addi %get3A_1302, %get3A_1302 : vector<16xi32>
        %swap3A_1304 = arith.constant 1 : i32
        %swap3A_1305 = arith.index_cast %swap3A_1304 : i32 to index
        %swap3A_1306 = arith.constant 96 : index
        %swap3A_1307 = tpu.vector_load %arg6[%swap3A_1305, %swap3A_1306] {strides = array<i32>} : memref<8x128xi32, #tpu.memory_space<vmem>>, vector<16xi32>,
        tpu.vector_store %arg6[%swap3A_1305, %swap3A_1306], %add3A_1303 {strides = array<i32>} : memref<8x128xi32, #tpu.memory_space<vmem>>, vector<16xi32>,
        %get3A_1308 = arith.constant 1 : i32
        %get3A_1309 = arith.index_cast %add3A_1237 : i32 to index
        %get3A_1310 = arith.index_cast %get3A_1308 : i32 to index
        %get3A_1311 = arith.constant 112 : index
        %get3A_1312 = tpu.vector_load %arg5[%get3A_1309, %get3A_1310, %get3A_1311] {strides = array<i32>} : memref<25x8x128xi32, #tpu.memory_space<vmem>>, vector<16xi32>,
        %add3A_1313 = arith.addi %get3A_1312, %get3A_1312 : vector<16xi32>
        %swap3A_1314 = arith.constant 1 : i32
        %swap3A_1315 = arith.index_cast %swap3A_1314 : i32 to index
        %swap3A_1316 = arith.constant 112 : index
        %swap3A_1317 = tpu.vector_load %arg6[%swap3A_1315, %swap3A_1316] {strides = array<i32>} : memref<8x128xi32, #tpu.memory_space<vmem>>, vector<16xi32>,
        tpu.vector_store %arg6[%swap3A_1315, %swap3A_1316], %add3A_1313 {strides = array<i32>} : memref<8x128xi32, #tpu.memory_space<vmem>>, vector<16xi32>,
        %dma_start3A_1318 = arith.constant 1 : i32
        %dma_start3A_1319 = arith.constant 1 : i32
        %dma_start3A_1320 = arith.constant 0 : i32
        %dma_start3A_1321 = arith.constant 0 : i32
        %dma_start3A_1322 = tpu.memref_slice %arg7[%dma_start3A_1319, %dma_start3A_1320, %dma_start3A_1321] : memref<8x128x64xf32, #tpu.memory_space<vmem>> -> memref<1x128x64xf32, #tpu.memory_space<vmem>>
        %dma_start3A_1323 = tpu.memref_squeeze %dma_start3A_1322 : memref<1x128x64xf32, #tpu.memory_space<vmem>> -> memref<128x64xf32, #tpu.memory_space<vmem>>
        %dma_start3A_1324 = arith.constant 0 : i32
        %dma_start3A_1325 = tpu.memref_slice %arg6[%dma_start3A_1318, %dma_start3A_1324] : memref<8x128xi32, #tpu.memory_space<vmem>> -> memref<1x128xi32, #tpu.memory_space<vmem>>
        %dma_start3A_1326 = tpu.memref_squeeze %dma_start3A_1325 : memref<1x128xi32, #tpu.memory_space<vmem>> -> memref<128xi32, #tpu.memory_space<vmem>>
        %dma_start3A_1327 = arith.constant 0 : i32
        %dma_start3A_1328 = arith.constant 0 : i32
        %dma_start3A_1329 = tpu.memref_slice %arg3[%dma_start3A_1327, %dma_start3A_1328] : memref<2000000x64xf32, #tpu.memory_space<hbm>> -> memref<2000000x64xf32, #tpu.memory_space<hbm>>
        tpu.enqueue_indirect_dma source(%dma_start3A_1329 : memref<2000000x64xf32, #tpu.memory_space<hbm>>) target(%dma_start3A_1323 : memref<128x64xf32, #tpu.memory_space<vmem>>) offsets(%dma_start3A_1326 : memref<128xi32, #tpu.memory_space<vmem>>) semaphore(%arg9 : memref<!tpu.dma_semaphore, #tpu.memory_space<semaphore_mem>>)
      } else {
      }
      %dma_wait3A_992 = arith.constant 2 : i32
      %dma_wait3A_993 = arith.constant 2 : i32
      %dma_wait3A_994 = arith.constant 0 : i32
      %dma_wait3A_995 = arith.constant 0 : i32
      %dma_wait3A_996 = tpu.memref_slice %arg7[%dma_wait3A_993, %dma_wait3A_994, %dma_wait3A_995] : memref<8x128x64xf32, #tpu.memory_space<vmem>> -> memref<1x128x64xf32, #tpu.memory_space<vmem>>
      %dma_wait3A_997 = tpu.memref_squeeze %dma_wait3A_996 : memref<1x128x64xf32, #tpu.memory_space<vmem>> -> memref<128x64xf32, #tpu.memory_space<vmem>>
      %dma_wait3A_998 = arith.constant 0 : i32
      %dma_wait3A_999 = tpu.memref_slice %arg6[%dma_wait3A_992, %dma_wait3A_998] : memref<8x128xi32, #tpu.memory_space<vmem>> -> memref<1x128xi32, #tpu.memory_space<vmem>>
      %dma_wait3A_1000 = tpu.memref_squeeze %dma_wait3A_999 : memref<1x128xi32, #tpu.memory_space<vmem>> -> memref<128xi32, #tpu.memory_space<vmem>>
      %dma_wait3A_1001 = arith.constant 0 : i32
      %dma_wait3A_1002 = arith.constant 0 : i32
      %dma_wait3A_1003 = tpu.memref_slice %arg3[%dma_wait3A_1001, %dma_wait3A_1002] : memref<2000000x64xf32, #tpu.memory_space<hbm>> -> memref<2000000x64xf32, #tpu.memory_space<hbm>>
      tpu.wait_indirect_dma semaphore(%arg10 : memref<!tpu.dma_semaphore, #tpu.memory_space<semaphore_mem>>) src(%dma_wait3A_1003 : memref<2000000x64xf32, #tpu.memory_space<hbm>>) dst(%dma_wait3A_997 : memref<128x64xf32, #tpu.memory_space<vmem>>)
      %mul3A_1004 = arith.constant 8 : i32
      %mul3A_1005 = arith.muli %scan3A_822, %mul3A_1004 : i32
      %add3A_1006 = arith.constant 2 : i32
      %add3A_1007 = arith.addi %mul3A_1005, %add3A_1006 : i32
      %mul3A_1008 = arith.constant 128 : i32
      %mul3A_1009 = arith.muli %add3A, %mul3A_1008 : i32
      %mul3A_1010 = arith.constant 2 : i32
      %mul3A_1011 = arith.muli %add3A_1007, %mul3A_1010 : i32
      %mul3A_1012 = arith.constant 64 : i32
      %mul3A_1013 = arith.muli %mul3A_1011, %mul3A_1012 : i32
      %dma_start3A_1014 = arith.constant 2 : i32
      %dma_start3A_1015 = arith.constant 0 : i32
      %dma_start3A_1016 = arith.constant 0 : i32
      %dma_start3A_1017 = tpu.memref_slice %arg7[%dma_start3A_1014, %dma_start3A_1015, %dma_start3A_1016] : memref<8x128x64xf32, #tpu.memory_space<vmem>> -> memref<1x128x64xf32, #tpu.memory_space<vmem>>
      %dma_start3A_1018 = tpu.memref_squeeze %dma_start3A_1017 : memref<1x128x64xf32, #tpu.memory_space<vmem>> -> memref<128x64xf32, #tpu.memory_space<vmem>>
      %dma_start3A_1019 = tpu.memref_slice %arg4[%mul3A_1009, %mul3A_1013] : memref<4096x25600xf32, #tpu.memory_space<hbm>> -> memref<128x64xf32, #tpu.memory_space<hbm>>
      %dma_start3A_1020 = tpu.memref_slice %arg4[%mul3A_1009, %mul3A_1013] : memref<4096x25600xf32, #tpu.memory_space<hbm>> -> memref<128x64xf32, #tpu.memory_space<hbm>>
      %dma_start3A_1021 = arith.constant 0 : i32
      %dma_start3A_1022 = arith.constant 0 : i32
      %dma_start3A_1023 = tpu.memref_slice %arg7[%dma_start3A_1014, %dma_start3A_1021, %dma_start3A_1022] : memref<8x128x64xf32, #tpu.memory_space<vmem>> -> memref<1x128x64xf32, #tpu.memory_space<vmem>>
      %dma_start3A_1024 = tpu.memref_squeeze %dma_start3A_1023 : memref<1x128x64xf32, #tpu.memory_space<vmem>> -> memref<128x64xf32, #tpu.memory_space<vmem>>
      tpu.enqueue_dma source(%dma_start3A_1024 : memref<128x64xf32, #tpu.memory_space<vmem>>) target(%dma_start3A_1020 : memref<128x64xf32, #tpu.memory_space<hbm>>) target_semaphore(%arg18 : memref<!tpu.dma_semaphore, #tpu.memory_space<semaphore_mem>>)
      %lt3A_1025 = arith.constant 24 : i32
      %lt3A_1026 = arith.cmpi slt, %scan3A_822, %lt3A_1025 : i32
      %convert_element_type3A_1027 = arith.extui %lt3A_1026 : i1 to i32
      %cond3A_1028 = arith.constant 0 : i32
      %cond3A_1029 = arith.cmpi ne, %convert_element_type3A_1027, %cond3A_1028 : i32
      scf.if %cond3A_1029 {
        %mul3A_1215 = arith.constant 8 : i32
        %mul3A_1216 = arith.muli %scan3A_822, %mul3A_1215 : i32
        %add3A_1217 = arith.constant 3 : i32
        %add3A_1218 = arith.addi %mul3A_1216, %add3A_1217 : i32
        %mul3A_1219 = arith.constant 128 : i32
        %mul3A_1220 = arith.muli %add3A, %mul3A_1219 : i32
        %mul3A_1221 = arith.constant 2 : i32
        %mul3A_1222 = arith.muli %add3A_1218, %mul3A_1221 : i32
        %mul3A_1223 = arith.constant 64 : i32
        %mul3A_1224 = arith.muli %mul3A_1222, %mul3A_1223 : i32
        %dma_wait3A_1225 = arith.constant 2 : i32
        %dma_wait3A_1226 = arith.constant 0 : i32
        %dma_wait3A_1227 = arith.constant 0 : i32
        %dma_wait3A_1228 = tpu.memref_slice %arg7[%dma_wait3A_1225, %dma_wait3A_1226, %dma_wait3A_1227] : memref<8x128x64xf32, #tpu.memory_space<vmem>> -> memref<1x128x64xf32, #tpu.memory_space<vmem>>
        %dma_wait3A_1229 = tpu.memref_squeeze %dma_wait3A_1228 : memref<1x128x64xf32, #tpu.memory_space<vmem>> -> memref<128x64xf32, #tpu.memory_space<vmem>>
        %dma_wait3A_1230 = tpu.memref_slice %arg4[%mul3A_1220, %mul3A_1224] : memref<4096x25600xf32, #tpu.memory_space<hbm>> -> memref<128x64xf32, #tpu.memory_space<hbm>>
        %dma_wait3A_1231 = tpu.memref_slice %arg4[%mul3A_1220, %mul3A_1224] : memref<4096x25600xf32, #tpu.memory_space<hbm>> -> memref<128x64xf32, #tpu.memory_space<hbm>>
        %dma_wait3A_1232 = arith.constant 0 : i32
        %dma_wait3A_1233 = arith.constant 0 : i32
        %dma_wait3A_1234 = tpu.memref_slice %arg7[%dma_wait3A_1225, %dma_wait3A_1232, %dma_wait3A_1233] : memref<8x128x64xf32, #tpu.memory_space<vmem>> -> memref<1x128x64xf32, #tpu.memory_space<vmem>>
        %dma_wait3A_1235 = tpu.memref_squeeze %dma_wait3A_1234 : memref<1x128x64xf32, #tpu.memory_space<vmem>> -> memref<128x64xf32, #tpu.memory_space<vmem>>
        tpu.wait_dma2 semaphore(%arg18 : memref<!tpu.dma_semaphore, #tpu.memory_space<semaphore_mem>>) src(%dma_wait3A_1235 : memref<128x64xf32, #tpu.memory_space<vmem>>) dst(%dma_wait3A_1231 : memref<128x64xf32, #tpu.memory_space<hbm>>)
        %add3A_1236 = arith.constant 1 : i32
        %add3A_1237 = arith.addi %scan3A_822, %add3A_1236 : i32
        %get3A_1238 = arith.constant 2 : i32
        %get3A_1239 = arith.index_cast %add3A_1237 : i32 to index
        %get3A_1240 = arith.index_cast %get3A_1238 : i32 to index
        %get3A_1241 = arith.constant 0 : index
        %get3A_1242 = tpu.vector_load %arg5[%get3A_1239, %get3A_1240, %get3A_1241] {strides = array<i32>} : memref<25x8x128xi32, #tpu.memory_space<vmem>>, vector<16xi32>,
        %add3A_1243 = arith.addi %get3A_1242, %get3A_1242 : vector<16xi32>
        %swap3A_1244 = arith.constant 2 : i32
        %swap3A_1245 = arith.index_cast %swap3A_1244 : i32 to index
        %swap3A_1246 = arith.constant 0 : index
        %swap3A_1247 = tpu.vector_load %arg6[%swap3A_1245, %swap3A_1246] {strides = array<i32>} : memref<8x128xi32, #tpu.memory_space<vmem>>, vector<16xi32>,
        tpu.vector_store %arg6[%swap3A_1245, %swap3A_1246], %add3A_1243 {strides = array<i32>} : memref<8x128xi32, #tpu.memory_space<vmem>>, vector<16xi32>,
        %get3A_1248 = arith.constant 2 : i32
        %get3A_1249 = arith.index_cast %add3A_1237 : i32 to index
        %get3A_1250 = arith.index_cast %get3A_1248 : i32 to index
        %get3A_1251 = arith.constant 16 : index
        %get3A_1252 = tpu.vector_load %arg5[%get3A_1249, %get3A_1250, %get3A_1251] {strides = array<i32>} : memref<25x8x128xi32, #tpu.memory_space<vmem>>, vector<16xi32>,
        %add3A_1253 = arith.addi %get3A_1252, %get3A_1252 : vector<16xi32>
        %swap3A_1254 = arith.constant 2 : i32
        %swap3A_1255 = arith.index_cast %swap3A_1254 : i32 to index
        %swap3A_1256 = arith.constant 16 : index
        %swap3A_1257 = tpu.vector_load %arg6[%swap3A_1255, %swap3A_1256] {strides = array<i32>} : memref<8x128xi32, #tpu.memory_space<vmem>>, vector<16xi32>,
        tpu.vector_store %arg6[%swap3A_1255, %swap3A_1256], %add3A_1253 {strides = array<i32>} : memref<8x128xi32, #tpu.memory_space<vmem>>, vector<16xi32>,
        %get3A_1258 = arith.constant 2 : i32
        %get3A_1259 = arith.index_cast %add3A_1237 : i32 to index
        %get3A_1260 = arith.index_cast %get3A_1258 : i32 to index
        %get3A_1261 = arith.constant 32 : index
        %get3A_1262 = tpu.vector_load %arg5[%get3A_1259, %get3A_1260, %get3A_1261] {strides = array<i32>} : memref<25x8x128xi32, #tpu.memory_space<vmem>>, vector<16xi32>,
        %add3A_1263 = arith.addi %get3A_1262, %get3A_1262 : vector<16xi32>
        %swap3A_1264 = arith.constant 2 : i32
        %swap3A_1265 = arith.index_cast %swap3A_1264 : i32 to index
        %swap3A_1266 = arith.constant 32 : index
        %swap3A_1267 = tpu.vector_load %arg6[%swap3A_1265, %swap3A_1266] {strides = array<i32>} : memref<8x128xi32, #tpu.memory_space<vmem>>, vector<16xi32>,
        tpu.vector_store %arg6[%swap3A_1265, %swap3A_1266], %add3A_1263 {strides = array<i32>} : memref<8x128xi32, #tpu.memory_space<vmem>>, vector<16xi32>,
        %get3A_1268 = arith.constant 2 : i32
        %get3A_1269 = arith.index_cast %add3A_1237 : i32 to index
        %get3A_1270 = arith.index_cast %get3A_1268 : i32 to index
        %get3A_1271 = arith.constant 48 : index
        %get3A_1272 = tpu.vector_load %arg5[%get3A_1269, %get3A_1270, %get3A_1271] {strides = array<i32>} : memref<25x8x128xi32, #tpu.memory_space<vmem>>, vector<16xi32>,
        %add3A_1273 = arith.addi %get3A_1272, %get3A_1272 : vector<16xi32>
        %swap3A_1274 = arith.constant 2 : i32
        %swap3A_1275 = arith.index_cast %swap3A_1274 : i32 to index
        %swap3A_1276 = arith.constant 48 : index
        %swap3A_1277 = tpu.vector_load %arg6[%swap3A_1275, %swap3A_1276] {strides = array<i32>} : memref<8x128xi32, #tpu.memory_space<vmem>>, vector<16xi32>,
        tpu.vector_store %arg6[%swap3A_1275, %swap3A_1276], %add3A_1273 {strides = array<i32>} : memref<8x128xi32, #tpu.memory_space<vmem>>, vector<16xi32>,
        %get3A_1278 = arith.constant 2 : i32
        %get3A_1279 = arith.index_cast %add3A_1237 : i32 to index
        %get3A_1280 = arith.index_cast %get3A_1278 : i32 to index
        %get3A_1281 = arith.constant 64 : index
        %get3A_1282 = tpu.vector_load %arg5[%get3A_1279, %get3A_1280, %get3A_1281] {strides = array<i32>} : memref<25x8x128xi32, #tpu.memory_space<vmem>>, vector<16xi32>,
        %add3A_1283 = arith.addi %get3A_1282, %get3A_1282 : vector<16xi32>
        %swap3A_1284 = arith.constant 2 : i32
        %swap3A_1285 = arith.index_cast %swap3A_1284 : i32 to index
        %swap3A_1286 = arith.constant 64 : index
        %swap3A_1287 = tpu.vector_load %arg6[%swap3A_1285, %swap3A_1286] {strides = array<i32>} : memref<8x128xi32, #tpu.memory_space<vmem>>, vector<16xi32>,
        tpu.vector_store %arg6[%swap3A_1285, %swap3A_1286], %add3A_1283 {strides = array<i32>} : memref<8x128xi32, #tpu.memory_space<vmem>>, vector<16xi32>,
        %get3A_1288 = arith.constant 2 : i32
        %get3A_1289 = arith.index_cast %add3A_1237 : i32 to index
        %get3A_1290 = arith.index_cast %get3A_1288 : i32 to index
        %get3A_1291 = arith.constant 80 : index
        %get3A_1292 = tpu.vector_load %arg5[%get3A_1289, %get3A_1290, %get3A_1291] {strides = array<i32>} : memref<25x8x128xi32, #tpu.memory_space<vmem>>, vector<16xi32>,
        %add3A_1293 = arith.addi %get3A_1292, %get3A_1292 : vector<16xi32>
        %swap3A_1294 = arith.constant 2 : i32
        %swap3A_1295 = arith.index_cast %swap3A_1294 : i32 to index
        %swap3A_1296 = arith.constant 80 : index
        %swap3A_1297 = tpu.vector_load %arg6[%swap3A_1295, %swap3A_1296] {strides = array<i32>} : memref<8x128xi32, #tpu.memory_space<vmem>>, vector<16xi32>,
        tpu.vector_store %arg6[%swap3A_1295, %swap3A_1296], %add3A_1293 {strides = array<i32>} : memref<8x128xi32, #tpu.memory_space<vmem>>, vector<16xi32>,
        %get3A_1298 = arith.constant 2 : i32
        %get3A_1299 = arith.index_cast %add3A_1237 : i32 to index
        %get3A_1300 = arith.index_cast %get3A_1298 : i32 to index
        %get3A_1301 = arith.constant 96 : index
        %get3A_1302 = tpu.vector_load %arg5[%get3A_1299, %get3A_1300, %get3A_1301] {strides = array<i32>} : memref<25x8x128xi32, #tpu.memory_space<vmem>>, vector<16xi32>,
        %add3A_1303 = arith.addi %get3A_1302, %get3A_1302 : vector<16xi32>
        %swap3A_1304 = arith.constant 2 : i32
        %swap3A_1305 = arith.index_cast %swap3A_1304 : i32 to index
        %swap3A_1306 = arith.constant 96 : index
        %swap3A_1307 = tpu.vector_load %arg6[%swap3A_1305, %swap3A_1306] {strides = array<i32>} : memref<8x128xi32, #tpu.memory_space<vmem>>, vector<16xi32>,
        tpu.vector_store %arg6[%swap3A_1305, %swap3A_1306], %add3A_1303 {strides = array<i32>} : memref<8x128xi32, #tpu.memory_space<vmem>>, vector<16xi32>,
        %get3A_1308 = arith.constant 2 : i32
        %get3A_1309 = arith.index_cast %add3A_1237 : i32 to index
        %get3A_1310 = arith.index_cast %get3A_1308 : i32 to index
        %get3A_1311 = arith.constant 112 : index
        %get3A_1312 = tpu.vector_load %arg5[%get3A_1309, %get3A_1310, %get3A_1311] {strides = array<i32>} : memref<25x8x128xi32, #tpu.memory_space<vmem>>, vector<16xi32>,
        %add3A_1313 = arith.addi %get3A_1312, %get3A_1312 : vector<16xi32>
        %swap3A_1314 = arith.constant 2 : i32
        %swap3A_1315 = arith.index_cast %swap3A_1314 : i32 to index
        %swap3A_1316 = arith.constant 112 : index
        %swap3A_1317 = tpu.vector_load %arg6[%swap3A_1315, %swap3A_1316] {strides = array<i32>} : memref<8x128xi32, #tpu.memory_space<vmem>>, vector<16xi32>,
        tpu.vector_store %arg6[%swap3A_1315, %swap3A_1316], %add3A_1313 {strides = array<i32>} : memref<8x128xi32, #tpu.memory_space<vmem>>, vector<16xi32>,
        %dma_start3A_1318 = arith.constant 2 : i32
        %dma_start3A_1319 = arith.constant 2 : i32
        %dma_start3A_1320 = arith.constant 0 : i32
        %dma_start3A_1321 = arith.constant 0 : i32
        %dma_start3A_1322 = tpu.memref_slice %arg7[%dma_start3A_1319, %dma_start3A_1320, %dma_start3A_1321] : memref<8x128x64xf32, #tpu.memory_space<vmem>> -> memref<1x128x64xf32, #tpu.memory_space<vmem>>
        %dma_start3A_1323 = tpu.memref_squeeze %dma_start3A_1322 : memref<1x128x64xf32, #tpu.memory_space<vmem>> -> memref<128x64xf32, #tpu.memory_space<vmem>>
        %dma_start3A_1324 = arith.constant 0 : i32
        %dma_start3A_1325 = tpu.memref_slice %arg6[%dma_start3A_1318, %dma_start3A_1324] : memref<8x128xi32, #tpu.memory_space<vmem>> -> memref<1x128xi32, #tpu.memory_space<vmem>>
        %dma_start3A_1326 = tpu.memref_squeeze %dma_start3A_1325 : memref<1x128xi32, #tpu.memory_space<vmem>> -> memref<128xi32, #tpu.memory_space<vmem>>
        %dma_start3A_1327 = arith.constant 0 : i32
        %dma_start3A_1328 = arith.constant 0 : i32
        %dma_start3A_1329 = tpu.memref_slice %arg3[%dma_start3A_1327, %dma_start3A_1328] : memref<2000000x64xf32, #tpu.memory_space<hbm>> -> memref<2000000x64xf32, #tpu.memory_space<hbm>>
        tpu.enqueue_indirect_dma source(%dma_start3A_1329 : memref<2000000x64xf32, #tpu.memory_space<hbm>>) target(%dma_start3A_1323 : memref<128x64xf32, #tpu.memory_space<vmem>>) offsets(%dma_start3A_1326 : memref<128xi32, #tpu.memory_space<vmem>>) semaphore(%arg10 : memref<!tpu.dma_semaphore, #tpu.memory_space<semaphore_mem>>)
      } else {
      }
      %dma_wait3A_1030 = arith.constant 3 : i32
      %dma_wait3A_1031 = arith.constant 3 : i32
      %dma_wait3A_1032 = arith.constant 0 : i32
      %dma_wait3A_1033 = arith.constant 0 : i32
      %dma_wait3A_1034 = tpu.memref_slice %arg7[%dma_wait3A_1031, %dma_wait3A_1032, %dma_wait3A_1033] : memref<8x128x64xf32, #tpu.memory_space<vmem>> -> memref<1x128x64xf32, #tpu.memory_space<vmem>>
      %dma_wait3A_1035 = tpu.memref_squeeze %dma_wait3A_1034 : memref<1x128x64xf32, #tpu.memory_space<vmem>> -> memref<128x64xf32, #tpu.memory_space<vmem>>
      %dma_wait3A_1036 = arith.constant 0 : i32
      %dma_wait3A_1037 = tpu.memref_slice %arg6[%dma_wait3A_1030, %dma_wait3A_1036] : memref<8x128xi32, #tpu.memory_space<vmem>> -> memref<1x128xi32, #tpu.memory_space<vmem>>
      %dma_wait3A_1038 = tpu.memref_squeeze %dma_wait3A_1037 : memref<1x128xi32, #tpu.memory_space<vmem>> -> memref<128xi32, #tpu.memory_space<vmem>>
      %dma_wait3A_1039 = arith.constant 0 : i32
      %dma_wait3A_1040 = arith.constant 0 : i32
      %dma_wait3A_1041 = tpu.memref_slice %arg3[%dma_wait3A_1039, %dma_wait3A_1040] : memref<2000000x64xf32, #tpu.memory_space<hbm>> -> memref<2000000x64xf32, #tpu.memory_space<hbm>>
      tpu.wait_indirect_dma semaphore(%arg11 : memref<!tpu.dma_semaphore, #tpu.memory_space<semaphore_mem>>) src(%dma_wait3A_1041 : memref<2000000x64xf32, #tpu.memory_space<hbm>>) dst(%dma_wait3A_1035 : memref<128x64xf32, #tpu.memory_space<vmem>>)
      %mul3A_1042 = arith.constant 8 : i32
      %mul3A_1043 = arith.muli %scan3A_822, %mul3A_1042 : i32
      %add3A_1044 = arith.constant 3 : i32
      %add3A_1045 = arith.addi %mul3A_1043, %add3A_1044 : i32
      %mul3A_1046 = arith.constant 128 : i32
      %mul3A_1047 = arith.muli %add3A, %mul3A_1046 : i32
      %mul3A_1048 = arith.constant 2 : i32
      %mul3A_1049 = arith.muli %add3A_1045, %mul3A_1048 : i32
      %mul3A_1050 = arith.constant 64 : i32
      %mul3A_1051 = arith.muli %mul3A_1049, %mul3A_1050 : i32
      %dma_start3A_1052 = arith.constant 3 : i32
      %dma_start3A_1053 = arith.constant 0 : i32
      %dma_start3A_1054 = arith.constant 0 : i32
      %dma_start3A_1055 = tpu.memref_slice %arg7[%dma_start3A_1052, %dma_start3A_1053, %dma_start3A_1054] : memref<8x128x64xf32, #tpu.memory_space<vmem>> -> memref<1x128x64xf32, #tpu.memory_space<vmem>>
      %dma_start3A_1056 = tpu.memref_squeeze %dma_start3A_1055 : memref<1x128x64xf32, #tpu.memory_space<vmem>> -> memref<128x64xf32, #tpu.memory_space<vmem>>
      %dma_start3A_1057 = tpu.memref_slice %arg4[%mul3A_1047, %mul3A_1051] : memref<4096x25600xf32, #tpu.memory_space<hbm>> -> memref<128x64xf32, #tpu.memory_space<hbm>>
      %dma_start3A_1058 = tpu.memref_slice %arg4[%mul3A_1047, %mul3A_1051] : memref<4096x25600xf32, #tpu.memory_space<hbm>> -> memref<128x64xf32, #tpu.memory_space<hbm>>
      %dma_start3A_1059 = arith.constant 0 : i32
      %dma_start3A_1060 = arith.constant 0 : i32
      %dma_start3A_1061 = tpu.memref_slice %arg7[%dma_start3A_1052, %dma_start3A_1059, %dma_start3A_1060] : memref<8x128x64xf32, #tpu.memory_space<vmem>> -> memref<1x128x64xf32, #tpu.memory_space<vmem>>
      %dma_start3A_1062 = tpu.memref_squeeze %dma_start3A_1061 : memref<1x128x64xf32, #tpu.memory_space<vmem>> -> memref<128x64xf32, #tpu.memory_space<vmem>>
      tpu.enqueue_dma source(%dma_start3A_1062 : memref<128x64xf32, #tpu.memory_space<vmem>>) target(%dma_start3A_1058 : memref<128x64xf32, #tpu.memory_space<hbm>>) target_semaphore(%arg19 : memref<!tpu.dma_semaphore, #tpu.memory_space<semaphore_mem>>)
      %lt3A_1063 = arith.constant 24 : i32
      %lt3A_1064 = arith.cmpi slt, %scan3A_822, %lt3A_1063 : i32
      %convert_element_type3A_1065 = arith.extui %lt3A_1064 : i1 to i32
      %cond3A_1066 = arith.constant 0 : i32
      %cond3A_1067 = arith.cmpi ne, %convert_element_type3A_1065, %cond3A_1066 : i32
      scf.if %cond3A_1067 {
        %mul3A_1215 = arith.constant 8 : i32
        %mul3A_1216 = arith.muli %scan3A_822, %mul3A_1215 : i32
        %add3A_1217 = arith.constant 4 : i32
        %add3A_1218 = arith.addi %mul3A_1216, %add3A_1217 : i32
        %mul3A_1219 = arith.constant 128 : i32
        %mul3A_1220 = arith.muli %add3A, %mul3A_1219 : i32
        %mul3A_1221 = arith.constant 2 : i32
        %mul3A_1222 = arith.muli %add3A_1218, %mul3A_1221 : i32
        %mul3A_1223 = arith.constant 64 : i32
        %mul3A_1224 = arith.muli %mul3A_1222, %mul3A_1223 : i32
        %dma_wait3A_1225 = arith.constant 3 : i32
        %dma_wait3A_1226 = arith.constant 0 : i32
        %dma_wait3A_1227 = arith.constant 0 : i32
        %dma_wait3A_1228 = tpu.memref_slice %arg7[%dma_wait3A_1225, %dma_wait3A_1226, %dma_wait3A_1227] : memref<8x128x64xf32, #tpu.memory_space<vmem>> -> memref<1x128x64xf32, #tpu.memory_space<vmem>>
        %dma_wait3A_1229 = tpu.memref_squeeze %dma_wait3A_1228 : memref<1x128x64xf32, #tpu.memory_space<vmem>> -> memref<128x64xf32, #tpu.memory_space<vmem>>
        %dma_wait3A_1230 = tpu.memref_slice %arg4[%mul3A_1220, %mul3A_1224] : memref<4096x25600xf32, #tpu.memory_space<hbm>> -> memref<128x64xf32, #tpu.memory_space<hbm>>
        %dma_wait3A_1231 = tpu.memref_slice %arg4[%mul3A_1220, %mul3A_1224] : memref<4096x25600xf32, #tpu.memory_space<hbm>> -> memref<128x64xf32, #tpu.memory_space<hbm>>
        %dma_wait3A_1232 = arith.constant 0 : i32
        %dma_wait3A_1233 = arith.constant 0 : i32
        %dma_wait3A_1234 = tpu.memref_slice %arg7[%dma_wait3A_1225, %dma_wait3A_1232, %dma_wait3A_1233] : memref<8x128x64xf32, #tpu.memory_space<vmem>> -> memref<1x128x64xf32, #tpu.memory_space<vmem>>
        %dma_wait3A_1235 = tpu.memref_squeeze %dma_wait3A_1234 : memref<1x128x64xf32, #tpu.memory_space<vmem>> -> memref<128x64xf32, #tpu.memory_space<vmem>>
        tpu.wait_dma2 semaphore(%arg19 : memref<!tpu.dma_semaphore, #tpu.memory_space<semaphore_mem>>) src(%dma_wait3A_1235 : memref<128x64xf32, #tpu.memory_space<vmem>>) dst(%dma_wait3A_1231 : memref<128x64xf32, #tpu.memory_space<hbm>>)
        %add3A_1236 = arith.constant 1 : i32
        %add3A_1237 = arith.addi %scan3A_822, %add3A_1236 : i32
        %get3A_1238 = arith.constant 3 : i32
        %get3A_1239 = arith.index_cast %add3A_1237 : i32 to index
        %get3A_1240 = arith.index_cast %get3A_1238 : i32 to index
        %get3A_1241 = arith.constant 0 : index
        %get3A_1242 = tpu.vector_load %arg5[%get3A_1239, %get3A_1240, %get3A_1241] {strides = array<i32>} : memref<25x8x128xi32, #tpu.memory_space<vmem>>, vector<16xi32>,
        %add3A_1243 = arith.addi %get3A_1242, %get3A_1242 : vector<16xi32>
        %swap3A_1244 = arith.constant 3 : i32
        %swap3A_1245 = arith.index_cast %swap3A_1244 : i32 to index
        %swap3A_1246 = arith.constant 0 : index
        %swap3A_1247 = tpu.vector_load %arg6[%swap3A_1245, %swap3A_1246] {strides = array<i32>} : memref<8x128xi32, #tpu.memory_space<vmem>>, vector<16xi32>,
        tpu.vector_store %arg6[%swap3A_1245, %swap3A_1246], %add3A_1243 {strides = array<i32>} : memref<8x128xi32, #tpu.memory_space<vmem>>, vector<16xi32>,
        %get3A_1248 = arith.constant 3 : i32
        %get3A_1249 = arith.index_cast %add3A_1237 : i32 to index
        %get3A_1250 = arith.index_cast %get3A_1248 : i32 to index
        %get3A_1251 = arith.constant 16 : index
        %get3A_1252 = tpu.vector_load %arg5[%get3A_1249, %get3A_1250, %get3A_1251] {strides = array<i32>} : memref<25x8x128xi32, #tpu.memory_space<vmem>>, vector<16xi32>,
        %add3A_1253 = arith.addi %get3A_1252, %get3A_1252 : vector<16xi32>
        %swap3A_1254 = arith.constant 3 : i32
        %swap3A_1255 = arith.index_cast %swap3A_1254 : i32 to index
        %swap3A_1256 = arith.constant 16 : index
        %swap3A_1257 = tpu.vector_load %arg6[%swap3A_1255, %swap3A_1256] {strides = array<i32>} : memref<8x128xi32, #tpu.memory_space<vmem>>, vector<16xi32>,
        tpu.vector_store %arg6[%swap3A_1255, %swap3A_1256], %add3A_1253 {strides = array<i32>} : memref<8x128xi32, #tpu.memory_space<vmem>>, vector<16xi32>,
        %get3A_1258 = arith.constant 3 : i32
        %get3A_1259 = arith.index_cast %add3A_1237 : i32 to index
        %get3A_1260 = arith.index_cast %get3A_1258 : i32 to index
        %get3A_1261 = arith.constant 32 : index
        %get3A_1262 = tpu.vector_load %arg5[%get3A_1259, %get3A_1260, %get3A_1261] {strides = array<i32>} : memref<25x8x128xi32, #tpu.memory_space<vmem>>, vector<16xi32>,
        %add3A_1263 = arith.addi %get3A_1262, %get3A_1262 : vector<16xi32>
        %swap3A_1264 = arith.constant 3 : i32
        %swap3A_1265 = arith.index_cast %swap3A_1264 : i32 to index
        %swap3A_1266 = arith.constant 32 : index
        %swap3A_1267 = tpu.vector_load %arg6[%swap3A_1265, %swap3A_1266] {strides = array<i32>} : memref<8x128xi32, #tpu.memory_space<vmem>>, vector<16xi32>,
        tpu.vector_store %arg6[%swap3A_1265, %swap3A_1266], %add3A_1263 {strides = array<i32>} : memref<8x128xi32, #tpu.memory_space<vmem>>, vector<16xi32>,
        %get3A_1268 = arith.constant 3 : i32
        %get3A_1269 = arith.index_cast %add3A_1237 : i32 to index
        %get3A_1270 = arith.index_cast %get3A_1268 : i32 to index
        %get3A_1271 = arith.constant 48 : index
        %get3A_1272 = tpu.vector_load %arg5[%get3A_1269, %get3A_1270, %get3A_1271] {strides = array<i32>} : memref<25x8x128xi32, #tpu.memory_space<vmem>>, vector<16xi32>,
        %add3A_1273 = arith.addi %get3A_1272, %get3A_1272 : vector<16xi32>
        %swap3A_1274 = arith.constant 3 : i32
        %swap3A_1275 = arith.index_cast %swap3A_1274 : i32 to index
        %swap3A_1276 = arith.constant 48 : index
        %swap3A_1277 = tpu.vector_load %arg6[%swap3A_1275, %swap3A_1276] {strides = array<i32>} : memref<8x128xi32, #tpu.memory_space<vmem>>, vector<16xi32>,
        tpu.vector_store %arg6[%swap3A_1275, %swap3A_1276], %add3A_1273 {strides = array<i32>} : memref<8x128xi32, #tpu.memory_space<vmem>>, vector<16xi32>,
        %get3A_1278 = arith.constant 3 : i32
        %get3A_1279 = arith.index_cast %add3A_1237 : i32 to index
        %get3A_1280 = arith.index_cast %get3A_1278 : i32 to index
        %get3A_1281 = arith.constant 64 : index
        %get3A_1282 = tpu.vector_load %arg5[%get3A_1279, %get3A_1280, %get3A_1281] {strides = array<i32>} : memref<25x8x128xi32, #tpu.memory_space<vmem>>, vector<16xi32>,
        %add3A_1283 = arith.addi %get3A_1282, %get3A_1282 : vector<16xi32>
        %swap3A_1284 = arith.constant 3 : i32
        %swap3A_1285 = arith.index_cast %swap3A_1284 : i32 to index
        %swap3A_1286 = arith.constant 64 : index
        %swap3A_1287 = tpu.vector_load %arg6[%swap3A_1285, %swap3A_1286] {strides = array<i32>} : memref<8x128xi32, #tpu.memory_space<vmem>>, vector<16xi32>,
        tpu.vector_store %arg6[%swap3A_1285, %swap3A_1286], %add3A_1283 {strides = array<i32>} : memref<8x128xi32, #tpu.memory_space<vmem>>, vector<16xi32>,
        %get3A_1288 = arith.constant 3 : i32
        %get3A_1289 = arith.index_cast %add3A_1237 : i32 to index
        %get3A_1290 = arith.index_cast %get3A_1288 : i32 to index
        %get3A_1291 = arith.constant 80 : index
        %get3A_1292 = tpu.vector_load %arg5[%get3A_1289, %get3A_1290, %get3A_1291] {strides = array<i32>} : memref<25x8x128xi32, #tpu.memory_space<vmem>>, vector<16xi32>,
        %add3A_1293 = arith.addi %get3A_1292, %get3A_1292 : vector<16xi32>
        %swap3A_1294 = arith.constant 3 : i32
        %swap3A_1295 = arith.index_cast %swap3A_1294 : i32 to index
        %swap3A_1296 = arith.constant 80 : index
        %swap3A_1297 = tpu.vector_load %arg6[%swap3A_1295, %swap3A_1296] {strides = array<i32>} : memref<8x128xi32, #tpu.memory_space<vmem>>, vector<16xi32>,
        tpu.vector_store %arg6[%swap3A_1295, %swap3A_1296], %add3A_1293 {strides = array<i32>} : memref<8x128xi32, #tpu.memory_space<vmem>>, vector<16xi32>,
        %get3A_1298 = arith.constant 3 : i32
        %get3A_1299 = arith.index_cast %add3A_1237 : i32 to index
        %get3A_1300 = arith.index_cast %get3A_1298 : i32 to index
        %get3A_1301 = arith.constant 96 : index
        %get3A_1302 = tpu.vector_load %arg5[%get3A_1299, %get3A_1300, %get3A_1301] {strides = array<i32>} : memref<25x8x128xi32, #tpu.memory_space<vmem>>, vector<16xi32>,
        %add3A_1303 = arith.addi %get3A_1302, %get3A_1302 : vector<16xi32>
        %swap3A_1304 = arith.constant 3 : i32
        %swap3A_1305 = arith.index_cast %swap3A_1304 : i32 to index
        %swap3A_1306 = arith.constant 96 : index
        %swap3A_1307 = tpu.vector_load %arg6[%swap3A_1305, %swap3A_1306] {strides = array<i32>} : memref<8x128xi32, #tpu.memory_space<vmem>>, vector<16xi32>,
        tpu.vector_store %arg6[%swap3A_1305, %swap3A_1306], %add3A_1303 {strides = array<i32>} : memref<8x128xi32, #tpu.memory_space<vmem>>, vector<16xi32>,
        %get3A_1308 = arith.constant 3 : i32
        %get3A_1309 = arith.index_cast %add3A_1237 : i32 to index
        %get3A_1310 = arith.index_cast %get3A_1308 : i32 to index
        %get3A_1311 = arith.constant 112 : index
        %get3A_1312 = tpu.vector_load %arg5[%get3A_1309, %get3A_1310, %get3A_1311] {strides = array<i32>} : memref<25x8x128xi32, #tpu.memory_space<vmem>>, vector<16xi32>,
        %add3A_1313 = arith.addi %get3A_1312, %get3A_1312 : vector<16xi32>
        %swap3A_1314 = arith.constant 3 : i32
        %swap3A_1315 = arith.index_cast %swap3A_1314 : i32 to index
        %swap3A_1316 = arith.constant 112 : index
        %swap3A_1317 = tpu.vector_load %arg6[%swap3A_1315, %swap3A_1316] {strides = array<i32>} : memref<8x128xi32, #tpu.memory_space<vmem>>, vector<16xi32>,
        tpu.vector_store %arg6[%swap3A_1315, %swap3A_1316], %add3A_1313 {strides = array<i32>} : memref<8x128xi32, #tpu.memory_space<vmem>>, vector<16xi32>,
        %dma_start3A_1318 = arith.constant 3 : i32
        %dma_start3A_1319 = arith.constant 3 : i32
        %dma_start3A_1320 = arith.constant 0 : i32
        %dma_start3A_1321 = arith.constant 0 : i32
        %dma_start3A_1322 = tpu.memref_slice %arg7[%dma_start3A_1319, %dma_start3A_1320, %dma_start3A_1321] : memref<8x128x64xf32, #tpu.memory_space<vmem>> -> memref<1x128x64xf32, #tpu.memory_space<vmem>>
        %dma_start3A_1323 = tpu.memref_squeeze %dma_start3A_1322 : memref<1x128x64xf32, #tpu.memory_space<vmem>> -> memref<128x64xf32, #tpu.memory_space<vmem>>
        %dma_start3A_1324 = arith.constant 0 : i32
        %dma_start3A_1325 = tpu.memref_slice %arg6[%dma_start3A_1318, %dma_start3A_1324] : memref<8x128xi32, #tpu.memory_space<vmem>> -> memref<1x128xi32, #tpu.memory_space<vmem>>
        %dma_start3A_1326 = tpu.memref_squeeze %dma_start3A_1325 : memref<1x128xi32, #tpu.memory_space<vmem>> -> memref<128xi32, #tpu.memory_space<vmem>>
        %dma_start3A_1327 = arith.constant 0 : i32
        %dma_start3A_1328 = arith.constant 0 : i32
        %dma_start3A_1329 = tpu.memref_slice %arg3[%dma_start3A_1327, %dma_start3A_1328] : memref<2000000x64xf32, #tpu.memory_space<hbm>> -> memref<2000000x64xf32, #tpu.memory_space<hbm>>
        tpu.enqueue_indirect_dma source(%dma_start3A_1329 : memref<2000000x64xf32, #tpu.memory_space<hbm>>) target(%dma_start3A_1323 : memref<128x64xf32, #tpu.memory_space<vmem>>) offsets(%dma_start3A_1326 : memref<128xi32, #tpu.memory_space<vmem>>) semaphore(%arg11 : memref<!tpu.dma_semaphore, #tpu.memory_space<semaphore_mem>>)
      } else {
      }
      %dma_wait3A_1068 = arith.constant 4 : i32
      %dma_wait3A_1069 = arith.constant 4 : i32
      %dma_wait3A_1070 = arith.constant 0 : i32
      %dma_wait3A_1071 = arith.constant 0 : i32
      %dma_wait3A_1072 = tpu.memref_slice %arg7[%dma_wait3A_1069, %dma_wait3A_1070, %dma_wait3A_1071] : memref<8x128x64xf32, #tpu.memory_space<vmem>> -> memref<1x128x64xf32, #tpu.memory_space<vmem>>
      %dma_wait3A_1073 = tpu.memref_squeeze %dma_wait3A_1072 : memref<1x128x64xf32, #tpu.memory_space<vmem>> -> memref<128x64xf32, #tpu.memory_space<vmem>>
      %dma_wait3A_1074 = arith.constant 0 : i32
      %dma_wait3A_1075 = tpu.memref_slice %arg6[%dma_wait3A_1068, %dma_wait3A_1074] : memref<8x128xi32, #tpu.memory_space<vmem>> -> memref<1x128xi32, #tpu.memory_space<vmem>>
      %dma_wait3A_1076 = tpu.memref_squeeze %dma_wait3A_1075 : memref<1x128xi32, #tpu.memory_space<vmem>> -> memref<128xi32, #tpu.memory_space<vmem>>
      %dma_wait3A_1077 = arith.constant 0 : i32
      %dma_wait3A_1078 = arith.constant 0 : i32
      %dma_wait3A_1079 = tpu.memref_slice %arg3[%dma_wait3A_1077, %dma_wait3A_1078] : memref<2000000x64xf32, #tpu.memory_space<hbm>> -> memref<2000000x64xf32, #tpu.memory_space<hbm>>
      tpu.wait_indirect_dma semaphore(%arg12 : memref<!tpu.dma_semaphore, #tpu.memory_space<semaphore_mem>>) src(%dma_wait3A_1079 : memref<2000000x64xf32, #tpu.memory_space<hbm>>) dst(%dma_wait3A_1073 : memref<128x64xf32, #tpu.memory_space<vmem>>)
      %mul3A_1080 = arith.constant 8 : i32
      %mul3A_1081 = arith.muli %scan3A_822, %mul3A_1080 : i32
      %add3A_1082 = arith.constant 4 : i32
      %add3A_1083 = arith.addi %mul3A_1081, %add3A_1082 : i32
      %mul3A_1084 = arith.constant 128 : i32
      %mul3A_1085 = arith.muli %add3A, %mul3A_1084 : i32
      %mul3A_1086 = arith.constant 2 : i32
      %mul3A_1087 = arith.muli %add3A_1083, %mul3A_1086 : i32
      %mul3A_1088 = arith.constant 64 : i32
      %mul3A_1089 = arith.muli %mul3A_1087, %mul3A_1088 : i32
      %dma_start3A_1090 = arith.constant 4 : i32
      %dma_start3A_1091 = arith.constant 0 : i32
      %dma_start3A_1092 = arith.constant 0 : i32
      %dma_start3A_1093 = tpu.memref_slice %arg7[%dma_start3A_1090, %dma_start3A_1091, %dma_start3A_1092] : memref<8x128x64xf32, #tpu.memory_space<vmem>> -> memref<1x128x64xf32, #tpu.memory_space<vmem>>
      %dma_start3A_1094 = tpu.memref_squeeze %dma_start3A_1093 : memref<1x128x64xf32, #tpu.memory_space<vmem>> -> memref<128x64xf32, #tpu.memory_space<vmem>>
      %dma_start3A_1095 = tpu.memref_slice %arg4[%mul3A_1085, %mul3A_1089] : memref<4096x25600xf32, #tpu.memory_space<hbm>> -> memref<128x64xf32, #tpu.memory_space<hbm>>
      %dma_start3A_1096 = tpu.memref_slice %arg4[%mul3A_1085, %mul3A_1089] : memref<4096x25600xf32, #tpu.memory_space<hbm>> -> memref<128x64xf32, #tpu.memory_space<hbm>>
      %dma_start3A_1097 = arith.constant 0 : i32
      %dma_start3A_1098 = arith.constant 0 : i32
      %dma_start3A_1099 = tpu.memref_slice %arg7[%dma_start3A_1090, %dma_start3A_1097, %dma_start3A_1098] : memref<8x128x64xf32, #tpu.memory_space<vmem>> -> memref<1x128x64xf32, #tpu.memory_space<vmem>>
      %dma_start3A_1100 = tpu.memref_squeeze %dma_start3A_1099 : memref<1x128x64xf32, #tpu.memory_space<vmem>> -> memref<128x64xf32, #tpu.memory_space<vmem>>
      tpu.enqueue_dma source(%dma_start3A_1100 : memref<128x64xf32, #tpu.memory_space<vmem>>) target(%dma_start3A_1096 : memref<128x64xf32, #tpu.memory_space<hbm>>) target_semaphore(%arg20 : memref<!tpu.dma_semaphore, #tpu.memory_space<semaphore_mem>>)
      %lt3A_1101 = arith.constant 24 : i32
      %lt3A_1102 = arith.cmpi slt, %scan3A_822, %lt3A_1101 : i32
      %convert_element_type3A_1103 = arith.extui %lt3A_1102 : i1 to i32
      %cond3A_1104 = arith.constant 0 : i32
      %cond3A_1105 = arith.cmpi ne, %convert_element_type3A_1103, %cond3A_1104 : i32
      scf.if %cond3A_1105 {
        %mul3A_1215 = arith.constant 8 : i32
        %mul3A_1216 = arith.muli %scan3A_822, %mul3A_1215 : i32
        %add3A_1217 = arith.constant 5 : i32
        %add3A_1218 = arith.addi %mul3A_1216, %add3A_1217 : i32
        %mul3A_1219 = arith.constant 128 : i32
        %mul3A_1220 = arith.muli %add3A, %mul3A_1219 : i32
        %mul3A_1221 = arith.constant 2 : i32
        %mul3A_1222 = arith.muli %add3A_1218, %mul3A_1221 : i32
        %mul3A_1223 = arith.constant 64 : i32
        %mul3A_1224 = arith.muli %mul3A_1222, %mul3A_1223 : i32
        %dma_wait3A_1225 = arith.constant 4 : i32
        %dma_wait3A_1226 = arith.constant 0 : i32
        %dma_wait3A_1227 = arith.constant 0 : i32
        %dma_wait3A_1228 = tpu.memref_slice %arg7[%dma_wait3A_1225, %dma_wait3A_1226, %dma_wait3A_1227] : memref<8x128x64xf32, #tpu.memory_space<vmem>> -> memref<1x128x64xf32, #tpu.memory_space<vmem>>
        %dma_wait3A_1229 = tpu.memref_squeeze %dma_wait3A_1228 : memref<1x128x64xf32, #tpu.memory_space<vmem>> -> memref<128x64xf32, #tpu.memory_space<vmem>>
        %dma_wait3A_1230 = tpu.memref_slice %arg4[%mul3A_1220, %mul3A_1224] : memref<4096x25600xf32, #tpu.memory_space<hbm>> -> memref<128x64xf32, #tpu.memory_space<hbm>>
        %dma_wait3A_1231 = tpu.memref_slice %arg4[%mul3A_1220, %mul3A_1224] : memref<4096x25600xf32, #tpu.memory_space<hbm>> -> memref<128x64xf32, #tpu.memory_space<hbm>>
        %dma_wait3A_1232 = arith.constant 0 : i32
        %dma_wait3A_1233 = arith.constant 0 : i32
        %dma_wait3A_1234 = tpu.memref_slice %arg7[%dma_wait3A_1225, %dma_wait3A_1232, %dma_wait3A_1233] : memref<8x128x64xf32, #tpu.memory_space<vmem>> -> memref<1x128x64xf32, #tpu.memory_space<vmem>>
        %dma_wait3A_1235 = tpu.memref_squeeze %dma_wait3A_1234 : memref<1x128x64xf32, #tpu.memory_space<vmem>> -> memref<128x64xf32, #tpu.memory_space<vmem>>
        tpu.wait_dma2 semaphore(%arg20 : memref<!tpu.dma_semaphore, #tpu.memory_space<semaphore_mem>>) src(%dma_wait3A_1235 : memref<128x64xf32, #tpu.memory_space<vmem>>) dst(%dma_wait3A_1231 : memref<128x64xf32, #tpu.memory_space<hbm>>)
        %add3A_1236 = arith.constant 1 : i32
        %add3A_1237 = arith.addi %scan3A_822, %add3A_1236 : i32
        %get3A_1238 = arith.constant 4 : i32
        %get3A_1239 = arith.index_cast %add3A_1237 : i32 to index
        %get3A_1240 = arith.index_cast %get3A_1238 : i32 to index
        %get3A_1241 = arith.constant 0 : index
        %get3A_1242 = tpu.vector_load %arg5[%get3A_1239, %get3A_1240, %get3A_1241] {strides = array<i32>} : memref<25x8x128xi32, #tpu.memory_space<vmem>>, vector<16xi32>,
        %add3A_1243 = arith.addi %get3A_1242, %get3A_1242 : vector<16xi32>
        %swap3A_1244 = arith.constant 4 : i32
        %swap3A_1245 = arith.index_cast %swap3A_1244 : i32 to index
        %swap3A_1246 = arith.constant 0 : index
        %swap3A_1247 = tpu.vector_load %arg6[%swap3A_1245, %swap3A_1246] {strides = array<i32>} : memref<8x128xi32, #tpu.memory_space<vmem>>, vector<16xi32>,
        tpu.vector_store %arg6[%swap3A_1245, %swap3A_1246], %add3A_1243 {strides = array<i32>} : memref<8x128xi32, #tpu.memory_space<vmem>>, vector<16xi32>,
        %get3A_1248 = arith.constant 4 : i32
        %get3A_1249 = arith.index_cast %add3A_1237 : i32 to index
        %get3A_1250 = arith.index_cast %get3A_1248 : i32 to index
        %get3A_1251 = arith.constant 16 : index
        %get3A_1252 = tpu.vector_load %arg5[%get3A_1249, %get3A_1250, %get3A_1251] {strides = array<i32>} : memref<25x8x128xi32, #tpu.memory_space<vmem>>, vector<16xi32>,
        %add3A_1253 = arith.addi %get3A_1252, %get3A_1252 : vector<16xi32>
        %swap3A_1254 = arith.constant 4 : i32
        %swap3A_1255 = arith.index_cast %swap3A_1254 : i32 to index
        %swap3A_1256 = arith.constant 16 : index
        %swap3A_1257 = tpu.vector_load %arg6[%swap3A_1255, %swap3A_1256] {strides = array<i32>} : memref<8x128xi32, #tpu.memory_space<vmem>>, vector<16xi32>,
        tpu.vector_store %arg6[%swap3A_1255, %swap3A_1256], %add3A_1253 {strides = array<i32>} : memref<8x128xi32, #tpu.memory_space<vmem>>, vector<16xi32>,
        %get3A_1258 = arith.constant 4 : i32
        %get3A_1259 = arith.index_cast %add3A_1237 : i32 to index
        %get3A_1260 = arith.index_cast %get3A_1258 : i32 to index
        %get3A_1261 = arith.constant 32 : index
        %get3A_1262 = tpu.vector_load %arg5[%get3A_1259, %get3A_1260, %get3A_1261] {strides = array<i32>} : memref<25x8x128xi32, #tpu.memory_space<vmem>>, vector<16xi32>,
        %add3A_1263 = arith.addi %get3A_1262, %get3A_1262 : vector<16xi32>
        %swap3A_1264 = arith.constant 4 : i32
        %swap3A_1265 = arith.index_cast %swap3A_1264 : i32 to index
        %swap3A_1266 = arith.constant 32 : index
        %swap3A_1267 = tpu.vector_load %arg6[%swap3A_1265, %swap3A_1266] {strides = array<i32>} : memref<8x128xi32, #tpu.memory_space<vmem>>, vector<16xi32>,
        tpu.vector_store %arg6[%swap3A_1265, %swap3A_1266], %add3A_1263 {strides = array<i32>} : memref<8x128xi32, #tpu.memory_space<vmem>>, vector<16xi32>,
        %get3A_1268 = arith.constant 4 : i32
        %get3A_1269 = arith.index_cast %add3A_1237 : i32 to index
        %get3A_1270 = arith.index_cast %get3A_1268 : i32 to index
        %get3A_1271 = arith.constant 48 : index
        %get3A_1272 = tpu.vector_load %arg5[%get3A_1269, %get3A_1270, %get3A_1271] {strides = array<i32>} : memref<25x8x128xi32, #tpu.memory_space<vmem>>, vector<16xi32>,
        %add3A_1273 = arith.addi %get3A_1272, %get3A_1272 : vector<16xi32>
        %swap3A_1274 = arith.constant 4 : i32
        %swap3A_1275 = arith.index_cast %swap3A_1274 : i32 to index
        %swap3A_1276 = arith.constant 48 : index
        %swap3A_1277 = tpu.vector_load %arg6[%swap3A_1275, %swap3A_1276] {strides = array<i32>} : memref<8x128xi32, #tpu.memory_space<vmem>>, vector<16xi32>,
        tpu.vector_store %arg6[%swap3A_1275, %swap3A_1276], %add3A_1273 {strides = array<i32>} : memref<8x128xi32, #tpu.memory_space<vmem>>, vector<16xi32>,
        %get3A_1278 = arith.constant 4 : i32
        %get3A_1279 = arith.index_cast %add3A_1237 : i32 to index
        %get3A_1280 = arith.index_cast %get3A_1278 : i32 to index
        %get3A_1281 = arith.constant 64 : index
        %get3A_1282 = tpu.vector_load %arg5[%get3A_1279, %get3A_1280, %get3A_1281] {strides = array<i32>} : memref<25x8x128xi32, #tpu.memory_space<vmem>>, vector<16xi32>,
        %add3A_1283 = arith.addi %get3A_1282, %get3A_1282 : vector<16xi32>
        %swap3A_1284 = arith.constant 4 : i32
        %swap3A_1285 = arith.index_cast %swap3A_1284 : i32 to index
        %swap3A_1286 = arith.constant 64 : index
        %swap3A_1287 = tpu.vector_load %arg6[%swap3A_1285, %swap3A_1286] {strides = array<i32>} : memref<8x128xi32, #tpu.memory_space<vmem>>, vector<16xi32>,
        tpu.vector_store %arg6[%swap3A_1285, %swap3A_1286], %add3A_1283 {strides = array<i32>} : memref<8x128xi32, #tpu.memory_space<vmem>>, vector<16xi32>,
        %get3A_1288 = arith.constant 4 : i32
        %get3A_1289 = arith.index_cast %add3A_1237 : i32 to index
        %get3A_1290 = arith.index_cast %get3A_1288 : i32 to index
        %get3A_1291 = arith.constant 80 : index
        %get3A_1292 = tpu.vector_load %arg5[%get3A_1289, %get3A_1290, %get3A_1291] {strides = array<i32>} : memref<25x8x128xi32, #tpu.memory_space<vmem>>, vector<16xi32>,
        %add3A_1293 = arith.addi %get3A_1292, %get3A_1292 : vector<16xi32>
        %swap3A_1294 = arith.constant 4 : i32
        %swap3A_1295 = arith.index_cast %swap3A_1294 : i32 to index
        %swap3A_1296 = arith.constant 80 : index
        %swap3A_1297 = tpu.vector_load %arg6[%swap3A_1295, %swap3A_1296] {strides = array<i32>} : memref<8x128xi32, #tpu.memory_space<vmem>>, vector<16xi32>,
        tpu.vector_store %arg6[%swap3A_1295, %swap3A_1296], %add3A_1293 {strides = array<i32>} : memref<8x128xi32, #tpu.memory_space<vmem>>, vector<16xi32>,
        %get3A_1298 = arith.constant 4 : i32
        %get3A_1299 = arith.index_cast %add3A_1237 : i32 to index
        %get3A_1300 = arith.index_cast %get3A_1298 : i32 to index
        %get3A_1301 = arith.constant 96 : index
        %get3A_1302 = tpu.vector_load %arg5[%get3A_1299, %get3A_1300, %get3A_1301] {strides = array<i32>} : memref<25x8x128xi32, #tpu.memory_space<vmem>>, vector<16xi32>,
        %add3A_1303 = arith.addi %get3A_1302, %get3A_1302 : vector<16xi32>
        %swap3A_1304 = arith.constant 4 : i32
        %swap3A_1305 = arith.index_cast %swap3A_1304 : i32 to index
        %swap3A_1306 = arith.constant 96 : index
        %swap3A_1307 = tpu.vector_load %arg6[%swap3A_1305, %swap3A_1306] {strides = array<i32>} : memref<8x128xi32, #tpu.memory_space<vmem>>, vector<16xi32>,
        tpu.vector_store %arg6[%swap3A_1305, %swap3A_1306], %add3A_1303 {strides = array<i32>} : memref<8x128xi32, #tpu.memory_space<vmem>>, vector<16xi32>,
        %get3A_1308 = arith.constant 4 : i32
        %get3A_1309 = arith.index_cast %add3A_1237 : i32 to index
        %get3A_1310 = arith.index_cast %get3A_1308 : i32 to index
        %get3A_1311 = arith.constant 112 : index
        %get3A_1312 = tpu.vector_load %arg5[%get3A_1309, %get3A_1310, %get3A_1311] {strides = array<i32>} : memref<25x8x128xi32, #tpu.memory_space<vmem>>, vector<16xi32>,
        %add3A_1313 = arith.addi %get3A_1312, %get3A_1312 : vector<16xi32>
        %swap3A_1314 = arith.constant 4 : i32
        %swap3A_1315 = arith.index_cast %swap3A_1314 : i32 to index
        %swap3A_1316 = arith.constant 112 : index
        %swap3A_1317 = tpu.vector_load %arg6[%swap3A_1315, %swap3A_1316] {strides = array<i32>} : memref<8x128xi32, #tpu.memory_space<vmem>>, vector<16xi32>,
        tpu.vector_store %arg6[%swap3A_1315, %swap3A_1316], %add3A_1313 {strides = array<i32>} : memref<8x128xi32, #tpu.memory_space<vmem>>, vector<16xi32>,
        %dma_start3A_1318 = arith.constant 4 : i32
        %dma_start3A_1319 = arith.constant 4 : i32
        %dma_start3A_1320 = arith.constant 0 : i32
        %dma_start3A_1321 = arith.constant 0 : i32
        %dma_start3A_1322 = tpu.memref_slice %arg7[%dma_start3A_1319, %dma_start3A_1320, %dma_start3A_1321] : memref<8x128x64xf32, #tpu.memory_space<vmem>> -> memref<1x128x64xf32, #tpu.memory_space<vmem>>
        %dma_start3A_1323 = tpu.memref_squeeze %dma_start3A_1322 : memref<1x128x64xf32, #tpu.memory_space<vmem>> -> memref<128x64xf32, #tpu.memory_space<vmem>>
        %dma_start3A_1324 = arith.constant 0 : i32
        %dma_start3A_1325 = tpu.memref_slice %arg6[%dma_start3A_1318, %dma_start3A_1324] : memref<8x128xi32, #tpu.memory_space<vmem>> -> memref<1x128xi32, #tpu.memory_space<vmem>>
        %dma_start3A_1326 = tpu.memref_squeeze %dma_start3A_1325 : memref<1x128xi32, #tpu.memory_space<vmem>> -> memref<128xi32, #tpu.memory_space<vmem>>
        %dma_start3A_1327 = arith.constant 0 : i32
        %dma_start3A_1328 = arith.constant 0 : i32
        %dma_start3A_1329 = tpu.memref_slice %arg3[%dma_start3A_1327, %dma_start3A_1328] : memref<2000000x64xf32, #tpu.memory_space<hbm>> -> memref<2000000x64xf32, #tpu.memory_space<hbm>>
        tpu.enqueue_indirect_dma source(%dma_start3A_1329 : memref<2000000x64xf32, #tpu.memory_space<hbm>>) target(%dma_start3A_1323 : memref<128x64xf32, #tpu.memory_space<vmem>>) offsets(%dma_start3A_1326 : memref<128xi32, #tpu.memory_space<vmem>>) semaphore(%arg12 : memref<!tpu.dma_semaphore, #tpu.memory_space<semaphore_mem>>)
      } else {
      }
      %dma_wait3A_1106 = arith.constant 5 : i32
      %dma_wait3A_1107 = arith.constant 5 : i32
      %dma_wait3A_1108 = arith.constant 0 : i32
      %dma_wait3A_1109 = arith.constant 0 : i32
      %dma_wait3A_1110 = tpu.memref_slice %arg7[%dma_wait3A_1107, %dma_wait3A_1108, %dma_wait3A_1109] : memref<8x128x64xf32, #tpu.memory_space<vmem>> -> memref<1x128x64xf32, #tpu.memory_space<vmem>>
      %dma_wait3A_1111 = tpu.memref_squeeze %dma_wait3A_1110 : memref<1x128x64xf32, #tpu.memory_space<vmem>> -> memref<128x64xf32, #tpu.memory_space<vmem>>
      %dma_wait3A_1112 = arith.constant 0 : i32
      %dma_wait3A_1113 = tpu.memref_slice %arg6[%dma_wait3A_1106, %dma_wait3A_1112] : memref<8x128xi32, #tpu.memory_space<vmem>> -> memref<1x128xi32, #tpu.memory_space<vmem>>
      %dma_wait3A_1114 = tpu.memref_squeeze %dma_wait3A_1113 : memref<1x128xi32, #tpu.memory_space<vmem>> -> memref<128xi32, #tpu.memory_space<vmem>>
      %dma_wait3A_1115 = arith.constant 0 : i32
      %dma_wait3A_1116 = arith.constant 0 : i32
      %dma_wait3A_1117 = tpu.memref_slice %arg3[%dma_wait3A_1115, %dma_wait3A_1116] : memref<2000000x64xf32, #tpu.memory_space<hbm>> -> memref<2000000x64xf32, #tpu.memory_space<hbm>>
      tpu.wait_indirect_dma semaphore(%arg13 : memref<!tpu.dma_semaphore, #tpu.memory_space<semaphore_mem>>) src(%dma_wait3A_1117 : memref<2000000x64xf32, #tpu.memory_space<hbm>>) dst(%dma_wait3A_1111 : memref<128x64xf32, #tpu.memory_space<vmem>>)
      %mul3A_1118 = arith.constant 8 : i32
      %mul3A_1119 = arith.muli %scan3A_822, %mul3A_1118 : i32
      %add3A_1120 = arith.constant 5 : i32
      %add3A_1121 = arith.addi %mul3A_1119, %add3A_1120 : i32
      %mul3A_1122 = arith.constant 128 : i32
      %mul3A_1123 = arith.muli %add3A, %mul3A_1122 : i32
      %mul3A_1124 = arith.constant 2 : i32
      %mul3A_1125 = arith.muli %add3A_1121, %mul3A_1124 : i32
      %mul3A_1126 = arith.constant 64 : i32
      %mul3A_1127 = arith.muli %mul3A_1125, %mul3A_1126 : i32
      %dma_start3A_1128 = arith.constant 5 : i32
      %dma_start3A_1129 = arith.constant 0 : i32
      %dma_start3A_1130 = arith.constant 0 : i32
      %dma_start3A_1131 = tpu.memref_slice %arg7[%dma_start3A_1128, %dma_start3A_1129, %dma_start3A_1130] : memref<8x128x64xf32, #tpu.memory_space<vmem>> -> memref<1x128x64xf32, #tpu.memory_space<vmem>>
      %dma_start3A_1132 = tpu.memref_squeeze %dma_start3A_1131 : memref<1x128x64xf32, #tpu.memory_space<vmem>> -> memref<128x64xf32, #tpu.memory_space<vmem>>
      %dma_start3A_1133 = tpu.memref_slice %arg4[%mul3A_1123, %mul3A_1127] : memref<4096x25600xf32, #tpu.memory_space<hbm>> -> memref<128x64xf32, #tpu.memory_space<hbm>>
      %dma_start3A_1134 = tpu.memref_slice %arg4[%mul3A_1123, %mul3A_1127] : memref<4096x25600xf32, #tpu.memory_space<hbm>> -> memref<128x64xf32, #tpu.memory_space<hbm>>
      %dma_start3A_1135 = arith.constant 0 : i32
      %dma_start3A_1136 = arith.constant 0 : i32
      %dma_start3A_1137 = tpu.memref_slice %arg7[%dma_start3A_1128, %dma_start3A_1135, %dma_start3A_1136] : memref<8x128x64xf32, #tpu.memory_space<vmem>> -> memref<1x128x64xf32, #tpu.memory_space<vmem>>
      %dma_start3A_1138 = tpu.memref_squeeze %dma_start3A_1137 : memref<1x128x64xf32, #tpu.memory_space<vmem>> -> memref<128x64xf32, #tpu.memory_space<vmem>>
      tpu.enqueue_dma source(%dma_start3A_1138 : memref<128x64xf32, #tpu.memory_space<vmem>>) target(%dma_start3A_1134 : memref<128x64xf32, #tpu.memory_space<hbm>>) target_semaphore(%arg21 : memref<!tpu.dma_semaphore, #tpu.memory_space<semaphore_mem>>)
      %lt3A_1139 = arith.constant 24 : i32
      %lt3A_1140 = arith.cmpi slt, %scan3A_822, %lt3A_1139 : i32
      %convert_element_type3A_1141 = arith.extui %lt3A_1140 : i1 to i32
      %cond3A_1142 = arith.constant 0 : i32
      %cond3A_1143 = arith.cmpi ne, %convert_element_type3A_1141, %cond3A_1142 : i32
      scf.if %cond3A_1143 {
        %mul3A_1215 = arith.constant 8 : i32
        %mul3A_1216 = arith.muli %scan3A_822, %mul3A_1215 : i32
        %add3A_1217 = arith.constant 6 : i32
        %add3A_1218 = arith.addi %mul3A_1216, %add3A_1217 : i32
        %mul3A_1219 = arith.constant 128 : i32
        %mul3A_1220 = arith.muli %add3A, %mul3A_1219 : i32
        %mul3A_1221 = arith.constant 2 : i32
        %mul3A_1222 = arith.muli %add3A_1218, %mul3A_1221 : i32
        %mul3A_1223 = arith.constant 64 : i32
        %mul3A_1224 = arith.muli %mul3A_1222, %mul3A_1223 : i32
        %dma_wait3A_1225 = arith.constant 5 : i32
        %dma_wait3A_1226 = arith.constant 0 : i32
        %dma_wait3A_1227 = arith.constant 0 : i32
        %dma_wait3A_1228 = tpu.memref_slice %arg7[%dma_wait3A_1225, %dma_wait3A_1226, %dma_wait3A_1227] : memref<8x128x64xf32, #tpu.memory_space<vmem>> -> memref<1x128x64xf32, #tpu.memory_space<vmem>>
        %dma_wait3A_1229 = tpu.memref_squeeze %dma_wait3A_1228 : memref<1x128x64xf32, #tpu.memory_space<vmem>> -> memref<128x64xf32, #tpu.memory_space<vmem>>
        %dma_wait3A_1230 = tpu.memref_slice %arg4[%mul3A_1220, %mul3A_1224] : memref<4096x25600xf32, #tpu.memory_space<hbm>> -> memref<128x64xf32, #tpu.memory_space<hbm>>
        %dma_wait3A_1231 = tpu.memref_slice %arg4[%mul3A_1220, %mul3A_1224] : memref<4096x25600xf32, #tpu.memory_space<hbm>> -> memref<128x64xf32, #tpu.memory_space<hbm>>
        %dma_wait3A_1232 = arith.constant 0 : i32
        %dma_wait3A_1233 = arith.constant 0 : i32
        %dma_wait3A_1234 = tpu.memref_slice %arg7[%dma_wait3A_1225, %dma_wait3A_1232, %dma_wait3A_1233] : memref<8x128x64xf32, #tpu.memory_space<vmem>> -> memref<1x128x64xf32, #tpu.memory_space<vmem>>
        %dma_wait3A_1235 = tpu.memref_squeeze %dma_wait3A_1234 : memref<1x128x64xf32, #tpu.memory_space<vmem>> -> memref<128x64xf32, #tpu.memory_space<vmem>>
        tpu.wait_dma2 semaphore(%arg21 : memref<!tpu.dma_semaphore, #tpu.memory_space<semaphore_mem>>) src(%dma_wait3A_1235 : memref<128x64xf32, #tpu.memory_space<vmem>>) dst(%dma_wait3A_1231 : memref<128x64xf32, #tpu.memory_space<hbm>>)
        %add3A_1236 = arith.constant 1 : i32
        %add3A_1237 = arith.addi %scan3A_822, %add3A_1236 : i32
        %get3A_1238 = arith.constant 5 : i32
        %get3A_1239 = arith.index_cast %add3A_1237 : i32 to index
        %get3A_1240 = arith.index_cast %get3A_1238 : i32 to index
        %get3A_1241 = arith.constant 0 : index
        %get3A_1242 = tpu.vector_load %arg5[%get3A_1239, %get3A_1240, %get3A_1241] {strides = array<i32>} : memref<25x8x128xi32, #tpu.memory_space<vmem>>, vector<16xi32>,
        %add3A_1243 = arith.addi %get3A_1242, %get3A_1242 : vector<16xi32>
        %swap3A_1244 = arith.constant 5 : i32
        %swap3A_1245 = arith.index_cast %swap3A_1244 : i32 to index
        %swap3A_1246 = arith.constant 0 : index
        %swap3A_1247 = tpu.vector_load %arg6[%swap3A_1245, %swap3A_1246] {strides = array<i32>} : memref<8x128xi32, #tpu.memory_space<vmem>>, vector<16xi32>,
        tpu.vector_store %arg6[%swap3A_1245, %swap3A_1246], %add3A_1243 {strides = array<i32>} : memref<8x128xi32, #tpu.memory_space<vmem>>, vector<16xi32>,
        %get3A_1248 = arith.constant 5 : i32
        %get3A_1249 = arith.index_cast %add3A_1237 : i32 to index
        %get3A_1250 = arith.index_cast %get3A_1248 : i32 to index
        %get3A_1251 = arith.constant 16 : index
        %get3A_1252 = tpu.vector_load %arg5[%get3A_1249, %get3A_1250, %get3A_1251] {strides = array<i32>} : memref<25x8x128xi32, #tpu.memory_space<vmem>>, vector<16xi32>,
        %add3A_1253 = arith.addi %get3A_1252, %get3A_1252 : vector<16xi32>
        %swap3A_1254 = arith.constant 5 : i32
        %swap3A_1255 = arith.index_cast %swap3A_1254 : i32 to index
        %swap3A_1256 = arith.constant 16 : index
        %swap3A_1257 = tpu.vector_load %arg6[%swap3A_1255, %swap3A_1256] {strides = array<i32>} : memref<8x128xi32, #tpu.memory_space<vmem>>, vector<16xi32>,
        tpu.vector_store %arg6[%swap3A_1255, %swap3A_1256], %add3A_1253 {strides = array<i32>} : memref<8x128xi32, #tpu.memory_space<vmem>>, vector<16xi32>,
        %get3A_1258 = arith.constant 5 : i32
        %get3A_1259 = arith.index_cast %add3A_1237 : i32 to index
        %get3A_1260 = arith.index_cast %get3A_1258 : i32 to index
        %get3A_1261 = arith.constant 32 : index
        %get3A_1262 = tpu.vector_load %arg5[%get3A_1259, %get3A_1260, %get3A_1261] {strides = array<i32>} : memref<25x8x128xi32, #tpu.memory_space<vmem>>, vector<16xi32>,
        %add3A_1263 = arith.addi %get3A_1262, %get3A_1262 : vector<16xi32>
        %swap3A_1264 = arith.constant 5 : i32
        %swap3A_1265 = arith.index_cast %swap3A_1264 : i32 to index
        %swap3A_1266 = arith.constant 32 : index
        %swap3A_1267 = tpu.vector_load %arg6[%swap3A_1265, %swap3A_1266] {strides = array<i32>} : memref<8x128xi32, #tpu.memory_space<vmem>>, vector<16xi32>,
        tpu.vector_store %arg6[%swap3A_1265, %swap3A_1266], %add3A_1263 {strides = array<i32>} : memref<8x128xi32, #tpu.memory_space<vmem>>, vector<16xi32>,
        %get3A_1268 = arith.constant 5 : i32
        %get3A_1269 = arith.index_cast %add3A_1237 : i32 to index
        %get3A_1270 = arith.index_cast %get3A_1268 : i32 to index
        %get3A_1271 = arith.constant 48 : index
        %get3A_1272 = tpu.vector_load %arg5[%get3A_1269, %get3A_1270, %get3A_1271] {strides = array<i32>} : memref<25x8x128xi32, #tpu.memory_space<vmem>>, vector<16xi32>,
        %add3A_1273 = arith.addi %get3A_1272, %get3A_1272 : vector<16xi32>
        %swap3A_1274 = arith.constant 5 : i32
        %swap3A_1275 = arith.index_cast %swap3A_1274 : i32 to index
        %swap3A_1276 = arith.constant 48 : index
        %swap3A_1277 = tpu.vector_load %arg6[%swap3A_1275, %swap3A_1276] {strides = array<i32>} : memref<8x128xi32, #tpu.memory_space<vmem>>, vector<16xi32>,
        tpu.vector_store %arg6[%swap3A_1275, %swap3A_1276], %add3A_1273 {strides = array<i32>} : memref<8x128xi32, #tpu.memory_space<vmem>>, vector<16xi32>,
        %get3A_1278 = arith.constant 5 : i32
        %get3A_1279 = arith.index_cast %add3A_1237 : i32 to index
        %get3A_1280 = arith.index_cast %get3A_1278 : i32 to index
        %get3A_1281 = arith.constant 64 : index
        %get3A_1282 = tpu.vector_load %arg5[%get3A_1279, %get3A_1280, %get3A_1281] {strides = array<i32>} : memref<25x8x128xi32, #tpu.memory_space<vmem>>, vector<16xi32>,
        %add3A_1283 = arith.addi %get3A_1282, %get3A_1282 : vector<16xi32>
        %swap3A_1284 = arith.constant 5 : i32
        %swap3A_1285 = arith.index_cast %swap3A_1284 : i32 to index
        %swap3A_1286 = arith.constant 64 : index
        %swap3A_1287 = tpu.vector_load %arg6[%swap3A_1285, %swap3A_1286] {strides = array<i32>} : memref<8x128xi32, #tpu.memory_space<vmem>>, vector<16xi32>,
        tpu.vector_store %arg6[%swap3A_1285, %swap3A_1286], %add3A_1283 {strides = array<i32>} : memref<8x128xi32, #tpu.memory_space<vmem>>, vector<16xi32>,
        %get3A_1288 = arith.constant 5 : i32
        %get3A_1289 = arith.index_cast %add3A_1237 : i32 to index
        %get3A_1290 = arith.index_cast %get3A_1288 : i32 to index
        %get3A_1291 = arith.constant 80 : index
        %get3A_1292 = tpu.vector_load %arg5[%get3A_1289, %get3A_1290, %get3A_1291] {strides = array<i32>} : memref<25x8x128xi32, #tpu.memory_space<vmem>>, vector<16xi32>,
        %add3A_1293 = arith.addi %get3A_1292, %get3A_1292 : vector<16xi32>
        %swap3A_1294 = arith.constant 5 : i32
        %swap3A_1295 = arith.index_cast %swap3A_1294 : i32 to index
        %swap3A_1296 = arith.constant 80 : index
        %swap3A_1297 = tpu.vector_load %arg6[%swap3A_1295, %swap3A_1296] {strides = array<i32>} : memref<8x128xi32, #tpu.memory_space<vmem>>, vector<16xi32>,
        tpu.vector_store %arg6[%swap3A_1295, %swap3A_1296], %add3A_1293 {strides = array<i32>} : memref<8x128xi32, #tpu.memory_space<vmem>>, vector<16xi32>,
        %get3A_1298 = arith.constant 5 : i32
        %get3A_1299 = arith.index_cast %add3A_1237 : i32 to index
        %get3A_1300 = arith.index_cast %get3A_1298 : i32 to index
        %get3A_1301 = arith.constant 96 : index
        %get3A_1302 = tpu.vector_load %arg5[%get3A_1299, %get3A_1300, %get3A_1301] {strides = array<i32>} : memref<25x8x128xi32, #tpu.memory_space<vmem>>, vector<16xi32>,
        %add3A_1303 = arith.addi %get3A_1302, %get3A_1302 : vector<16xi32>
        %swap3A_1304 = arith.constant 5 : i32
        %swap3A_1305 = arith.index_cast %swap3A_1304 : i32 to index
        %swap3A_1306 = arith.constant 96 : index
        %swap3A_1307 = tpu.vector_load %arg6[%swap3A_1305, %swap3A_1306] {strides = array<i32>} : memref<8x128xi32, #tpu.memory_space<vmem>>, vector<16xi32>,
        tpu.vector_store %arg6[%swap3A_1305, %swap3A_1306], %add3A_1303 {strides = array<i32>} : memref<8x128xi32, #tpu.memory_space<vmem>>, vector<16xi32>,
        %get3A_1308 = arith.constant 5 : i32
        %get3A_1309 = arith.index_cast %add3A_1237 : i32 to index
        %get3A_1310 = arith.index_cast %get3A_1308 : i32 to index
        %get3A_1311 = arith.constant 112 : index
        %get3A_1312 = tpu.vector_load %arg5[%get3A_1309, %get3A_1310, %get3A_1311] {strides = array<i32>} : memref<25x8x128xi32, #tpu.memory_space<vmem>>, vector<16xi32>,
        %add3A_1313 = arith.addi %get3A_1312, %get3A_1312 : vector<16xi32>
        %swap3A_1314 = arith.constant 5 : i32
        %swap3A_1315 = arith.index_cast %swap3A_1314 : i32 to index
        %swap3A_1316 = arith.constant 112 : index
        %swap3A_1317 = tpu.vector_load %arg6[%swap3A_1315, %swap3A_1316] {strides = array<i32>} : memref<8x128xi32, #tpu.memory_space<vmem>>, vector<16xi32>,
        tpu.vector_store %arg6[%swap3A_1315, %swap3A_1316], %add3A_1313 {strides = array<i32>} : memref<8x128xi32, #tpu.memory_space<vmem>>, vector<16xi32>,
        %dma_start3A_1318 = arith.constant 5 : i32
        %dma_start3A_1319 = arith.constant 5 : i32
        %dma_start3A_1320 = arith.constant 0 : i32
        %dma_start3A_1321 = arith.constant 0 : i32
        %dma_start3A_1322 = tpu.memref_slice %arg7[%dma_start3A_1319, %dma_start3A_1320, %dma_start3A_1321] : memref<8x128x64xf32, #tpu.memory_space<vmem>> -> memref<1x128x64xf32, #tpu.memory_space<vmem>>
        %dma_start3A_1323 = tpu.memref_squeeze %dma_start3A_1322 : memref<1x128x64xf32, #tpu.memory_space<vmem>> -> memref<128x64xf32, #tpu.memory_space<vmem>>
        %dma_start3A_1324 = arith.constant 0 : i32
        %dma_start3A_1325 = tpu.memref_slice %arg6[%dma_start3A_1318, %dma_start3A_1324] : memref<8x128xi32, #tpu.memory_space<vmem>> -> memref<1x128xi32, #tpu.memory_space<vmem>>
        %dma_start3A_1326 = tpu.memref_squeeze %dma_start3A_1325 : memref<1x128xi32, #tpu.memory_space<vmem>> -> memref<128xi32, #tpu.memory_space<vmem>>
        %dma_start3A_1327 = arith.constant 0 : i32
        %dma_start3A_1328 = arith.constant 0 : i32
        %dma_start3A_1329 = tpu.memref_slice %arg3[%dma_start3A_1327, %dma_start3A_1328] : memref<2000000x64xf32, #tpu.memory_space<hbm>> -> memref<2000000x64xf32, #tpu.memory_space<hbm>>
        tpu.enqueue_indirect_dma source(%dma_start3A_1329 : memref<2000000x64xf32, #tpu.memory_space<hbm>>) target(%dma_start3A_1323 : memref<128x64xf32, #tpu.memory_space<vmem>>) offsets(%dma_start3A_1326 : memref<128xi32, #tpu.memory_space<vmem>>) semaphore(%arg13 : memref<!tpu.dma_semaphore, #tpu.memory_space<semaphore_mem>>)
      } else {
      }
      %dma_wait3A_1144 = arith.constant 6 : i32
      %dma_wait3A_1145 = arith.constant 6 : i32
      %dma_wait3A_1146 = arith.constant 0 : i32
      %dma_wait3A_1147 = arith.constant 0 : i32
      %dma_wait3A_1148 = tpu.memref_slice %arg7[%dma_wait3A_1145, %dma_wait3A_1146, %dma_wait3A_1147] : memref<8x128x64xf32, #tpu.memory_space<vmem>> -> memref<1x128x64xf32, #tpu.memory_space<vmem>>
      %dma_wait3A_1149 = tpu.memref_squeeze %dma_wait3A_1148 : memref<1x128x64xf32, #tpu.memory_space<vmem>> -> memref<128x64xf32, #tpu.memory_space<vmem>>
      %dma_wait3A_1150 = arith.constant 0 : i32
      %dma_wait3A_1151 = tpu.memref_slice %arg6[%dma_wait3A_1144, %dma_wait3A_1150] : memref<8x128xi32, #tpu.memory_space<vmem>> -> memref<1x128xi32, #tpu.memory_space<vmem>>
      %dma_wait3A_1152 = tpu.memref_squeeze %dma_wait3A_1151 : memref<1x128xi32, #tpu.memory_space<vmem>> -> memref<128xi32, #tpu.memory_space<vmem>>
      %dma_wait3A_1153 = arith.constant 0 : i32
      %dma_wait3A_1154 = arith.constant 0 : i32
      %dma_wait3A_1155 = tpu.memref_slice %arg3[%dma_wait3A_1153, %dma_wait3A_1154] : memref<2000000x64xf32, #tpu.memory_space<hbm>> -> memref<2000000x64xf32, #tpu.memory_space<hbm>>
      tpu.wait_indirect_dma semaphore(%arg14 : memref<!tpu.dma_semaphore, #tpu.memory_space<semaphore_mem>>) src(%dma_wait3A_1155 : memref<2000000x64xf32, #tpu.memory_space<hbm>>) dst(%dma_wait3A_1149 : memref<128x64xf32, #tpu.memory_space<vmem>>)
      %mul3A_1156 = arith.constant 8 : i32
      %mul3A_1157 = arith.muli %scan3A_822, %mul3A_1156 : i32
      %add3A_1158 = arith.constant 6 : i32
      %add3A_1159 = arith.addi %mul3A_1157, %add3A_1158 : i32
      %mul3A_1160 = arith.constant 128 : i32
      %mul3A_1161 = arith.muli %add3A, %mul3A_1160 : i32
      %mul3A_1162 = arith.constant 2 : i32
      %mul3A_1163 = arith.muli %add3A_1159, %mul3A_1162 : i32
      %mul3A_1164 = arith.constant 64 : i32
      %mul3A_1165 = arith.muli %mul3A_1163, %mul3A_1164 : i32
      %dma_start3A_1166 = arith.constant 6 : i32
      %dma_start3A_1167 = arith.constant 0 : i32
      %dma_start3A_1168 = arith.constant 0 : i32
      %dma_start3A_1169 = tpu.memref_slice %arg7[%dma_start3A_1166, %dma_start3A_1167, %dma_start3A_1168] : memref<8x128x64xf32, #tpu.memory_space<vmem>> -> memref<1x128x64xf32, #tpu.memory_space<vmem>>
      %dma_start3A_1170 = tpu.memref_squeeze %dma_start3A_1169 : memref<1x128x64xf32, #tpu.memory_space<vmem>> -> memref<128x64xf32, #tpu.memory_space<vmem>>
      %dma_start3A_1171 = tpu.memref_slice %arg4[%mul3A_1161, %mul3A_1165] : memref<4096x25600xf32, #tpu.memory_space<hbm>> -> memref<128x64xf32, #tpu.memory_space<hbm>>
      %dma_start3A_1172 = tpu.memref_slice %arg4[%mul3A_1161, %mul3A_1165] : memref<4096x25600xf32, #tpu.memory_space<hbm>> -> memref<128x64xf32, #tpu.memory_space<hbm>>
      %dma_start3A_1173 = arith.constant 0 : i32
      %dma_start3A_1174 = arith.constant 0 : i32
      %dma_start3A_1175 = tpu.memref_slice %arg7[%dma_start3A_1166, %dma_start3A_1173, %dma_start3A_1174] : memref<8x128x64xf32, #tpu.memory_space<vmem>> -> memref<1x128x64xf32, #tpu.memory_space<vmem>>
      %dma_start3A_1176 = tpu.memref_squeeze %dma_start3A_1175 : memref<1x128x64xf32, #tpu.memory_space<vmem>> -> memref<128x64xf32, #tpu.memory_space<vmem>>
      tpu.enqueue_dma source(%dma_start3A_1176 : memref<128x64xf32, #tpu.memory_space<vmem>>) target(%dma_start3A_1172 : memref<128x64xf32, #tpu.memory_space<hbm>>) target_semaphore(%arg22 : memref<!tpu.dma_semaphore, #tpu.memory_space<semaphore_mem>>)
      %lt3A_1177 = arith.constant 24 : i32
      %lt3A_1178 = arith.cmpi slt, %scan3A_822, %lt3A_1177 : i32
      %convert_element_type3A_1179 = arith.extui %lt3A_1178 : i1 to i32
      %cond3A_1180 = arith.constant 0 : i32
      %cond3A_1181 = arith.cmpi ne, %convert_element_type3A_1179, %cond3A_1180 : i32
      scf.if %cond3A_1181 {
        %mul3A_1215 = arith.constant 8 : i32
        %mul3A_1216 = arith.muli %scan3A_822, %mul3A_1215 : i32
        %add3A_1217 = arith.constant 7 : i32
        %add3A_1218 = arith.addi %mul3A_1216, %add3A_1217 : i32
        %mul3A_1219 = arith.constant 128 : i32
        %mul3A_1220 = arith.muli %add3A, %mul3A_1219 : i32
        %mul3A_1221 = arith.constant 2 : i32
        %mul3A_1222 = arith.muli %add3A_1218, %mul3A_1221 : i32
        %mul3A_1223 = arith.constant 64 : i32
        %mul3A_1224 = arith.muli %mul3A_1222, %mul3A_1223 : i32
        %dma_wait3A_1225 = arith.constant 6 : i32
        %dma_wait3A_1226 = arith.constant 0 : i32
        %dma_wait3A_1227 = arith.constant 0 : i32
        %dma_wait3A_1228 = tpu.memref_slice %arg7[%dma_wait3A_1225, %dma_wait3A_1226, %dma_wait3A_1227] : memref<8x128x64xf32, #tpu.memory_space<vmem>> -> memref<1x128x64xf32, #tpu.memory_space<vmem>>
        %dma_wait3A_1229 = tpu.memref_squeeze %dma_wait3A_1228 : memref<1x128x64xf32, #tpu.memory_space<vmem>> -> memref<128x64xf32, #tpu.memory_space<vmem>>
        %dma_wait3A_1230 = tpu.memref_slice %arg4[%mul3A_1220, %mul3A_1224] : memref<4096x25600xf32, #tpu.memory_space<hbm>> -> memref<128x64xf32, #tpu.memory_space<hbm>>
        %dma_wait3A_1231 = tpu.memref_slice %arg4[%mul3A_1220, %mul3A_1224] : memref<4096x25600xf32, #tpu.memory_space<hbm>> -> memref<128x64xf32, #tpu.memory_space<hbm>>
        %dma_wait3A_1232 = arith.constant 0 : i32
        %dma_wait3A_1233 = arith.constant 0 : i32
        %dma_wait3A_1234 = tpu.memref_slice %arg7[%dma_wait3A_1225, %dma_wait3A_1232, %dma_wait3A_1233] : memref<8x128x64xf32, #tpu.memory_space<vmem>> -> memref<1x128x64xf32, #tpu.memory_space<vmem>>
        %dma_wait3A_1235 = tpu.memref_squeeze %dma_wait3A_1234 : memref<1x128x64xf32, #tpu.memory_space<vmem>> -> memref<128x64xf32, #tpu.memory_space<vmem>>
        tpu.wait_dma2 semaphore(%arg22 : memref<!tpu.dma_semaphore, #tpu.memory_space<semaphore_mem>>) src(%dma_wait3A_1235 : memref<128x64xf32, #tpu.memory_space<vmem>>) dst(%dma_wait3A_1231 : memref<128x64xf32, #tpu.memory_space<hbm>>)
        %add3A_1236 = arith.constant 1 : i32
        %add3A_1237 = arith.addi %scan3A_822, %add3A_1236 : i32
        %get3A_1238 = arith.constant 6 : i32
        %get3A_1239 = arith.index_cast %add3A_1237 : i32 to index
        %get3A_1240 = arith.index_cast %get3A_1238 : i32 to index
        %get3A_1241 = arith.constant 0 : index
        %get3A_1242 = tpu.vector_load %arg5[%get3A_1239, %get3A_1240, %get3A_1241] {strides = array<i32>} : memref<25x8x128xi32, #tpu.memory_space<vmem>>, vector<16xi32>,
        %add3A_1243 = arith.addi %get3A_1242, %get3A_1242 : vector<16xi32>
        %swap3A_1244 = arith.constant 6 : i32
        %swap3A_1245 = arith.index_cast %swap3A_1244 : i32 to index
        %swap3A_1246 = arith.constant 0 : index
        %swap3A_1247 = tpu.vector_load %arg6[%swap3A_1245, %swap3A_1246] {strides = array<i32>} : memref<8x128xi32, #tpu.memory_space<vmem>>, vector<16xi32>,
        tpu.vector_store %arg6[%swap3A_1245, %swap3A_1246], %add3A_1243 {strides = array<i32>} : memref<8x128xi32, #tpu.memory_space<vmem>>, vector<16xi32>,
        %get3A_1248 = arith.constant 6 : i32
        %get3A_1249 = arith.index_cast %add3A_1237 : i32 to index
        %get3A_1250 = arith.index_cast %get3A_1248 : i32 to index
        %get3A_1251 = arith.constant 16 : index
        %get3A_1252 = tpu.vector_load %arg5[%get3A_1249, %get3A_1250, %get3A_1251] {strides = array<i32>} : memref<25x8x128xi32, #tpu.memory_space<vmem>>, vector<16xi32>,
        %add3A_1253 = arith.addi %get3A_1252, %get3A_1252 : vector<16xi32>
        %swap3A_1254 = arith.constant 6 : i32
        %swap3A_1255 = arith.index_cast %swap3A_1254 : i32 to index
        %swap3A_1256 = arith.constant 16 : index
        %swap3A_1257 = tpu.vector_load %arg6[%swap3A_1255, %swap3A_1256] {strides = array<i32>} : memref<8x128xi32, #tpu.memory_space<vmem>>, vector<16xi32>,
        tpu.vector_store %arg6[%swap3A_1255, %swap3A_1256], %add3A_1253 {strides = array<i32>} : memref<8x128xi32, #tpu.memory_space<vmem>>, vector<16xi32>,
        %get3A_1258 = arith.constant 6 : i32
        %get3A_1259 = arith.index_cast %add3A_1237 : i32 to index
        %get3A_1260 = arith.index_cast %get3A_1258 : i32 to index
        %get3A_1261 = arith.constant 32 : index
        %get3A_1262 = tpu.vector_load %arg5[%get3A_1259, %get3A_1260, %get3A_1261] {strides = array<i32>} : memref<25x8x128xi32, #tpu.memory_space<vmem>>, vector<16xi32>,
        %add3A_1263 = arith.addi %get3A_1262, %get3A_1262 : vector<16xi32>
        %swap3A_1264 = arith.constant 6 : i32
        %swap3A_1265 = arith.index_cast %swap3A_1264 : i32 to index
        %swap3A_1266 = arith.constant 32 : index
        %swap3A_1267 = tpu.vector_load %arg6[%swap3A_1265, %swap3A_1266] {strides = array<i32>} : memref<8x128xi32, #tpu.memory_space<vmem>>, vector<16xi32>,
        tpu.vector_store %arg6[%swap3A_1265, %swap3A_1266], %add3A_1263 {strides = array<i32>} : memref<8x128xi32, #tpu.memory_space<vmem>>, vector<16xi32>,
        %get3A_1268 = arith.constant 6 : i32
        %get3A_1269 = arith.index_cast %add3A_1237 : i32 to index
        %get3A_1270 = arith.index_cast %get3A_1268 : i32 to index
        %get3A_1271 = arith.constant 48 : index
        %get3A_1272 = tpu.vector_load %arg5[%get3A_1269, %get3A_1270, %get3A_1271] {strides = array<i32>} : memref<25x8x128xi32, #tpu.memory_space<vmem>>, vector<16xi32>,
        %add3A_1273 = arith.addi %get3A_1272, %get3A_1272 : vector<16xi32>
        %swap3A_1274 = arith.constant 6 : i32
        %swap3A_1275 = arith.index_cast %swap3A_1274 : i32 to index
        %swap3A_1276 = arith.constant 48 : index
        %swap3A_1277 = tpu.vector_load %arg6[%swap3A_1275, %swap3A_1276] {strides = array<i32>} : memref<8x128xi32, #tpu.memory_space<vmem>>, vector<16xi32>,
        tpu.vector_store %arg6[%swap3A_1275, %swap3A_1276], %add3A_1273 {strides = array<i32>} : memref<8x128xi32, #tpu.memory_space<vmem>>, vector<16xi32>,
        %get3A_1278 = arith.constant 6 : i32
        %get3A_1279 = arith.index_cast %add3A_1237 : i32 to index
        %get3A_1280 = arith.index_cast %get3A_1278 : i32 to index
        %get3A_1281 = arith.constant 64 : index
        %get3A_1282 = tpu.vector_load %arg5[%get3A_1279, %get3A_1280, %get3A_1281] {strides = array<i32>} : memref<25x8x128xi32, #tpu.memory_space<vmem>>, vector<16xi32>,
        %add3A_1283 = arith.addi %get3A_1282, %get3A_1282 : vector<16xi32>
        %swap3A_1284 = arith.constant 6 : i32
        %swap3A_1285 = arith.index_cast %swap3A_1284 : i32 to index
        %swap3A_1286 = arith.constant 64 : index
        %swap3A_1287 = tpu.vector_load %arg6[%swap3A_1285, %swap3A_1286] {strides = array<i32>} : memref<8x128xi32, #tpu.memory_space<vmem>>, vector<16xi32>,
        tpu.vector_store %arg6[%swap3A_1285, %swap3A_1286], %add3A_1283 {strides = array<i32>} : memref<8x128xi32, #tpu.memory_space<vmem>>, vector<16xi32>,
        %get3A_1288 = arith.constant 6 : i32
        %get3A_1289 = arith.index_cast %add3A_1237 : i32 to index
        %get3A_1290 = arith.index_cast %get3A_1288 : i32 to index
        %get3A_1291 = arith.constant 80 : index
        %get3A_1292 = tpu.vector_load %arg5[%get3A_1289, %get3A_1290, %get3A_1291] {strides = array<i32>} : memref<25x8x128xi32, #tpu.memory_space<vmem>>, vector<16xi32>,
        %add3A_1293 = arith.addi %get3A_1292, %get3A_1292 : vector<16xi32>
        %swap3A_1294 = arith.constant 6 : i32
        %swap3A_1295 = arith.index_cast %swap3A_1294 : i32 to index
        %swap3A_1296 = arith.constant 80 : index
        %swap3A_1297 = tpu.vector_load %arg6[%swap3A_1295, %swap3A_1296] {strides = array<i32>} : memref<8x128xi32, #tpu.memory_space<vmem>>, vector<16xi32>,
        tpu.vector_store %arg6[%swap3A_1295, %swap3A_1296], %add3A_1293 {strides = array<i32>} : memref<8x128xi32, #tpu.memory_space<vmem>>, vector<16xi32>,
        %get3A_1298 = arith.constant 6 : i32
        %get3A_1299 = arith.index_cast %add3A_1237 : i32 to index
        %get3A_1300 = arith.index_cast %get3A_1298 : i32 to index
        %get3A_1301 = arith.constant 96 : index
        %get3A_1302 = tpu.vector_load %arg5[%get3A_1299, %get3A_1300, %get3A_1301] {strides = array<i32>} : memref<25x8x128xi32, #tpu.memory_space<vmem>>, vector<16xi32>,
        %add3A_1303 = arith.addi %get3A_1302, %get3A_1302 : vector<16xi32>
        %swap3A_1304 = arith.constant 6 : i32
        %swap3A_1305 = arith.index_cast %swap3A_1304 : i32 to index
        %swap3A_1306 = arith.constant 96 : index
        %swap3A_1307 = tpu.vector_load %arg6[%swap3A_1305, %swap3A_1306] {strides = array<i32>} : memref<8x128xi32, #tpu.memory_space<vmem>>, vector<16xi32>,
        tpu.vector_store %arg6[%swap3A_1305, %swap3A_1306], %add3A_1303 {strides = array<i32>} : memref<8x128xi32, #tpu.memory_space<vmem>>, vector<16xi32>,
        %get3A_1308 = arith.constant 6 : i32
        %get3A_1309 = arith.index_cast %add3A_1237 : i32 to index
        %get3A_1310 = arith.index_cast %get3A_1308 : i32 to index
        %get3A_1311 = arith.constant 112 : index
        %get3A_1312 = tpu.vector_load %arg5[%get3A_1309, %get3A_1310, %get3A_1311] {strides = array<i32>} : memref<25x8x128xi32, #tpu.memory_space<vmem>>, vector<16xi32>,
        %add3A_1313 = arith.addi %get3A_1312, %get3A_1312 : vector<16xi32>
        %swap3A_1314 = arith.constant 6 : i32
        %swap3A_1315 = arith.index_cast %swap3A_1314 : i32 to index
        %swap3A_1316 = arith.constant 112 : index
        %swap3A_1317 = tpu.vector_load %arg6[%swap3A_1315, %swap3A_1316] {strides = array<i32>} : memref<8x128xi32, #tpu.memory_space<vmem>>, vector<16xi32>,
        tpu.vector_store %arg6[%swap3A_1315, %swap3A_1316], %add3A_1313 {strides = array<i32>} : memref<8x128xi32, #tpu.memory_space<vmem>>, vector<16xi32>,
        %dma_start3A_1318 = arith.constant 6 : i32
        %dma_start3A_1319 = arith.constant 6 : i32
        %dma_start3A_1320 = arith.constant 0 : i32
        %dma_start3A_1321 = arith.constant 0 : i32
        %dma_start3A_1322 = tpu.memref_slice %arg7[%dma_start3A_1319, %dma_start3A_1320, %dma_start3A_1321] : memref<8x128x64xf32, #tpu.memory_space<vmem>> -> memref<1x128x64xf32, #tpu.memory_space<vmem>>
        %dma_start3A_1323 = tpu.memref_squeeze %dma_start3A_1322 : memref<1x128x64xf32, #tpu.memory_space<vmem>> -> memref<128x64xf32, #tpu.memory_space<vmem>>
        %dma_start3A_1324 = arith.constant 0 : i32
        %dma_start3A_1325 = tpu.memref_slice %arg6[%dma_start3A_1318, %dma_start3A_1324] : memref<8x128xi32, #tpu.memory_space<vmem>> -> memref<1x128xi32, #tpu.memory_space<vmem>>
        %dma_start3A_1326 = tpu.memref_squeeze %dma_start3A_1325 : memref<1x128xi32, #tpu.memory_space<vmem>> -> memref<128xi32, #tpu.memory_space<vmem>>
        %dma_start3A_1327 = arith.constant 0 : i32
        %dma_start3A_1328 = arith.constant 0 : i32
        %dma_start3A_1329 = tpu.memref_slice %arg3[%dma_start3A_1327, %dma_start3A_1328] : memref<2000000x64xf32, #tpu.memory_space<hbm>> -> memref<2000000x64xf32, #tpu.memory_space<hbm>>
        tpu.enqueue_indirect_dma source(%dma_start3A_1329 : memref<2000000x64xf32, #tpu.memory_space<hbm>>) target(%dma_start3A_1323 : memref<128x64xf32, #tpu.memory_space<vmem>>) offsets(%dma_start3A_1326 : memref<128xi32, #tpu.memory_space<vmem>>) semaphore(%arg14 : memref<!tpu.dma_semaphore, #tpu.memory_space<semaphore_mem>>)
      } else {
      }
      %dma_wait3A_1182 = arith.constant 7 : i32
      %dma_wait3A_1183 = arith.constant 7 : i32
      %dma_wait3A_1184 = arith.constant 0 : i32
      %dma_wait3A_1185 = arith.constant 0 : i32
      %dma_wait3A_1186 = tpu.memref_slice %arg7[%dma_wait3A_1183, %dma_wait3A_1184, %dma_wait3A_1185] : memref<8x128x64xf32, #tpu.memory_space<vmem>> -> memref<1x128x64xf32, #tpu.memory_space<vmem>>
      %dma_wait3A_1187 = tpu.memref_squeeze %dma_wait3A_1186 : memref<1x128x64xf32, #tpu.memory_space<vmem>> -> memref<128x64xf32, #tpu.memory_space<vmem>>
      %dma_wait3A_1188 = arith.constant 0 : i32
      %dma_wait3A_1189 = tpu.memref_slice %arg6[%dma_wait3A_1182, %dma_wait3A_1188] : memref<8x128xi32, #tpu.memory_space<vmem>> -> memref<1x128xi32, #tpu.memory_space<vmem>>
      %dma_wait3A_1190 = tpu.memref_squeeze %dma_wait3A_1189 : memref<1x128xi32, #tpu.memory_space<vmem>> -> memref<128xi32, #tpu.memory_space<vmem>>
      %dma_wait3A_1191 = arith.constant 0 : i32
      %dma_wait3A_1192 = arith.constant 0 : i32
      %dma_wait3A_1193 = tpu.memref_slice %arg3[%dma_wait3A_1191, %dma_wait3A_1192] : memref<2000000x64xf32, #tpu.memory_space<hbm>> -> memref<2000000x64xf32, #tpu.memory_space<hbm>>
      tpu.wait_indirect_dma semaphore(%arg15 : memref<!tpu.dma_semaphore, #tpu.memory_space<semaphore_mem>>) src(%dma_wait3A_1193 : memref<2000000x64xf32, #tpu.memory_space<hbm>>) dst(%dma_wait3A_1187 : memref<128x64xf32, #tpu.memory_space<vmem>>)
      %mul3A_1194 = arith.constant 8 : i32
      %mul3A_1195 = arith.muli %scan3A_822, %mul3A_1194 : i32
      %add3A_1196 = arith.constant 7 : i32
      %add3A_1197 = arith.addi %mul3A_1195, %add3A_1196 : i32
      %mul3A_1198 = arith.constant 128 : i32
      %mul3A_1199 = arith.muli %add3A, %mul3A_1198 : i32
      %mul3A_1200 = arith.constant 2 : i32
      %mul3A_1201 = arith.muli %add3A_1197, %mul3A_1200 : i32
      %mul3A_1202 = arith.constant 64 : i32
      %mul3A_1203 = arith.muli %mul3A_1201, %mul3A_1202 : i32
      %dma_start3A_1204 = arith.constant 7 : i32
      %dma_start3A_1205 = arith.constant 0 : i32
      %dma_start3A_1206 = arith.constant 0 : i32
      %dma_start3A_1207 = tpu.memref_slice %arg7[%dma_start3A_1204, %dma_start3A_1205, %dma_start3A_1206] : memref<8x128x64xf32, #tpu.memory_space<vmem>> -> memref<1x128x64xf32, #tpu.memory_space<vmem>>
      %dma_start3A_1208 = tpu.memref_squeeze %dma_start3A_1207 : memref<1x128x64xf32, #tpu.memory_space<vmem>> -> memref<128x64xf32, #tpu.memory_space<vmem>>
      %dma_start3A_1209 = tpu.memref_slice %arg4[%mul3A_1199, %mul3A_1203] : memref<4096x25600xf32, #tpu.memory_space<hbm>> -> memref<128x64xf32, #tpu.memory_space<hbm>>
      %dma_start3A_1210 = tpu.memref_slice %arg4[%mul3A_1199, %mul3A_1203] : memref<4096x25600xf32, #tpu.memory_space<hbm>> -> memref<128x64xf32, #tpu.memory_space<hbm>>
      %dma_start3A_1211 = arith.constant 0 : i32
      %dma_start3A_1212 = arith.constant 0 : i32
      %dma_start3A_1213 = tpu.memref_slice %arg7[%dma_start3A_1204, %dma_start3A_1211, %dma_start3A_1212] : memref<8x128x64xf32, #tpu.memory_space<vmem>> -> memref<1x128x64xf32, #tpu.memory_space<vmem>>
      %dma_start3A_1214 = tpu.memref_squeeze %dma_start3A_1213 : memref<1x128x64xf32, #tpu.memory_space<vmem>> -> memref<128x64xf32, #tpu.memory_space<vmem>>
      tpu.enqueue_dma source(%dma_start3A_1214 : memref<128x64xf32, #tpu.memory_space<vmem>>) target(%dma_start3A_1210 : memref<128x64xf32, #tpu.memory_space<hbm>>) target_semaphore(%arg23 : memref<!tpu.dma_semaphore, #tpu.memory_space<semaphore_mem>>)
    }
    %scan3A_702 = arith.constant 25 : i32
    %mul3A_703 = arith.constant 128 : i32
    %mul3A_704 = arith.muli %add3A, %mul3A_703 : i32
    %dma_wait3A = arith.constant 0 : i32
    %dma_wait3A_705 = arith.constant 0 : i32
    %dma_wait3A_706 = arith.constant 0 : i32
    %dma_wait3A_707 = tpu.memref_slice %arg7[%dma_wait3A, %dma_wait3A_705, %dma_wait3A_706] : memref<8x128x64xf32, #tpu.memory_space<vmem>> -> memref<1x128x64xf32, #tpu.memory_space<vmem>>
    %dma_wait3A_708 = tpu.memref_squeeze %dma_wait3A_707 : memref<1x128x64xf32, #tpu.memory_space<vmem>> -> memref<128x64xf32, #tpu.memory_space<vmem>>
    %dma_wait3A_709 = arith.constant 24576 : i32
    %dma_wait3A_710 = tpu.memref_slice %arg4[%mul3A_704, %dma_wait3A_709] : memref<4096x25600xf32, #tpu.memory_space<hbm>> -> memref<128x64xf32, #tpu.memory_space<hbm>>
    %dma_wait3A_711 = arith.constant 24576 : i32
    %dma_wait3A_712 = tpu.memref_slice %arg4[%mul3A_704, %dma_wait3A_711] : memref<4096x25600xf32, #tpu.memory_space<hbm>> -> memref<128x64xf32, #tpu.memory_space<hbm>>
    %dma_wait3A_713 = arith.constant 0 : i32
    %dma_wait3A_714 = arith.constant 0 : i32
    %dma_wait3A_715 = tpu.memref_slice %arg7[%dma_wait3A, %dma_wait3A_713, %dma_wait3A_714] : memref<8x128x64xf32, #tpu.memory_space<vmem>> -> memref<1x128x64xf32, #tpu.memory_space<vmem>>
    %dma_wait3A_716 = tpu.memref_squeeze %dma_wait3A_715 : memref<1x128x64xf32, #tpu.memory_space<vmem>> -> memref<128x64xf32, #tpu.memory_space<vmem>>
    tpu.wait_dma2 semaphore(%arg16 : memref<!tpu.dma_semaphore, #tpu.memory_space<semaphore_mem>>) src(%dma_wait3A_716 : memref<128x64xf32, #tpu.memory_space<vmem>>) dst(%dma_wait3A_712 : memref<128x64xf32, #tpu.memory_space<hbm>>)
    %mul3A_717 = arith.constant 128 : i32
    %mul3A_718 = arith.muli %add3A, %mul3A_717 : i32
    %dma_wait3A_719 = arith.constant 1 : i32
    %dma_wait3A_720 = arith.constant 0 : i32
    %dma_wait3A_721 = arith.constant 0 : i32
    %dma_wait3A_722 = tpu.memref_slice %arg7[%dma_wait3A_719, %dma_wait3A_720, %dma_wait3A_721] : memref<8x128x64xf32, #tpu.memory_space<vmem>> -> memref<1x128x64xf32, #tpu.memory_space<vmem>>
    %dma_wait3A_723 = tpu.memref_squeeze %dma_wait3A_722 : memref<1x128x64xf32, #tpu.memory_space<vmem>> -> memref<128x64xf32, #tpu.memory_space<vmem>>
    %dma_wait3A_724 = arith.constant 24704 : i32
    %dma_wait3A_725 = tpu.memref_slice %arg4[%mul3A_718, %dma_wait3A_724] : memref<4096x25600xf32, #tpu.memory_space<hbm>> -> memref<128x64xf32, #tpu.memory_space<hbm>>
    %dma_wait3A_726 = arith.constant 24704 : i32
    %dma_wait3A_727 = tpu.memref_slice %arg4[%mul3A_718, %dma_wait3A_726] : memref<4096x25600xf32, #tpu.memory_space<hbm>> -> memref<128x64xf32, #tpu.memory_space<hbm>>
    %dma_wait3A_728 = arith.constant 0 : i32
    %dma_wait3A_729 = arith.constant 0 : i32
    %dma_wait3A_730 = tpu.memref_slice %arg7[%dma_wait3A_719, %dma_wait3A_728, %dma_wait3A_729] : memref<8x128x64xf32, #tpu.memory_space<vmem>> -> memref<1x128x64xf32, #tpu.memory_space<vmem>>
    %dma_wait3A_731 = tpu.memref_squeeze %dma_wait3A_730 : memref<1x128x64xf32, #tpu.memory_space<vmem>> -> memref<128x64xf32, #tpu.memory_space<vmem>>
    tpu.wait_dma2 semaphore(%arg17 : memref<!tpu.dma_semaphore, #tpu.memory_space<semaphore_mem>>) src(%dma_wait3A_731 : memref<128x64xf32, #tpu.memory_space<vmem>>) dst(%dma_wait3A_727 : memref<128x64xf32, #tpu.memory_space<hbm>>)
    %mul3A_732 = arith.constant 128 : i32
    %mul3A_733 = arith.muli %add3A, %mul3A_732 : i32
    %dma_wait3A_734 = arith.constant 2 : i32
    %dma_wait3A_735 = arith.constant 0 : i32
    %dma_wait3A_736 = arith.constant 0 : i32
    %dma_wait3A_737 = tpu.memref_slice %arg7[%dma_wait3A_734, %dma_wait3A_735, %dma_wait3A_736] : memref<8x128x64xf32, #tpu.memory_space<vmem>> -> memref<1x128x64xf32, #tpu.memory_space<vmem>>
    %dma_wait3A_738 = tpu.memref_squeeze %dma_wait3A_737 : memref<1x128x64xf32, #tpu.memory_space<vmem>> -> memref<128x64xf32, #tpu.memory_space<vmem>>
    %dma_wait3A_739 = arith.constant 24832 : i32
    %dma_wait3A_740 = tpu.memref_slice %arg4[%mul3A_733, %dma_wait3A_739] : memref<4096x25600xf32, #tpu.memory_space<hbm>> -> memref<128x64xf32, #tpu.memory_space<hbm>>
    %dma_wait3A_741 = arith.constant 24832 : i32
    %dma_wait3A_742 = tpu.memref_slice %arg4[%mul3A_733, %dma_wait3A_741] : memref<4096x25600xf32, #tpu.memory_space<hbm>> -> memref<128x64xf32, #tpu.memory_space<hbm>>
    %dma_wait3A_743 = arith.constant 0 : i32
    %dma_wait3A_744 = arith.constant 0 : i32
    %dma_wait3A_745 = tpu.memref_slice %arg7[%dma_wait3A_734, %dma_wait3A_743, %dma_wait3A_744] : memref<8x128x64xf32, #tpu.memory_space<vmem>> -> memref<1x128x64xf32, #tpu.memory_space<vmem>>
    %dma_wait3A_746 = tpu.memref_squeeze %dma_wait3A_745 : memref<1x128x64xf32, #tpu.memory_space<vmem>> -> memref<128x64xf32, #tpu.memory_space<vmem>>
    tpu.wait_dma2 semaphore(%arg18 : memref<!tpu.dma_semaphore, #tpu.memory_space<semaphore_mem>>) src(%dma_wait3A_746 : memref<128x64xf32, #tpu.memory_space<vmem>>) dst(%dma_wait3A_742 : memref<128x64xf32, #tpu.memory_space<hbm>>)
    %mul3A_747 = arith.constant 128 : i32
    %mul3A_748 = arith.muli %add3A, %mul3A_747 : i32
    %dma_wait3A_749 = arith.constant 3 : i32
    %dma_wait3A_750 = arith.constant 0 : i32
    %dma_wait3A_751 = arith.constant 0 : i32
    %dma_wait3A_752 = tpu.memref_slice %arg7[%dma_wait3A_749, %dma_wait3A_750, %dma_wait3A_751] : memref<8x128x64xf32, #tpu.memory_space<vmem>> -> memref<1x128x64xf32, #tpu.memory_space<vmem>>
    %dma_wait3A_753 = tpu.memref_squeeze %dma_wait3A_752 : memref<1x128x64xf32, #tpu.memory_space<vmem>> -> memref<128x64xf32, #tpu.memory_space<vmem>>
    %dma_wait3A_754 = arith.constant 24960 : i32
    %dma_wait3A_755 = tpu.memref_slice %arg4[%mul3A_748, %dma_wait3A_754] : memref<4096x25600xf32, #tpu.memory_space<hbm>> -> memref<128x64xf32, #tpu.memory_space<hbm>>
    %dma_wait3A_756 = arith.constant 24960 : i32
    %dma_wait3A_757 = tpu.memref_slice %arg4[%mul3A_748, %dma_wait3A_756] : memref<4096x25600xf32, #tpu.memory_space<hbm>> -> memref<128x64xf32, #tpu.memory_space<hbm>>
    %dma_wait3A_758 = arith.constant 0 : i32
    %dma_wait3A_759 = arith.constant 0 : i32
    %dma_wait3A_760 = tpu.memref_slice %arg7[%dma_wait3A_749, %dma_wait3A_758, %dma_wait3A_759] : memref<8x128x64xf32, #tpu.memory_space<vmem>> -> memref<1x128x64xf32, #tpu.memory_space<vmem>>
    %dma_wait3A_761 = tpu.memref_squeeze %dma_wait3A_760 : memref<1x128x64xf32, #tpu.memory_space<vmem>> -> memref<128x64xf32, #tpu.memory_space<vmem>>
    tpu.wait_dma2 semaphore(%arg19 : memref<!tpu.dma_semaphore, #tpu.memory_space<semaphore_mem>>) src(%dma_wait3A_761 : memref<128x64xf32, #tpu.memory_space<vmem>>) dst(%dma_wait3A_757 : memref<128x64xf32, #tpu.memory_space<hbm>>)
    %mul3A_762 = arith.constant 128 : i32
    %mul3A_763 = arith.muli %add3A, %mul3A_762 : i32
    %dma_wait3A_764 = arith.constant 4 : i32
    %dma_wait3A_765 = arith.constant 0 : i32
    %dma_wait3A_766 = arith.constant 0 : i32
    %dma_wait3A_767 = tpu.memref_slice %arg7[%dma_wait3A_764, %dma_wait3A_765, %dma_wait3A_766] : memref<8x128x64xf32, #tpu.memory_space<vmem>> -> memref<1x128x64xf32, #tpu.memory_space<vmem>>
    %dma_wait3A_768 = tpu.memref_squeeze %dma_wait3A_767 : memref<1x128x64xf32, #tpu.memory_space<vmem>> -> memref<128x64xf32, #tpu.memory_space<vmem>>
    %dma_wait3A_769 = arith.constant 25088 : i32
    %dma_wait3A_770 = tpu.memref_slice %arg4[%mul3A_763, %dma_wait3A_769] : memref<4096x25600xf32, #tpu.memory_space<hbm>> -> memref<128x64xf32, #tpu.memory_space<hbm>>
    %dma_wait3A_771 = arith.constant 25088 : i32
    %dma_wait3A_772 = tpu.memref_slice %arg4[%mul3A_763, %dma_wait3A_771] : memref<4096x25600xf32, #tpu.memory_space<hbm>> -> memref<128x64xf32, #tpu.memory_space<hbm>>
    %dma_wait3A_773 = arith.constant 0 : i32
    %dma_wait3A_774 = arith.constant 0 : i32
    %dma_wait3A_775 = tpu.memref_slice %arg7[%dma_wait3A_764, %dma_wait3A_773, %dma_wait3A_774] : memref<8x128x64xf32, #tpu.memory_space<vmem>> -> memref<1x128x64xf32, #tpu.memory_space<vmem>>
    %dma_wait3A_776 = tpu.memref_squeeze %dma_wait3A_775 : memref<1x128x64xf32, #tpu.memory_space<vmem>> -> memref<128x64xf32, #tpu.memory_space<vmem>>
    tpu.wait_dma2 semaphore(%arg20 : memref<!tpu.dma_semaphore, #tpu.memory_space<semaphore_mem>>) src(%dma_wait3A_776 : memref<128x64xf32, #tpu.memory_space<vmem>>) dst(%dma_wait3A_772 : memref<128x64xf32, #tpu.memory_space<hbm>>)
    %mul3A_777 = arith.constant 128 : i32
    %mul3A_778 = arith.muli %add3A, %mul3A_777 : i32
    %dma_wait3A_779 = arith.constant 5 : i32
    %dma_wait3A_780 = arith.constant 0 : i32
    %dma_wait3A_781 = arith.constant 0 : i32
    %dma_wait3A_782 = tpu.memref_slice %arg7[%dma_wait3A_779, %dma_wait3A_780, %dma_wait3A_781] : memref<8x128x64xf32, #tpu.memory_space<vmem>> -> memref<1x128x64xf32, #tpu.memory_space<vmem>>
    %dma_wait3A_783 = tpu.memref_squeeze %dma_wait3A_782 : memref<1x128x64xf32, #tpu.memory_space<vmem>> -> memref<128x64xf32, #tpu.memory_space<vmem>>
    %dma_wait3A_784 = arith.constant 25216 : i32
    %dma_wait3A_785 = tpu.memref_slice %arg4[%mul3A_778, %dma_wait3A_784] : memref<4096x25600xf32, #tpu.memory_space<hbm>> -> memref<128x64xf32, #tpu.memory_space<hbm>>
    %dma_wait3A_786 = arith.constant 25216 : i32
    %dma_wait3A_787 = tpu.memref_slice %arg4[%mul3A_778, %dma_wait3A_786] : memref<4096x25600xf32, #tpu.memory_space<hbm>> -> memref<128x64xf32, #tpu.memory_space<hbm>>
    %dma_wait3A_788 = arith.constant 0 : i32
    %dma_wait3A_789 = arith.constant 0 : i32
    %dma_wait3A_790 = tpu.memref_slice %arg7[%dma_wait3A_779, %dma_wait3A_788, %dma_wait3A_789] : memref<8x128x64xf32, #tpu.memory_space<vmem>> -> memref<1x128x64xf32, #tpu.memory_space<vmem>>
    %dma_wait3A_791 = tpu.memref_squeeze %dma_wait3A_790 : memref<1x128x64xf32, #tpu.memory_space<vmem>> -> memref<128x64xf32, #tpu.memory_space<vmem>>
    tpu.wait_dma2 semaphore(%arg21 : memref<!tpu.dma_semaphore, #tpu.memory_space<semaphore_mem>>) src(%dma_wait3A_791 : memref<128x64xf32, #tpu.memory_space<vmem>>) dst(%dma_wait3A_787 : memref<128x64xf32, #tpu.memory_space<hbm>>)
    %mul3A_792 = arith.constant 128 : i32
    %mul3A_793 = arith.muli %add3A, %mul3A_792 : i32
    %dma_wait3A_794 = arith.constant 6 : i32
    %dma_wait3A_795 = arith.constant 0 : i32
    %dma_wait3A_796 = arith.constant 0 : i32
    %dma_wait3A_797 = tpu.memref_slice %arg7[%dma_wait3A_794, %dma_wait3A_795, %dma_wait3A_796] : memref<8x128x64xf32, #tpu.memory_space<vmem>> -> memref<1x128x64xf32, #tpu.memory_space<vmem>>
    %dma_wait3A_798 = tpu.memref_squeeze %dma_wait3A_797 : memref<1x128x64xf32, #tpu.memory_space<vmem>> -> memref<128x64xf32, #tpu.memory_space<vmem>>
    %dma_wait3A_799 = arith.constant 25344 : i32
    %dma_wait3A_800 = tpu.memref_slice %arg4[%mul3A_793, %dma_wait3A_799] : memref<4096x25600xf32, #tpu.memory_space<hbm>> -> memref<128x64xf32, #tpu.memory_space<hbm>>
    %dma_wait3A_801 = arith.constant 25344 : i32
    %dma_wait3A_802 = tpu.memref_slice %arg4[%mul3A_793, %dma_wait3A_801] : memref<4096x25600xf32, #tpu.memory_space<hbm>> -> memref<128x64xf32, #tpu.memory_space<hbm>>
    %dma_wait3A_803 = arith.constant 0 : i32
    %dma_wait3A_804 = arith.constant 0 : i32
    %dma_wait3A_805 = tpu.memref_slice %arg7[%dma_wait3A_794, %dma_wait3A_803, %dma_wait3A_804] : memref<8x128x64xf32, #tpu.memory_space<vmem>> -> memref<1x128x64xf32, #tpu.memory_space<vmem>>
    %dma_wait3A_806 = tpu.memref_squeeze %dma_wait3A_805 : memref<1x128x64xf32, #tpu.memory_space<vmem>> -> memref<128x64xf32, #tpu.memory_space<vmem>>
    tpu.wait_dma2 semaphore(%arg22 : memref<!tpu.dma_semaphore, #tpu.memory_space<semaphore_mem>>) src(%dma_wait3A_806 : memref<128x64xf32, #tpu.memory_space<vmem>>) dst(%dma_wait3A_802 : memref<128x64xf32, #tpu.memory_space<hbm>>)
    %mul3A_807 = arith.constant 128 : i32
    %mul3A_808 = arith.muli %add3A, %mul3A_807 : i32
    %dma_wait3A_809 = arith.constant 7 : i32
    %dma_wait3A_810 = arith.constant 0 : i32
    %dma_wait3A_811 = arith.constant 0 : i32
    %dma_wait3A_812 = tpu.memref_slice %arg7[%dma_wait3A_809, %dma_wait3A_810, %dma_wait3A_811] : memref<8x128x64xf32, #tpu.memory_space<vmem>> -> memref<1x128x64xf32, #tpu.memory_space<vmem>>
    %dma_wait3A_813 = tpu.memref_squeeze %dma_wait3A_812 : memref<1x128x64xf32, #tpu.memory_space<vmem>> -> memref<128x64xf32, #tpu.memory_space<vmem>>
    %dma_wait3A_814 = arith.constant 25472 : i32
    %dma_wait3A_815 = tpu.memref_slice %arg4[%mul3A_808, %dma_wait3A_814] : memref<4096x25600xf32, #tpu.memory_space<hbm>> -> memref<128x64xf32, #tpu.memory_space<hbm>>
    %dma_wait3A_816 = arith.constant 25472 : i32
    %dma_wait3A_817 = tpu.memref_slice %arg4[%mul3A_808, %dma_wait3A_816] : memref<4096x25600xf32, #tpu.memory_space<hbm>> -> memref<128x64xf32, #tpu.memory_space<hbm>>
    %dma_wait3A_818 = arith.constant 0 : i32
    %dma_wait3A_819 = arith.constant 0 : i32
    %dma_wait3A_820 = tpu.memref_slice %arg7[%dma_wait3A_809, %dma_wait3A_818, %dma_wait3A_819] : memref<8x128x64xf32, #tpu.memory_space<vmem>> -> memref<1x128x64xf32, #tpu.memory_space<vmem>>
    %dma_wait3A_821 = tpu.memref_squeeze %dma_wait3A_820 : memref<1x128x64xf32, #tpu.memory_space<vmem>> -> memref<128x64xf32, #tpu.memory_space<vmem>>
    tpu.wait_dma2 semaphore(%arg23 : memref<!tpu.dma_semaphore, #tpu.memory_space<semaphore_mem>>) src(%dma_wait3A_821 : memref<128x64xf32, #tpu.memory_space<vmem>>) dst(%dma_wait3A_817 : memref<128x64xf32, #tpu.memory_space<hbm>>)
    return
  }
}

</mosaic_0001>

<sc_bundles>
// kernel: kernel.3.cloned.1.call-start
scs
__scs_entry_jumppad:
0x0: {  	(pc) =	sbr.rel $0x88, $3  }
0x1: {  	(tag) =	ssettag $0x0;
	lr =	simm.s32 $0x1  }
0x2: {  	[smem:$0x3F9F] =	sst lr;
	_ =	strace $0xD0000000  }
0x3: {  	_ = 	snop  }
0x4: {  	_ = 	snop  }
0x5: {  	_ = 	snop  }
0x6: {  	_ = 	snop  }
0x7: {  	_ = 	snop  }
__scs_overlays_trampoline_lowered:
0x8: {  	[smem:$0x3FAE] =	sst s0  }
0x9: {  	[smem:$0x3FAF] =	sst s1  }
0xa: {  	[smem:$0x3FB0] =	sst s2  }
0xb: {  	[smem:$0x3FB1] =	sst s3  }
0xc: {  	[smem:$0x3FB2] =	sst s4  }
0xd: {  	[smem:$0x3FB3] =	sst s5  }
0xe: {  	[smem:$0x3FB4] =	sst s6  }
0xf: {  	[smem:$0x3FB5] =	sst s7  }
0x10: {  	[smem:$0x3FB6] =	sst s8  }
0x11: {  	[smem:$0x3FB7] =	sst s9;
	s0 =	simm.s32 @!p0 $0x0  }
0x12: {  	s1 =	sld [smem:$0x3F9D];
	s0 =	simm.s32 @p0 $0x1  }
0x13: {  	[smem:$0x3FB8] =	sst s0;
	s0 =	simm.s32 @!p1 $0x0  }
0x14: {  	s2 =	sld [smem:$0x3F9C];
	s0 =	simm.s32 @p1 $0x1  }
0x15: {  	[smem:$0x3FB9] =	sst s0;
	s0 =	simm.s32 @!p2 $0x0  }
0x16: {  	s3 =	sld [smem:$0x3FDB];
	s0 =	simm.s32 @p2 $0x1  }
0x17: {  	s4 =	simm.s32 $0x1BF5;
	[smem:$0x3FBB] =	sst s0  }
0x18: {  	s0 =	sld [smem:$0x3F9E];
	_ =	swait.ge [sflag:s4], $0x0  }
0x19: {  	s7 =	sld [smem:$0x3F9F]  }
0x1a: {  	s8 =	sadd.s32 $0xFFFFE003, lr  }
0x1b: {  	s9 =	sadd.s32 $0xFFFFFEF7, lr;
	s5 =	simm.s32 $0xFFFFFFFF;
	p2 =	slt.u32 s8, $0xFFFFF086  }
0x1c: {  	p1 =	slt.u32 s9, $0xF7A;
	s5 =	simm.s32 @!p2 $0x0  }
0x1d: {  	s5 =	simm.s32 @p1 $0x1;
	p0 =	seq.s32 s7, s2  }
0x1e: {  	s7 =	smul.u32 @!p0 $0xF7A, s2;
	p2 =	seq.s32 @!p0 s5, $0x0  }
0x1f: {  	s9 =	smul.u32 $0xF7A, s1;
	s8 =	simm.s32 @!p0 $0x1BF5;
	p2 =	por !p2, p0  }
0x20: {  	[sflag:s8] =	ssyncset.s32 @!p0 $0xFFFFF086;
	s6 =	sadd.s32 @!p0 s3, s7;
	s7 =	simm.s32 @!p0 $0x108  }
0x21: {  	s3 =	sadd.s32 s3, s9;
	s6 =	sadd.s32 @!p0 $0x88, s6;
	s7 =	simm.s32 @p2 $0x1082  }
0x22: {  	[simem:s7], [sflag:s8] =	dma.local @!p0 [hbm:s6], $0xF7A  }
0x23: {  	s9 =	sor.u32 $0xD0000000, s2;
	s6 =	simm.s32 $0x108;
	_ =	swait.ge @!p0 [sflag:s8], $0x0  }
0x24: {  	s3 =	sadd.s32 $0x88, s3;
	s6 =	simm.s32 @!p1 $0x1082;
	[sflag:s4] =	ssyncset.s32 $0xFFFFF086  }
0x25: {  	[simem:s6], [sflag:s4] =	dma.local [hbm:s3], $0xF7A  }
0x26: {  	[smem:$0x3F9F] =	sst s1;
	(tag) =	ssettag s2;
	_ =	strace s9  }
0x27: {  	s1 =	sld [smem:$0x3FAF]  }
0x28: {  	s2 =	sld [smem:$0x3FB0]  }
0x29: {  	s4 =	sld [smem:$0x3FB2]  }
0x2a: {  	p0 =	seq.s32 s5, $0x0;
	s5 =	sld [smem:$0x3FB3]  }
0x2b: {  	s6 =	sld [smem:$0x3FB4]  }
0x2c: {  	s7 =	sld [smem:$0x3FB5]  }
0x2d: {  	s3 =	simm.s32 $0x108;
	s8 =	sld [smem:$0x3FB6]  }
0x2e: {  	s3 =	simm.s32 @!p0 $0x1082;
	s9 =	sld [smem:$0x3FB7]  }
0x2f: {  	lr =	sadd.s32 s0, s3;
	s0 =	sld [smem:$0x3FAE]  }
0x30: {  	s3 =	sld [smem:$0x3FB1]  }
0x31: {  	[smem:$0x3FBA] =	sst s10  }
0x32: {  	s10 =	sld [smem:$0x3FB8];
	_ =	sdelay $0x3  }
0x33: {  	p0 =	seq.s32 s10, $0x1;
	s10 =	sld [smem:$0x3FBA];
	_ =	sdelay $0x3  }
0x34: {  	[smem:$0x3FBA] =	sst s10  }
0x35: {  	s10 =	sld [smem:$0x3FB9];
	_ =	sdelay $0x3  }
0x36: {  	p1 =	seq.s32 s10, $0x1;
	s10 =	sld [smem:$0x3FBA];
	_ =	sdelay $0x3  }
0x37: {  	[smem:$0x3FBA] =	sst s10  }
0x38: {  	s10 =	sld [smem:$0x3FBB]  }
0x39: {  	_ = 	snop;
	(pc) =	sbr.ind lr, $3  }
0x3a: {  	_ = 	snop  }
0x3b: {  	_ = 	snop  }
0x3c: {  	p2 =	seq.s32 s10, $0x1;
	s10 =	sld [smem:$0x3FBA]  }
0x3d: {  	_ =	shalt  }
0x3e: {  	_ =	shalt  }
0x3f: {  	_ =	shalt  }
0x40: {  	_ =	shalt  }
0x41: {  	_ =	shalt  }
0x42: {  	_ =	shalt  }
0x43: {  	_ =	shalt  }
0x44: {  	_ =	shalt  }
0x45: {  	_ =	shalt  }
0x46: {  	_ =	shalt  }
0x47: {  	_ =	shalt  }
0x48: {  	_ =	shalt  }
0x49: {  	_ =	shalt  }
0x4a: {  	_ =	shalt  }
0x4b: {  	_ =	shalt  }
0x4c: {  	_ =	shalt  }
0x4d: {  	_ =	shalt  }
0x4e: {  	_ =	shalt  }
0x4f: {  	_ =	shalt  }
0x50: {  	_ =	shalt  }
0x51: {  	_ =	shalt  }
0x52: {  	_ =	shalt  }
0x53: {  	_ =	shalt  }
0x54: {  	_ =	shalt  }
0x55: {  	_ =	shalt  }
0x56: {  	_ =	shalt  }
0x57: {  	_ =	shalt  }
0x58: {  	_ =	shalt  }
0x59: {  	_ =	shalt  }
0x5a: {  	_ =	shalt  }
0x5b: {  	_ =	shalt  }
0x5c: {  	_ =	shalt  }
0x5d: {  	_ =	shalt  }
0x5e: {  	_ =	shalt  }
0x5f: {  	_ =	shalt  }
0x60: {  	_ =	shalt  }
0x61: {  	_ =	shalt  }
0x62: {  	_ =	shalt  }
0x63: {  	_ =	shalt  }
0x64: {  	_ =	shalt  }
0x65: {  	_ =	shalt  }
0x66: {  	_ =	shalt  }
0x67: {  	_ =	shalt  }
0x68: {  	_ =	shalt  }
0x69: {  	_ =	shalt  }
0x6a: {  	_ =	shalt  }
0x6b: {  	_ =	shalt  }
0x6c: {  	_ =	shalt  }
0x6d: {  	_ =	shalt  }
0x6e: {  	_ =	shalt  }
0x6f: {  	_ =	shalt  }
0x70: {  	_ =	shalt  }
0x71: {  	_ =	shalt  }
0x72: {  	_ =	shalt  }
0x73: {  	_ =	shalt  }
0x74: {  	_ =	shalt  }
0x75: {  	_ =	shalt  }
0x76: {  	_ =	shalt  }
0x77: {  	_ =	shalt  }
0x78: {  	_ =	shalt  }
0x79: {  	_ =	shalt  }
0x7a: {  	_ =	shalt  }
0x7b: {  	_ =	shalt  }
0x7c: {  	_ =	shalt  }
0x7d: {  	_ =	shalt  }
0x7e: {  	_ =	shalt  }
0x7f: {  	_ =	shalt  }
0x80: {  	_ =	shalt  }
0x81: {  	_ =	shalt  }
0x82: {  	_ =	shalt  }
0x83: {  	_ =	shalt  }
0x84: {  	_ =	shalt  }
0x85: {  	_ =	shalt  }
0x86: {  	_ =	shalt  }
0x87: {  	_ =	shalt  }
.Lfunc_end0:
.L_simem_size_0:
called_computation.2_lowered:
.L_overlay_start_0:
0x88: {  	s2 =	sld [smem:$0x3FD9]  }
0x89: {  	s3 =	sld [smem:$0x3FFE];
	_ =	sdelay $0x1  }
0x8a: {  	s1 =	srdreg.scid  }
0x8b: {  	s0 =	sand.u32 $0x1, s1  }
0x8c: {  	s17 =	sshll.u32 s0, $0xA;
	s2 =	sadd.s32 s3, s2  }
0x8d: {  	s2 =	sadd.s32 s2, s17  }
0x8e: {  	[smem:$0x3FC6] =	sst s2  }
0x8f: {  	_ = 	snop  }
0x90: {  	s2 =	sld [smem:$0x3FC9];
	(tm) =	ssettm $0x1  }
0x91: {  	s18 =	sld [smem:$0x3FFB];
	_ =	sdelay $0x3  }
0x92: {  	_ =	strace s18  }
0x93: {  	s3 =	sld [smem:$0x3FFC];
	_ =	sdelay $0x3  }
0x94: {  	_ =	strace s3  }
0x95: {  	s3 =	sld [smem:$0x3FFD];
	_ =	sdelay $0x3  }
0x96: {  	_ =	strace s3  }
0x97: {  	_ =	strace $0x8FFFFFFF  }
0x98: {  	s19 =	sld [smem:$0x3FDB];
	_ =	sdelay $0x1  }
0x99: {  	s4 =	simm.s32 $_scs_section_size  }
0x9a: {  	s5 =	simm.s32 $_size__tile_overlayer_lowered;
	s6 =	simm.s32 $_tile_overlayer_lowered  }
0x9b: {  	s22 =	simm.s32 $0x1BFF;
	s21 =	sshll.u32 s6, $0x1;
	s3 =	sadd.s32 s4, s19  }
0x9c: {  	s7 =	simm.s32 $0x0;
	s20 =	sshll.u32 s5, $0x1;
	s5 =	sadd.s32 s21, s3  }
0x9d: {  	[timem:s7], [sflag:s22] =	dma.local [hbm:s5], s20  }
0x9e: {  	_ =	swait.ge [sflag:s22], s20  }
0x9f: {  	s4 =	ssub.s32 $0x0, s20;
	[sflag:s22] =	ssyncset.done $0x0  }
0xa0: {  	[sflag:s22] =	ssyncadd.s32 s4;
	_ =	sdelay $0x1  }
0xa1: {  	s23 =	simm.s32 $0x1B8B  }
0xa2: {  	_ =	swait.ge [sflag:s23], $0x1  }
0xa3: {  	[sflag:s23] =	ssyncset.done $0x0  }
0xa4: {  	s25 =	simm.s32 $0x1B8E;
	s24 =	sld [smem:$0x3FFE];
	[sflag:s23] =	ssyncadd.s32 $0xFFFFFFFF  }
0xa5: {  	s26 =	simm.s32 $execute0_lowered;
	[smem:$0x3FD2] =	sst s25  }
0xa6: {  	s5 =	sshll.u32 s26, $0x1;
	_ =	strace $0x80000049;
	[dreg:$0x1] =	wrdreg $0xFFFFFFFF  }
0xa7: {  	s28 =	simm.s32 $_size_execute0_lowered;
	s3 =	sadd.s32 s3, s5;
	[dreg:$0x0] =	wrdreg $0x0  }
0xa8: {  	s5 =	sshll.u32 s28, $0x1;
	[dreg:$0x2] =	wrdreg s3  }
0xa9: {  	[dreg:$0x3] =	wrdreg s5  }
0xaa: {  	[dreg:$0x4] =	wrdreg $0xC0  }
0xab: {  	_ =	task [dreg:s7], $0x5FFFF  }
0xac: {  	[dreg:$0x1] =	wrdreg $0xFFFFFFFF  }
0xad: {  	[dreg:$0x0] =	wrdreg $0x60  }
0xae: {  	[dreg:$0x2] =	wrdreg s2  }
0xaf: {  	[dreg:$0x3] =	wrdreg s24  }
0xb0: {  	[dreg:$0x4] =	wrdreg $0x9  }
0xb1: {  	_ =	task.clear_ibuf [dreg:s7], $0x5FFFF;
	_ =	strace $0x90000049  }
0xb2: {  	s29 =	simm.s32 $0x9;
	_ =	strace $0x8000004B  }
0xb3: {  	_ =	swait.ge [sflag:s29], $0x1  }
0xb4: {  	[sflag:s29] =	ssyncadd.s32 $0xFFFFFFFF  }
0xb5: {  	_ =	strace $0x9000004B  }
0xb6: {  	_ =	sfence  }
0xb7: {  	s30 =	sld [smem:$0x0];
	_ =	sdelay $0x2  }
0xb8: {  	s31 =	sshll.u32 s1, $0xD;
	s1 =	sshrl.u32 s1, $0x2  }
0xb9: {  	s3 =	sand.u32 $0x4000, s31;
	s1 =	sadd.s32 s1, s30  }
0xba: {  	s0 =	sor.u32 s3, s0;
	s1 =	sshll.u32 s1, $0x11  }
0xbb: {  	s0 =	sor.u32 s1, s0  }
0xbc: {  	s0 =	sadd.s32 $0x8F2B, s0  }
0xbd: {  	[sflag:s0] =	ssyncadd.remote.s32 $0x1  }
0xbe: {  	_ =	sfence.sel $0xFFFF  }
0xbf: {  	[dreg:$0x0] =	wrdreg $0xFFFFFFFF;
	(pc) =	sbr.abs _section_cstart, $3  }
0xc0: {  	[dreg:$0x1] =	wrdreg $0xFFFFFFFF  }
0xc1: {  	_ =	task.clear_ibuf [dreg:s7], $0x2FFFF;
	_ =	strace $0x9FFFFFFF  }
0xc2: {  	(tm) =	ssettm $0x7FFFFFFF  }
0xc3: {  	_ =	shalt  }
tec
execute0_lowered:
.L_overlay_start_1:
0x0: {  	(tag) =	ssettag $0x1  }
0x1: {  	s0 =	rddreg [dreg:$0x0]  }
0x2: {  	s1 =	rddreg [dreg:$0x1];
	s2 =	srdreg.scid  }
0x3: {  	s7 =	stileid.u32;
	s4 =	simm.s32 $0x0;
	s30 =	simm.s32 $0x8800  }
0x4: {  	s28 =	simm.s32 $0xA800;
	s29 =	simm.s32 $0x6;
	s31 =	simm.s32 $0x7  }
0x5: {  	s2 =	sand.u32 $0x1, s2;
	s3 =	sshll.u32 s7, $0x1;
	[smem:$0x7FF] =	sst s4  }
0x6: {  	s7 =	smul.u32 $0x640000, s7;
	s9 =	sor.u32 s2, s3;
	_ =	strace $0x8000004A  }
0x7: {  	s3 =	sadd.s32 $0xF43000, s1;
	s6 =	ssub.s32 $0x2, s2;
	s2 =	smul.u32 $0x320000, s2  }
0x8: {  	s1 =	sadd.s32 $0xC00, s1;
	s5 =	smul.u32 $0x320000, s9;
	s8 =	sshrl.u32 s6, $0x1  }
0x9: {  	s4 =	sshll.u32 s9, $0x7;
	s9 =	simm.s32 $0x10800;
	s6 =	ssub.s32 s6, s8  }
0xa: {  	s0 =	sadd.s32 s0, s4;
	s2 =	sadd.s32 s2, s7;
	s8 =	simm.s32 $0xE800  }
0xb: {  	s7 =	simm.s32 $0x8;
	[dreg:$0x3] =	wrdreg s0;
	s0 =	sadd.s32 $0x1000, s0  }
0xc: {  	s10 =	sshrl.u32 s5, $0x3;
	s11 =	smax.u32 s6, $0x1;
	s12 =	sor.u32 $0x380, s2  }
0xd: {  	s15 =	sor.u32 $0x300, s2;
	s16 =	sor.u32 $0x280, s2;
	s17 =	sor.u32 $0x200, s2  }
0xe: {  	s20 =	sor.u32 $0x180, s2;
	s21 =	sor.u32 $0x100, s2;
	s22 =	sor.u32 $0x80, s2  }
0xf: {  	s26 =	sshrl.u32 s2, $0x3;
	s5 =	simm.s32 $0x14800;
	[dreg:$0x4] =	wrdreg s0  }
0x10: {  	s6 =	simm.s32 $0x1;
	[dreg:$0x5] =	wrdreg s11;
	s0 =	sadd.s32 s10, s1  }
0x11: {  	s4 =	sshrl.u32 s12, $0x3;
	s18 =	sshrl.u32 s16, $0x3;
	s19 =	sshrl.u32 s17, $0x3  }
0x12: {  	s23 =	sshrl.u32 s21, $0x3;
	s24 =	sshrl.u32 s22, $0x3;
	s17 =	sadd.s32 s26, s1  }
0x13: {  	s22 =	simm.s32 $0x3;
	s26 =	simm.s32 $0x5;
	s12 =	simm.s32 $0xB  }
0x14: {  	s16 =	simm.s32 $0xD;
	s13 =	sadd.s32 $0xC10, s0;
	s14 =	sadd.s32 $0xC30, s0  }
0x15: {  	s0 =	sadd.s32 $0xC50, s0;
	s10 =	sadd.s32 s4, s1;
	[dreg:$0x6] =	wrdreg s13  }
0x16: {  	s25 =	sadd.s32 s24, s1;
	s4 =	simm.s32 $0x40;
	[dreg:$0x7] =	wrdreg s14  }
0x17: {  	s24 =	simm.s32 $0x4;
	[dreg:$0x8] =	wrdreg s0;
	s0 =	sshrl.u32 s15, $0x3  }
0x18: {  	s13 =	sadd.s32 s19, s1;
	s15 =	sadd.s32 s23, s1;
	[dreg:$0xb] =	wrdreg s25  }
.Ltmp0:
0x19: {  	s19 =	simm.s32 $0x80;
	s25 =	simm.s32 $0x6800;
	(pc) =	sbr.rel .LBB2_1-.Ltmp0, $4  }
0x1a: {  	s14 =	simm.s32 $0xC;
	s11 =	sadd.s32 s0, s1;
	s0 =	sadd.s32 s18, s1  }
0x1b: {  	s23 =	simm.s32 $0x0;
	[dreg:$0x9] =	wrdreg s0;
	s0 =	sshrl.u32 s20, $0x3  }
0x1c: {  	s18 =	simm.s32 $0x2;
	s20 =	simm.s32 $0x6400;
	s0 =	sadd.s32 s0, s1  }
0x1d: {  	s1 =	simm.s32 $0xE;
	[dreg:$0xa] =	wrdreg s0;
	s0 =	simm.s32 $0xC800  }
.LBB2_12:
0x1e: {  	s2 =	simm.s32 $0x9  }
0x1f: {  	_ =	swait.ge [sflag:s2], $0x2000  }
0x20: {  	[sflag:s2] =	ssyncset.done $0x0  }
0x21: {  	s21 =	simm.s32 $0xA;
	[sflag:s2] =	ssyncadd.s32 $0xFFFFE000  }
0x22: {  	_ =	swait.ge [sflag:s21], $0x2000  }
0x23: {  	[sflag:s21] =	ssyncset.done $0x0  }
0x24: {  	[sflag:s21] =	ssyncadd.s32 $0xFFFFE000  }
0x25: {  	_ =	swait.ge [sflag:s12], $0x2000  }
0x26: {  	[sflag:s12] =	ssyncset.done $0x0  }
0x27: {  	[sflag:s12] =	ssyncadd.s32 $0xFFFFE000  }
0x28: {  	_ =	swait.ge [sflag:s14], $0x2000  }
0x29: {  	[sflag:s14] =	ssyncset.done $0x0  }
0x2a: {  	[sflag:s14] =	ssyncadd.s32 $0xFFFFE000  }
0x2b: {  	_ =	swait.ge [sflag:s16], $0x2000  }
0x2c: {  	[sflag:s16] =	ssyncset.done $0x0  }
0x2d: {  	[sflag:s16] =	ssyncadd.s32 $0xFFFFE000  }
0x2e: {  	_ =	swait.ge [sflag:s1], $0x2000  }
0x2f: {  	[sflag:s1] =	ssyncset.done $0x0  }
0x30: {  	s23 =	simm.s32 $0xF;
	[sflag:s1] =	ssyncadd.s32 $0xFFFFE000  }
0x31: {  	_ =	swait.ge [sflag:s23], $0x2000  }
0x32: {  	[sflag:s23] =	ssyncset.done $0x0  }
0x33: {  	s21 =	simm.s32 $0x10;
	[sflag:s23] =	ssyncadd.s32 $0xFFFFE000  }
0x34: {  	_ =	swait.ge [sflag:s21], $0x2000  }
0x35: {  	s23 =	rddreg [dreg:$0xc]  }
0x36: {  	s2 =	rddreg [dreg:$0x5];
	s23 =	sadd.s32 $0x1, s23  }
0x37: {  	p0 =	sne.s32 s23, s2  }
.Ltmp1:
0x38: {  	_ = 	snop;
	(pc) =	sbr.rel @!p0 .LBB2_13-.Ltmp1, $3  }
0x39: {  	_ =	sdelay $0x1  }
0x3a: {  	[sflag:s21] =	ssyncset.done $0x0  }
0x3b: {  	[sflag:s21] =	ssyncadd.s32 $0xFFFFE000  }
.LBB2_1:
0x3c: {  	s2 =	simm.s32 $0x0;
	s21 =	rddreg [dreg:$0x3]  }
0x3d: {  	[tilespmem:s2], [sflag:$0x11] =	stream.linear.gather [hbm4b:s21+s2], $0x400, $0x38;
	[tilespmem:$0x16800] =	vst v63  }
0x3e: {  	[dreg:$0xc] =	wrdreg s23;
	s21 =	simm.s32 $0x11  }
0x3f: {  	_ =	swait.ge [sflag:s21], $0x400  }
0x40: {  	[sflag:s21] =	ssyncset.done $0x0  }
0x41: {  	[sflag:s21] =	ssyncadd.s32 $0xFFFFFC00  }
0x42: {  	v0 =	vld [tilespmem:$0x0]  }
0x43: {  	v1 =	vld [tilespmem:$0x10]  }
0x44: {  	v2 =	vld [tilespmem:$0x20]  }
0x45: {  	v3 =	vld [tilespmem:$0x30]  }
0x46: {  	v4 =	vld [tilespmem:$0x40]  }
0x47: {  	v5 =	vld [tilespmem:$0x50];
	v0 =	vshll.u32 v0, $0x1  }
0x48: {  	v22 =	vld [tilespmem:$0x60];
	v21 =	vshll.u32 v1, $0x1;
	[tilespmem:$0x6400] =	vst v0  }
0x49: {  	v24 =	vld [tilespmem:$0x70];
	v23 =	vshll.u32 v2, $0x1;
	[tilespmem:$0x6410] =	vst v21  }
0x4a: {  	v25 =	vshll.u32 v3, $0x1;
	[tilespmem:$0x6420] =	vst v23  }
0x4b: {  	v26 =	vshll.u32 v4, $0x1;
	[tilespmem:$0x6430] =	vst v25  }
0x4c: {  	v27 =	vshll.u32 v5, $0x1;
	[tilespmem:$0x6440] =	vst v26  }
0x4d: {  	v28 =	vshll.u32 v22, $0x1;
	[tilespmem:$0x6450] =	vst v27  }
0x4e: {  	v29 =	vshll.u32 v24, $0x1;
	[tilespmem:$0x6460] =	vst v28  }
0x4f: {  	[tilespmem:$0x6470] =	vst v29  }
0x50: {  	[tilespmem:s25], [sflag:$0x1] =	stream.indirect.gather [hbm4b:s3+s19], $0x40, s20, s19, $0xb8;
	[tilespmem:$0x16800] =	vst v63  }
0x51: {  	v30 =	vld [tilespmem:$0x80]  }
0x52: {  	v31 =	vld [tilespmem:$0x90]  }
0x53: {  	v32 =	vld [tilespmem:$0xA0]  }
0x54: {  	v33 =	vld [tilespmem:$0xB0]  }
0x55: {  	v34 =	vld [tilespmem:$0xC0]  }
0x56: {  	v35 =	vld [tilespmem:$0xD0];
	v0 =	vshll.u32 v30, $0x1  }
0x57: {  	v37 =	vld [tilespmem:$0xE0];
	v36 =	vshll.u32 v31, $0x1;
	[tilespmem:$0x6480] =	vst v0  }
0x58: {  	v39 =	vld [tilespmem:$0xF0];
	v38 =	vshll.u32 v32, $0x1;
	[tilespmem:$0x6490] =	vst v36  }
0x59: {  	v40 =	vshll.u32 v33, $0x1;
	[tilespmem:$0x64A0] =	vst v38  }
0x5a: {  	v41 =	vshll.u32 v34, $0x1;
	[tilespmem:$0x64B0] =	vst v40  }
0x5b: {  	v42 =	vshll.u32 v35, $0x1;
	[tilespmem:$0x64C0] =	vst v41  }
0x5c: {  	v43 =	vshll.u32 v37, $0x1;
	[tilespmem:$0x64D0] =	vst v42  }
0x5d: {  	v44 =	vshll.u32 v39, $0x1;
	[tilespmem:$0x64E0] =	vst v43  }
0x5e: {  	s23 =	simm.s32 $0x6480;
	[tilespmem:$0x64F0] =	vst v44  }
0x5f: {  	[tilespmem:s30], [sflag:$0x2] =	stream.indirect.gather [hbm4b:s3+s19], $0x40, s23, s19, $0xb8;
	[tilespmem:$0x16800] =	vst v63  }
0x60: {  	v45 =	vld [tilespmem:$0x100]  }
0x61: {  	v46 =	vld [tilespmem:$0x110]  }
0x62: {  	v47 =	vld [tilespmem:$0x120]  }
0x63: {  	v48 =	vld [tilespmem:$0x130]  }
0x64: {  	v49 =	vld [tilespmem:$0x140]  }
0x65: {  	v50 =	vld [tilespmem:$0x150];
	v0 =	vshll.u32 v45, $0x1  }
0x66: {  	v52 =	vld [tilespmem:$0x160];
	v51 =	vshll.u32 v46, $0x1;
	[tilespmem:$0x6500] =	vst v0  }
0x67: {  	v54 =	vld [tilespmem:$0x170];
	v53 =	vshll.u32 v47, $0x1;
	[tilespmem:$0x6510] =	vst v51  }
0x68: {  	v55 =	vshll.u32 v48, $0x1;
	[tilespmem:$0x6520] =	vst v53  }
0x69: {  	v56 =	vshll.u32 v49, $0x1;
	[tilespmem:$0x6530] =	vst v55  }
0x6a: {  	v57 =	vshll.u32 v50, $0x1;
	[tilespmem:$0x6540] =	vst v56  }
0x6b: {  	v58 =	vshll.u32 v52, $0x1;
	[tilespmem:$0x6550] =	vst v57  }
0x6c: {  	v59 =	vshll.u32 v54, $0x1;
	[tilespmem:$0x6560] =	vst v58  }
0x6d: {  	s23 =	simm.s32 $0x6500;
	[tilespmem:$0x6570] =	vst v59  }
0x6e: {  	[tilespmem:s28], [sflag:$0x3] =	stream.indirect.gather [hbm4b:s3+s19], $0x40, s23, s19, $0xb8;
	[tilespmem:$0x16800] =	vst v63  }
0x6f: {  	v60 =	vld [tilespmem:$0x180]  }
0x70: {  	v61 =	vld [tilespmem:$0x190]  }
0x71: {  	v62 =	vld [tilespmem:$0x1A0]  }
0x72: {  	v63 =	vld [tilespmem:$0x1B0]  }
0x73: {  	v8 =	vld [tilespmem:$0x1C0]  }
0x74: {  	v9 =	vld [tilespmem:$0x1D0];
	v0 =	vshll.u32 v60, $0x1  }
0x75: {  	v11 =	vld [tilespmem:$0x1E0];
	v10 =	vshll.u32 v61, $0x1;
	[tilespmem:$0x6580] =	vst v0  }
0x76: {  	v13 =	vld [tilespmem:$0x1F0];
	v12 =	vshll.u32 v62, $0x1;
	[tilespmem:$0x6590] =	vst v10  }
0x77: {  	v14 =	vshll.u32 v63, $0x1;
	[tilespmem:$0x65A0] =	vst v12  }
0x78: {  	v15 =	vshll.u32 v8, $0x1;
	[tilespmem:$0x65B0] =	vst v14  }
0x79: {  	v16 =	vshll.u32 v9, $0x1;
	[tilespmem:$0x65C0] =	vst v15  }
0x7a: {  	v17 =	vshll.u32 v11, $0x1;
	[tilespmem:$0x65D0] =	vst v16  }
0x7b: {  	v18 =	vshll.u32 v13, $0x1;
	[tilespmem:$0x65E0] =	vst v17  }
0x7c: {  	s23 =	simm.s32 $0x6580;
	[tilespmem:$0x65F0] =	vst v18  }
0x7d: {  	[tilespmem:s0], [sflag:$0x4] =	stream.indirect.gather [hbm4b:s3+s19], $0x40, s23, s19, $0xb8;
	[tilespmem:$0x16800] =	vst v63  }
0x7e: {  	v19 =	vld [tilespmem:$0x200]  }
0x7f: {  	v20 =	vld [tilespmem:$0x210]  }
0x80: {  	v21 =	vld [tilespmem:$0x220]  }
0x81: {  	v22 =	vld [tilespmem:$0x230]  }
0x82: {  	v23 =	vld [tilespmem:$0x240]  }
0x83: {  	v24 =	vld [tilespmem:$0x250];
	v0 =	vshll.u32 v19, $0x1  }
0x84: {  	v26 =	vld [tilespmem:$0x260];
	v25 =	vshll.u32 v20, $0x1;
	[tilespmem:$0x6600] =	vst v0  }
0x85: {  	v28 =	vld [tilespmem:$0x270];
	v27 =	vshll.u32 v21, $0x1;
	[tilespmem:$0x6610] =	vst v25  }
0x86: {  	v29 =	vshll.u32 v22, $0x1;
	[tilespmem:$0x6620] =	vst v27  }
0x87: {  	v30 =	vshll.u32 v23, $0x1;
	[tilespmem:$0x6630] =	vst v29  }
0x88: {  	v31 =	vshll.u32 v24, $0x1;
	[tilespmem:$0x6640] =	vst v30  }
0x89: {  	v32 =	vshll.u32 v26, $0x1;
	[tilespmem:$0x6650] =	vst v31  }
0x8a: {  	v33 =	vshll.u32 v28, $0x1;
	[tilespmem:$0x6660] =	vst v32  }
0x8b: {  	s23 =	simm.s32 $0x6600;
	[tilespmem:$0x6670] =	vst v33  }
0x8c: {  	[tilespmem:s8], [sflag:$0x5] =	stream.indirect.gather [hbm4b:s3+s19], $0x40, s23, s19, $0xb8;
	[tilespmem:$0x16800] =	vst v63  }
0x8d: {  	v34 =	vld [tilespmem:$0x280]  }
0x8e: {  	v35 =	vld [tilespmem:$0x290]  }
0x8f: {  	v36 =	vld [tilespmem:$0x2A0]  }
0x90: {  	v37 =	vld [tilespmem:$0x2B0]  }
0x91: {  	v38 =	vld [tilespmem:$0x2C0]  }
0x92: {  	v39 =	vld [tilespmem:$0x2D0];
	v0 =	vshll.u32 v34, $0x1  }
0x93: {  	v41 =	vld [tilespmem:$0x2E0];
	v40 =	vshll.u32 v35, $0x1;
	[tilespmem:$0x6680] =	vst v0  }
0x94: {  	v43 =	vld [tilespmem:$0x2F0];
	v42 =	vshll.u32 v36, $0x1;
	[tilespmem:$0x6690] =	vst v40  }
0x95: {  	v44 =	vshll.u32 v37, $0x1;
	[tilespmem:$0x66A0] =	vst v42  }
0x96: {  	v45 =	vshll.u32 v38, $0x1;
	[tilespmem:$0x66B0] =	vst v44  }
0x97: {  	v46 =	vshll.u32 v39, $0x1;
	[tilespmem:$0x66C0] =	vst v45  }
0x98: {  	v47 =	vshll.u32 v41, $0x1;
	[tilespmem:$0x66D0] =	vst v46  }
0x99: {  	v48 =	vshll.u32 v43, $0x1;
	[tilespmem:$0x66E0] =	vst v47  }
0x9a: {  	s23 =	simm.s32 $0x6680;
	[tilespmem:$0x66F0] =	vst v48  }
0x9b: {  	[tilespmem:s9], [sflag:$0x6] =	stream.indirect.gather [hbm4b:s3+s19], $0x40, s23, s19, $0xb8;
	[tilespmem:$0x16800] =	vst v63  }
0x9c: {  	v49 =	vld [tilespmem:$0x300]  }
0x9d: {  	v50 =	vld [tilespmem:$0x310]  }
0x9e: {  	v51 =	vld [tilespmem:$0x320]  }
0x9f: {  	v52 =	vld [tilespmem:$0x330]  }
0xa0: {  	v53 =	vld [tilespmem:$0x340]  }
0xa1: {  	v54 =	vld [tilespmem:$0x350];
	v0 =	vshll.u32 v49, $0x1  }
0xa2: {  	v56 =	vld [tilespmem:$0x360];
	v55 =	vshll.u32 v50, $0x1;
	[tilespmem:$0x6700] =	vst v0  }
0xa3: {  	v58 =	vld [tilespmem:$0x370];
	v57 =	vshll.u32 v51, $0x1;
	[tilespmem:$0x6710] =	vst v55  }
0xa4: {  	v59 =	vshll.u32 v52, $0x1;
	[tilespmem:$0x6720] =	vst v57  }
0xa5: {  	v60 =	vshll.u32 v53, $0x1;
	[tilespmem:$0x6730] =	vst v59  }
0xa6: {  	v61 =	vshll.u32 v54, $0x1;
	[tilespmem:$0x6740] =	vst v60  }
0xa7: {  	v62 =	vshll.u32 v56, $0x1;
	[tilespmem:$0x6750] =	vst v61  }
0xa8: {  	v63 =	vshll.u32 v58, $0x1;
	[tilespmem:$0x6760] =	vst v62  }
0xa9: {  	s2 =	rddreg [dreg:$0x4];
	s8 =	simm.s32 $0x6700;
	s23 =	simm.s32 $0x12800;
	[tilespmem:$0x6770] =	vst v63  }
0xaa: {  	[tilespmem:s23], [sflag:$0x7] =	stream.indirect.gather [hbm4b:s3+s19], $0x40, s8, s19, $0xb8;
	[tilespmem:$0x16800] =	vst v63  }
.Ltmp2:
0xab: {  	s8 =	simm.s32 $0x8000;
	s23 =	simm.s32 $0x400;
	(pc) =	sbr.rel .LBB2_2-.Ltmp2, $4  }
0xac: {  	[tilespmem:s23], [sflag:$0x11] =	stream.strided.gather [hbm4b:s2+s23], $0x6000, s8, s23, $0x38;
	[tilespmem:$0x16800] =	vst v63  }
0xad: {  	_ =	swait.ge [sflag:s21], $0x6000  }
0xae: {  	[sflag:s21] =	ssyncset.done $0x0  }
0xaf: {  	s2 =	simm.s32 $0x3C0;
	[sflag:s21] =	ssyncadd.s32 $0xFFFFA000;
	s21 =	simm.s32 $0x0  }
.LBB2_10:
0xb0: {  	_ =	swait.ge [sflag:s29], $0x2000  }
0xb1: {  	[sflag:s29] =	ssyncset.done $0x0  }
0xb2: {  	s8 =	simm.s32 $0xE800;
	s23 =	rddreg [dreg:$0x8];
	[sflag:s29] =	ssyncadd.s32 $0xFFFFE000  }
0xb3: {  	[hbm4b:s23+s4] =	stream.strided.scatter [tilespmem:s9], [sflag:$0xE], $0x2000, s20, s4, $0x38;
	[tilespmem:$0x16800] =	vst v63  }
.LBB2_11:
0xb4: {  	_ =	swait.ge [sflag:s31], $0x2000  }
0xb5: {  	[sflag:s31] =	ssyncset.done $0x0  }
0xb6: {  	s23 =	sadd.s32 s21, s11;
	s25 =	simm.s32 $0x12800;
	[sflag:s31] =	ssyncadd.s32 $0xFFFFE000  }
0xb7: {  	[hbm4b:s23+s4] =	stream.strided.scatter [tilespmem:s25], [sflag:$0xF], $0x2000, s20, s4, $0x38;
	[tilespmem:$0x16800] =	vst v63  }
0xb8: {  	s23 =	simm.s32 @!p0 $0xF  }
0xb9: {  	_ =	swait.ge @!p0 [sflag:s23], $0x2000  }
0xba: {  	[sflag:s23] =	ssyncset.done @!p0 $0x0  }
0xbb: {  	[sflag:s23] =	ssyncadd.s32 @!p0 $0xFFFFE000  }
0xbc: {  	v0 =	vld @!p0 [tilespmem:s2+$0x340];
	_ =	sdelay $0x4  }
0xbd: {  	v0 =	vshll.u32 @!p0 v0, $0x1  }
0xbe: {  	[tilespmem:$0x6700] =	vst @!p0 v0  }
0xbf: {  	v0 =	vld @!p0 [tilespmem:s2+$0x350];
	_ =	sdelay $0x4  }
0xc0: {  	v0 =	vshll.u32 @!p0 v0, $0x1  }
0xc1: {  	[tilespmem:$0x6710] =	vst @!p0 v0  }
0xc2: {  	v0 =	vld @!p0 [tilespmem:s2+$0x360];
	_ =	sdelay $0x4  }
0xc3: {  	v0 =	vshll.u32 @!p0 v0, $0x1  }
0xc4: {  	[tilespmem:$0x6720] =	vst @!p0 v0  }
0xc5: {  	v0 =	vld @!p0 [tilespmem:s2+$0x370];
	_ =	sdelay $0x4  }
0xc6: {  	v0 =	vshll.u32 @!p0 v0, $0x1  }
0xc7: {  	[tilespmem:$0x6730] =	vst @!p0 v0  }
0xc8: {  	v0 =	vld @!p0 [tilespmem:s2+$0x380];
	_ =	sdelay $0x4  }
0xc9: {  	v0 =	vshll.u32 @!p0 v0, $0x1  }
0xca: {  	[tilespmem:$0x6740] =	vst @!p0 v0  }
0xcb: {  	v0 =	vld @!p0 [tilespmem:s2+$0x390];
	_ =	sdelay $0x4  }
0xcc: {  	v0 =	vshll.u32 @!p0 v0, $0x1  }
0xcd: {  	[tilespmem:$0x6750] =	vst @!p0 v0  }
0xce: {  	v0 =	vld @!p0 [tilespmem:s2+$0x3A0];
	_ =	sdelay $0x4  }
0xcf: {  	v0 =	vshll.u32 @!p0 v0, $0x1  }
0xd0: {  	[tilespmem:$0x6760] =	vst @!p0 v0  }
0xd1: {  	v0 =	vld @!p0 [tilespmem:s2+$0x3B0];
	_ =	sdelay $0x4  }
0xd2: {  	v0 =	vshll.u32 @!p0 v0, $0x1  }
0xd3: {  	s28 =	simm.s32 @!p0 $0x12800;
	s25 =	simm.s32 @!p0 $0x6700;
	s23 =	simm.s32 @!p0 $0x80;
	[tilespmem:$0x6770] =	vst @!p0 v0  }
0xd4: {  	[tilespmem:s28], [sflag:$0x7] =	stream.indirect.gather @!p0 [hbm4b:s3+s23], $0x40, s25, s23, $0xb8;
	[tilespmem:$0x16800] =	vst v63  }
0xd5: {  	s25 =	sadd.s32 s21, s10;
	s21 =	sadd.s32 $0x80, s21  }
0xd6: {  	p0 =	sne.s32 s21, $0xC80  }
.Ltmp3:
0xd7: {  	_ =	swait.ge [sflag:s7], $0x2000;
	(pc) =	sbr.rel @!p0 .LBB2_12-.Ltmp3, $4  }
0xd8: {  	[sflag:s7] =	ssyncset.done $0x0  }
0xd9: {  	[sflag:s7] =	ssyncadd.s32 $0xFFFFE000  }
0xda: {  	[hbm4b:s25+s4] =	stream.strided.scatter [tilespmem:s5], [sflag:$0x10], $0x2000, s20, s4, $0x38;
	[tilespmem:$0x16800] =	vst v63  }
0xdb: {  	s2 =	sadd.s32 $0x400, s2;
	s28 =	simm.s32 $0xA800;
	s25 =	simm.s32 $0x6800  }
.LBB2_2:
0xdc: {  	p0 =	seq.s32 s21, $0x0  }
0xdd: {  	s23 =	simm.s32 @!p0 $0x10  }
0xde: {  	_ =	swait.ge @!p0 [sflag:s23], $0x2000  }
0xdf: {  	[sflag:s23] =	ssyncset.done @!p0 $0x0  }
0xe0: {  	[sflag:s23] =	ssyncadd.s32 @!p0 $0xFFFFE000  }
0xe1: {  	v0 =	vld [tilespmem:s2+$0xFFFFFFC0];
	_ =	sdelay $0x4  }
0xe2: {  	v0 =	vshll.u32 v0, $0x1  }
0xe3: {  	[tilespmem:$0x6780] =	vst v0  }
0xe4: {  	v0 =	vld [tilespmem:s2+$0xFFFFFFD0];
	_ =	sdelay $0x4  }
0xe5: {  	v0 =	vshll.u32 v0, $0x1  }
0xe6: {  	[tilespmem:$0x6790] =	vst v0  }
0xe7: {  	v0 =	vld [tilespmem:s2+$0xFFFFFFE0];
	_ =	sdelay $0x4  }
0xe8: {  	v0 =	vshll.u32 v0, $0x1  }
0xe9: {  	[tilespmem:$0x67A0] =	vst v0  }
0xea: {  	v0 =	vld [tilespmem:s2+$0xFFFFFFF0];
	_ =	sdelay $0x4  }
0xeb: {  	v0 =	vshll.u32 v0, $0x1  }
0xec: {  	[tilespmem:$0x67B0] =	vst v0  }
0xed: {  	v0 =	vld [tilespmem:s2+$0x0];
	_ =	sdelay $0x4  }
0xee: {  	v0 =	vshll.u32 v0, $0x1  }
0xef: {  	[tilespmem:$0x67C0] =	vst v0  }
0xf0: {  	v0 =	vld [tilespmem:s2+$0x10];
	_ =	sdelay $0x4  }
0xf1: {  	v0 =	vshll.u32 v0, $0x1  }
0xf2: {  	[tilespmem:$0x67D0] =	vst v0  }
0xf3: {  	v0 =	vld [tilespmem:s2+$0x20];
	_ =	sdelay $0x4  }
0xf4: {  	v0 =	vshll.u32 v0, $0x1  }
0xf5: {  	[tilespmem:$0x67E0] =	vst v0  }
0xf6: {  	v0 =	vld [tilespmem:s2+$0x30];
	_ =	sdelay $0x4  }
0xf7: {  	v0 =	vshll.u32 v0, $0x1  }
0xf8: {  	s8 =	simm.s32 $0x6780;
	p0 =	seq.s32 s21, $0xC00;
	[tilespmem:$0x67F0] =	vst v0  }
0xf9: {  	[tilespmem:s5], [sflag:$0x8] =	stream.indirect.gather [hbm4b:s3+s19], $0x40, s8, s19, $0xb8;
	[tilespmem:$0x16800] =	vst v63  }
.Ltmp4:
0xfa: {  	_ = 	snop;
	(pc) =	sbr.rel @!p0 .LBB2_3-.Ltmp4, $4  }
0xfb: {  	_ =	swait.ge [sflag:s6], $0x2000  }
0xfc: {  	[sflag:s6] =	ssyncset.done $0x0  }
0xfd: {  	s8 =	sadd.s32 s21, s17;
	[sflag:s6] =	ssyncadd.s32 $0xFFFFE000  }
0xfe: {  	[hbm4b:s8+s4] =	stream.strided.scatter [tilespmem:s25], [sflag:$0x9], $0x2000, s20, s4, $0x38;
	[tilespmem:$0x16800] =	vst v63  }
.Ltmp5:
0xff: {  	(pc) =	sbr.rel .LBB2_5-.Ltmp5, $4  }
0x100: {  	_ =	swait.ge [sflag:s18], $0x2000  }
0x101: {  	[sflag:s18] =	ssyncset.done $0x0  }
0x102: {  	s23 =	rddreg [dreg:$0x6];
	[sflag:s18] =	ssyncadd.s32 $0xFFFFE000  }
0x103: {  	[hbm4b:s23+s4] =	stream.strided.scatter [tilespmem:s30], [sflag:$0xA], $0x2000, s20, s4, $0x38;
	[tilespmem:$0x16800] =	vst v63  }
.LBB2_3:
0x104: {  	s8 =	simm.s32 $0x9  }
0x105: {  	_ =	swait.ge [sflag:s8], $0x2000  }
0x106: {  	[sflag:s8] =	ssyncset.done $0x0  }
0x107: {  	[sflag:s8] =	ssyncadd.s32 $0xFFFFE000  }
0x108: {  	v0 =	vld [tilespmem:s2+$0x40];
	_ =	sdelay $0x4  }
0x109: {  	v0 =	vshll.u32 v0, $0x1  }
0x10a: {  	[tilespmem:$0x6400] =	vst v0  }
0x10b: {  	v0 =	vld [tilespmem:s2+$0x50];
	_ =	sdelay $0x4  }
0x10c: {  	v0 =	vshll.u32 v0, $0x1  }
0x10d: {  	[tilespmem:$0x6410] =	vst v0  }
0x10e: {  	v0 =	vld [tilespmem:s2+$0x60];
	_ =	sdelay $0x4  }
0x10f: {  	v0 =	vshll.u32 v0, $0x1  }
0x110: {  	[tilespmem:$0x6420] =	vst v0  }
0x111: {  	v0 =	vld [tilespmem:s2+$0x70];
	_ =	sdelay $0x4  }
0x112: {  	v0 =	vshll.u32 v0, $0x1  }
0x113: {  	[tilespmem:$0x6430] =	vst v0  }
0x114: {  	v0 =	vld [tilespmem:s2+$0x80];
	_ =	sdelay $0x4  }
0x115: {  	v0 =	vshll.u32 v0, $0x1  }
0x116: {  	[tilespmem:$0x6440] =	vst v0  }
0x117: {  	v0 =	vld [tilespmem:s2+$0x90];
	_ =	sdelay $0x4  }
0x118: {  	v0 =	vshll.u32 v0, $0x1  }
0x119: {  	[tilespmem:$0x6450] =	vst v0  }
0x11a: {  	v0 =	vld [tilespmem:s2+$0xA0];
	_ =	sdelay $0x4  }
0x11b: {  	v0 =	vshll.u32 v0, $0x1  }
0x11c: {  	[tilespmem:$0x6460] =	vst v0  }
0x11d: {  	v0 =	vld [tilespmem:s2+$0xB0];
	_ =	sdelay $0x4  }
0x11e: {  	v0 =	vshll.u32 v0, $0x1  }
0x11f: {  	[tilespmem:$0x6470] =	vst v0  }
0x120: {  	[tilespmem:s25], [sflag:$0x1] =	stream.indirect.gather [hbm4b:s3+s19], $0x40, s20, s19, $0xb8;
	[tilespmem:$0x16800] =	vst v63  }
0x121: {  	_ =	swait.ge [sflag:s18], $0x2000  }
0x122: {  	[sflag:s18] =	ssyncset.done $0x0;
	s23 =	rddreg [dreg:$0xb]  }
0x123: {  	s25 =	simm.s32 $0x8800;
	[sflag:s18] =	ssyncadd.s32 $0xFFFFE000;
	s23 =	sadd.s32 s21, s23  }
0x124: {  	[hbm4b:s23+s4] =	stream.strided.scatter [tilespmem:s25], [sflag:$0xA], $0x2000, s20, s4, $0x38;
	[tilespmem:$0x16800] =	vst v63  }
0x125: {  	s23 =	simm.s32 $0xA  }
0x126: {  	_ =	swait.ge [sflag:s23], $0x2000  }
0x127: {  	[sflag:s23] =	ssyncset.done $0x0  }
0x128: {  	[sflag:s23] =	ssyncadd.s32 $0xFFFFE000  }
0x129: {  	v63 =	vld [tilespmem:s2+$0xC0];
	_ =	sdelay $0x4  }
0x12a: {  	v0 =	vshll.u32 v63, $0x1  }
0x12b: {  	[tilespmem:$0x6480] =	vst v0  }
0x12c: {  	v0 =	vld [tilespmem:s2+$0xD0];
	_ =	sdelay $0x4  }
0x12d: {  	v0 =	vshll.u32 v0, $0x1  }
0x12e: {  	[tilespmem:$0x6490] =	vst v0  }
0x12f: {  	v0 =	vld [tilespmem:s2+$0xE0];
	_ =	sdelay $0x4  }
0x130: {  	v0 =	vshll.u32 v0, $0x1  }
0x131: {  	[tilespmem:$0x64A0] =	vst v0  }
0x132: {  	v0 =	vld [tilespmem:s2+$0xF0];
	_ =	sdelay $0x4  }
0x133: {  	v0 =	vshll.u32 v0, $0x1  }
0x134: {  	[tilespmem:$0x64B0] =	vst v0  }
0x135: {  	v0 =	vld [tilespmem:s2+$0x100];
	_ =	sdelay $0x4  }
0x136: {  	v0 =	vshll.u32 v0, $0x1  }
0x137: {  	[tilespmem:$0x64C0] =	vst v0  }
0x138: {  	v0 =	vld [tilespmem:s2+$0x110];
	_ =	sdelay $0x4  }
0x139: {  	v0 =	vshll.u32 v0, $0x1  }
0x13a: {  	[tilespmem:$0x64D0] =	vst v0  }
0x13b: {  	v0 =	vld [tilespmem:s2+$0x120];
	_ =	sdelay $0x4  }
0x13c: {  	v0 =	vshll.u32 v0, $0x1  }
0x13d: {  	[tilespmem:$0x64E0] =	vst v0  }
0x13e: {  	v0 =	vld [tilespmem:s2+$0x130];
	_ =	sdelay $0x4  }
0x13f: {  	v0 =	vshll.u32 v0, $0x1  }
0x140: {  	s30 =	simm.s32 $0x8800;
	s8 =	simm.s32 $0x6480;
	[tilespmem:$0x64F0] =	vst v0  }
0x141: {  	[tilespmem:s25], [sflag:$0x2] =	stream.indirect.gather [hbm4b:s3+s19], $0x40, s8, s19, $0xb8;
	[tilespmem:$0x16800] =	vst v63  }
.LBB2_5:
.Ltmp6:
0x142: {  	(pc) =	sbr.rel @!p0 .LBB2_6-.Ltmp6, $4  }
0x143: {  	_ =	swait.ge [sflag:s22], $0x2000  }
0x144: {  	[sflag:s22] =	ssyncset.done $0x0  }
0x145: {  	s23 =	sadd.s32 s21, s15;
	[sflag:s22] =	ssyncadd.s32 $0xFFFFE000  }
0x146: {  	[hbm4b:s23+s4] =	stream.strided.scatter [tilespmem:s28], [sflag:$0xB], $0x2000, s20, s4, $0x38;
	[tilespmem:$0x16800] =	vst v63  }
.Ltmp7:
0x147: {  	(pc) =	sbr.rel .LBB2_8-.Ltmp7, $4  }
0x148: {  	_ =	swait.ge [sflag:s24], $0x2000  }
0x149: {  	[sflag:s24] =	ssyncset.done $0x0  }
0x14a: {  	s25 =	simm.s32 $0xE800;
	s23 =	rddreg [dreg:$0x7];
	[sflag:s24] =	ssyncadd.s32 $0xFFFFE000  }
0x14b: {  	[hbm4b:s23+s4] =	stream.strided.scatter [tilespmem:s0], [sflag:$0xC], $0x2000, s20, s4, $0x38;
	[tilespmem:$0x16800] =	vst v63  }
.LBB2_6:
0x14c: {  	_ =	swait.ge [sflag:s12], $0x2000  }
0x14d: {  	[sflag:s12] =	ssyncset.done $0x0  }
0x14e: {  	[sflag:s12] =	ssyncadd.s32 $0xFFFFE000  }
0x14f: {  	v0 =	vld [tilespmem:s2+$0x140];
	_ =	sdelay $0x4  }
0x150: {  	v0 =	vshll.u32 v0, $0x1  }
0x151: {  	[tilespmem:$0x6500] =	vst v0  }
0x152: {  	v0 =	vld [tilespmem:s2+$0x150];
	_ =	sdelay $0x4  }
0x153: {  	v0 =	vshll.u32 v0, $0x1  }
0x154: {  	[tilespmem:$0x6510] =	vst v0  }
0x155: {  	v0 =	vld [tilespmem:s2+$0x160];
	_ =	sdelay $0x4  }
0x156: {  	v0 =	vshll.u32 v0, $0x1  }
0x157: {  	[tilespmem:$0x6520] =	vst v0  }
0x158: {  	v0 =	vld [tilespmem:s2+$0x170];
	_ =	sdelay $0x4  }
0x159: {  	v0 =	vshll.u32 v0, $0x1  }
0x15a: {  	[tilespmem:$0x6530] =	vst v0  }
0x15b: {  	v0 =	vld [tilespmem:s2+$0x180];
	_ =	sdelay $0x4  }
0x15c: {  	v0 =	vshll.u32 v0, $0x1  }
0x15d: {  	[tilespmem:$0x6540] =	vst v0  }
0x15e: {  	v0 =	vld [tilespmem:s2+$0x190];
	_ =	sdelay $0x4  }
0x15f: {  	v0 =	vshll.u32 v0, $0x1  }
0x160: {  	[tilespmem:$0x6550] =	vst v0  }
0x161: {  	v0 =	vld [tilespmem:s2+$0x1A0];
	_ =	sdelay $0x4  }
0x162: {  	v0 =	vshll.u32 v0, $0x1  }
0x163: {  	[tilespmem:$0x6560] =	vst v0  }
0x164: {  	v0 =	vld [tilespmem:s2+$0x1B0];
	_ =	sdelay $0x4  }
0x165: {  	v0 =	vshll.u32 v0, $0x1  }
0x166: {  	s23 =	simm.s32 $0x6500;
	[tilespmem:$0x6570] =	vst v0  }
0x167: {  	[tilespmem:s28], [sflag:$0x3] =	stream.indirect.gather [hbm4b:s3+s19], $0x40, s23, s19, $0xb8;
	[tilespmem:$0x16800] =	vst v63  }
0x168: {  	_ =	swait.ge [sflag:s24], $0x2000  }
0x169: {  	[sflag:s24] =	ssyncset.done $0x0;
	s25 =	rddreg [dreg:$0xa]  }
0x16a: {  	[sflag:s24] =	ssyncadd.s32 $0xFFFFE000;
	s23 =	sadd.s32 s21, s25;
	s25 =	simm.s32 $0xC800  }
0x16b: {  	[hbm4b:s23+s4] =	stream.strided.scatter [tilespmem:s25], [sflag:$0xC], $0x2000, s20, s4, $0x38;
	[tilespmem:$0x16800] =	vst v63  }
0x16c: {  	_ =	swait.ge [sflag:s14], $0x2000  }
0x16d: {  	[sflag:s14] =	ssyncset.done $0x0  }
0x16e: {  	[sflag:s14] =	ssyncadd.s32 $0xFFFFE000  }
0x16f: {  	v63 =	vld [tilespmem:s2+$0x1C0];
	_ =	sdelay $0x4  }
0x170: {  	v0 =	vshll.u32 v63, $0x1  }
0x171: {  	[tilespmem:$0x6580] =	vst v0  }
0x172: {  	v0 =	vld [tilespmem:s2+$0x1D0];
	_ =	sdelay $0x4  }
0x173: {  	v0 =	vshll.u32 v0, $0x1  }
0x174: {  	[tilespmem:$0x6590] =	vst v0  }
0x175: {  	v0 =	vld [tilespmem:s2+$0x1E0];
	_ =	sdelay $0x4  }
0x176: {  	v0 =	vshll.u32 v0, $0x1  }
0x177: {  	[tilespmem:$0x65A0] =	vst v0  }
0x178: {  	v0 =	vld [tilespmem:s2+$0x1F0];
	_ =	sdelay $0x4  }
0x179: {  	v0 =	vshll.u32 v0, $0x1  }
0x17a: {  	[tilespmem:$0x65B0] =	vst v0  }
0x17b: {  	v0 =	vld [tilespmem:s2+$0x200];
	_ =	sdelay $0x4  }
0x17c: {  	v0 =	vshll.u32 v0, $0x1  }
0x17d: {  	[tilespmem:$0x65C0] =	vst v0  }
0x17e: {  	v0 =	vld [tilespmem:s2+$0x210];
	_ =	sdelay $0x4  }
0x17f: {  	v0 =	vshll.u32 v0, $0x1  }
0x180: {  	[tilespmem:$0x65D0] =	vst v0  }
0x181: {  	v0 =	vld [tilespmem:s2+$0x220];
	_ =	sdelay $0x4  }
0x182: {  	v0 =	vshll.u32 v0, $0x1  }
0x183: {  	[tilespmem:$0x65E0] =	vst v0  }
0x184: {  	v0 =	vld [tilespmem:s2+$0x230];
	_ =	sdelay $0x4  }
0x185: {  	v0 =	vshll.u32 v0, $0x1  }
0x186: {  	s28 =	simm.s32 $0x6580;
	[tilespmem:$0x65F0] =	vst v0  }
0x187: {  	[tilespmem:s25], [sflag:$0x4] =	stream.indirect.gather [hbm4b:s3+s19], $0x40, s28, s19, $0xb8;
	[tilespmem:$0x16800] =	vst v63  }
0x188: {  	s0 =	simm.s32 $0xC800;
	s25 =	simm.s32 $0xE800  }
.LBB2_8:
.Ltmp8:
0x189: {  	(pc) =	sbr.rel @p0 .LBB2_10-.Ltmp8, $4  }
0x18a: {  	_ =	swait.ge [sflag:s26], $0x2000  }
0x18b: {  	[sflag:s26] =	ssyncset.done $0x0  }
0x18c: {  	s23 =	sadd.s32 s21, s13;
	[sflag:s26] =	ssyncadd.s32 $0xFFFFE000  }
0x18d: {  	[hbm4b:s23+s4] =	stream.strided.scatter [tilespmem:s25], [sflag:$0xD], $0x2000, s20, s4, $0x38;
	[tilespmem:$0x16800] =	vst v63  }
0x18e: {  	_ =	swait.ge [sflag:s16], $0x2000  }
0x18f: {  	[sflag:s16] =	ssyncset.done $0x0  }
0x190: {  	[sflag:s16] =	ssyncadd.s32 $0xFFFFE000  }
0x191: {  	v0 =	vld [tilespmem:s2+$0x240];
	_ =	sdelay $0x4  }
0x192: {  	v0 =	vshll.u32 v0, $0x1  }
0x193: {  	[tilespmem:$0x6600] =	vst v0  }
0x194: {  	v0 =	vld [tilespmem:s2+$0x250];
	_ =	sdelay $0x4  }
0x195: {  	v0 =	vshll.u32 v0, $0x1  }
0x196: {  	[tilespmem:$0x6610] =	vst v0  }
0x197: {  	v0 =	vld [tilespmem:s2+$0x260];
	_ =	sdelay $0x4  }
0x198: {  	v0 =	vshll.u32 v0, $0x1  }
0x199: {  	[tilespmem:$0x6620] =	vst v0  }
0x19a: {  	v0 =	vld [tilespmem:s2+$0x270];
	_ =	sdelay $0x4  }
0x19b: {  	v0 =	vshll.u32 v0, $0x1  }
0x19c: {  	[tilespmem:$0x6630] =	vst v0  }
0x19d: {  	v0 =	vld [tilespmem:s2+$0x280];
	_ =	sdelay $0x4  }
0x19e: {  	v0 =	vshll.u32 v0, $0x1  }
0x19f: {  	[tilespmem:$0x6640] =	vst v0  }
0x1a0: {  	v0 =	vld [tilespmem:s2+$0x290];
	_ =	sdelay $0x4  }
0x1a1: {  	v0 =	vshll.u32 v0, $0x1  }
0x1a2: {  	[tilespmem:$0x6650] =	vst v0  }
0x1a3: {  	v0 =	vld [tilespmem:s2+$0x2A0];
	_ =	sdelay $0x4  }
0x1a4: {  	v0 =	vshll.u32 v0, $0x1  }
0x1a5: {  	[tilespmem:$0x6660] =	vst v0  }
0x1a6: {  	v0 =	vld [tilespmem:s2+$0x2B0];
	_ =	sdelay $0x4  }
0x1a7: {  	v0 =	vshll.u32 v0, $0x1  }
0x1a8: {  	s23 =	simm.s32 $0x6600;
	[tilespmem:$0x6670] =	vst v0  }
0x1a9: {  	[tilespmem:s25], [sflag:$0x5] =	stream.indirect.gather [hbm4b:s3+s19], $0x40, s23, s19, $0xb8;
	[tilespmem:$0x16800] =	vst v63  }
0x1aa: {  	_ =	swait.ge [sflag:s29], $0x2000  }
0x1ab: {  	[sflag:s29] =	ssyncset.done $0x0;
	s25 =	rddreg [dreg:$0x9]  }
0x1ac: {  	[sflag:s29] =	ssyncadd.s32 $0xFFFFE000;
	s23 =	sadd.s32 s21, s25;
	s25 =	simm.s32 $0x10800  }
0x1ad: {  	[hbm4b:s23+s4] =	stream.strided.scatter [tilespmem:s25], [sflag:$0xE], $0x2000, s20, s4, $0x38;
	[tilespmem:$0x16800] =	vst v63  }
0x1ae: {  	_ =	swait.ge [sflag:s1], $0x2000  }
0x1af: {  	[sflag:s1] =	ssyncset.done $0x0  }
0x1b0: {  	[sflag:s1] =	ssyncadd.s32 $0xFFFFE000  }
0x1b1: {  	v63 =	vld [tilespmem:s2+$0x2C0];
	_ =	sdelay $0x4  }
0x1b2: {  	v0 =	vshll.u32 v63, $0x1  }
0x1b3: {  	[tilespmem:$0x6680] =	vst v0  }
0x1b4: {  	v0 =	vld [tilespmem:s2+$0x2D0];
	_ =	sdelay $0x4  }
0x1b5: {  	v0 =	vshll.u32 v0, $0x1  }
0x1b6: {  	[tilespmem:$0x6690] =	vst v0  }
0x1b7: {  	v0 =	vld [tilespmem:s2+$0x2E0];
	_ =	sdelay $0x4  }
0x1b8: {  	v0 =	vshll.u32 v0, $0x1  }
0x1b9: {  	[tilespmem:$0x66A0] =	vst v0  }
0x1ba: {  	v0 =	vld [tilespmem:s2+$0x2F0];
	_ =	sdelay $0x4  }
0x1bb: {  	v0 =	vshll.u32 v0, $0x1  }
0x1bc: {  	[tilespmem:$0x66B0] =	vst v0  }
0x1bd: {  	v0 =	vld [tilespmem:s2+$0x300];
	_ =	sdelay $0x4  }
0x1be: {  	v0 =	vshll.u32 v0, $0x1  }
0x1bf: {  	[tilespmem:$0x66C0] =	vst v0  }
0x1c0: {  	v0 =	vld [tilespmem:s2+$0x310];
	_ =	sdelay $0x4  }
0x1c1: {  	v0 =	vshll.u32 v0, $0x1  }
0x1c2: {  	[tilespmem:$0x66D0] =	vst v0  }
0x1c3: {  	v0 =	vld [tilespmem:s2+$0x320];
	_ =	sdelay $0x4  }
0x1c4: {  	v0 =	vshll.u32 v0, $0x1  }
0x1c5: {  	[tilespmem:$0x66E0] =	vst v0  }
0x1c6: {  	v0 =	vld [tilespmem:s2+$0x330];
	_ =	sdelay $0x2  }
.Ltmp9:
0x1c7: {  	_ = 	snop;
	(pc) =	sbr.rel .LBB2_11-.Ltmp9, $4  }
0x1c8: {  	_ = 	snop  }
0x1c9: {  	v0 =	vshll.u32 v0, $0x1  }
0x1ca: {  	s8 =	simm.s32 $0xE800;
	s28 =	simm.s32 $0x6680;
	s9 =	simm.s32 $0x10800;
	[tilespmem:$0x66F0] =	vst v0  }
0x1cb: {  	[tilespmem:s25], [sflag:$0x6] =	stream.indirect.gather [hbm4b:s3+s19], $0x40, s28, s19, $0xb8;
	[tilespmem:$0x16800] =	vst v63  }
.LBB2_13:
0x1cc: {  	_ =	sfence.sel $0x180000  }
0x1cd: {  	[bflag:$0x0] =	sbarrier.arrive $0xFFFF  }
0x1ce: {  	_ =	strace $0x9000004A  }
0x1cf: {  	s0 =	stileid.u32;
	[bflag:$0x2] =	sbarrier.arrive $0xFFFF  }
0x1d0: {  	p0 =	sne.s32 s0, $0x0;
	s0 =	rddreg [dreg:$0x2]  }
0x1d1: {  	s0 =	sadd.s32 @!p0 $0x100000, s0  }
0x1d2: {  	[sflag:s0] =	ssyncadd.tile.s32 @!p0 $0x1;
	_ =	shalt  }
.Lfunc_end2:
_tile_overlayer_lowered:
.L_overlay_start_2:
0x1d3: {  	(tag) =	ssettag $0x2  }
0x1d4: {  	s0 =	rddreg [dreg:$0x0];
	s2 =	stileid.u32  }
0x1d5: {  	s1 =	rddreg [dreg:$0x1];
	p0 =	sne.s32 s2, $0x0  }
0x1d6: {  	s3 =	rddreg [dreg:$0x2];
	[bflag:$0x3] =	sbarrier.arrive $0xFFFF;
	s2 =	simm.s32 @!p0 $0x1C11  }
0x1d7: {  	[timem:s3], [sflag:s2] =	dma.local @!p0 [hbm:s0], s1  }
0x1d8: {  	s0 =	simm.s32 @!p0 $0x11  }
0x1d9: {  	_ =	swait.ge @!p0 [sflag:s0], s1  }
0x1da: {  	s1 =	ssub.s32 @!p0 $0x0, s1;
	[sflag:s0] =	ssyncset.done @!p0 $0x0  }
0x1db: {  	[sflag:s0] =	ssyncadd.s32 @!p0 s1  }
0x1dc: {  	[bflag:$0x3] =	sbarrier.arrive $0xFFFF  }
0x1dd: {  	_ =	shalt  }

// kernel: sparse-core-data-format-call.1.cloned.1.call-start
scs
called_computation.1_lowered:
.L_overlay_start_0:
0x0: {  	s2 =	sld [smem:$0x3FD9]  }
0x1: {  	s3 =	sld [smem:$0x3FFE];
	_ =	sdelay $0x1  }
0x2: {  	s1 =	srdreg.scid  }
0x3: {  	s0 =	sand.u32 $0x1, s1  }
0x4: {  	s18 =	sshll.u32 s0, $0xA;
	s2 =	sadd.s32 s3, s2  }
0x5: {  	s2 =	sadd.s32 s2, s18  }
0x6: {  	[smem:$0x3FC6] =	sst s2  }
0x7: {  	_ = 	snop  }
0x8: {  	s2 =	sld [smem:$0x3FC8];
	(tm) =	ssettm $0x1  }
0x9: {  	s19 =	sld [smem:$0x3FFB];
	_ =	sdelay $0x3  }
0xa: {  	_ =	strace s19  }
0xb: {  	s3 =	sld [smem:$0x3FFC];
	_ =	sdelay $0x3  }
0xc: {  	_ =	strace s3  }
0xd: {  	s3 =	sld [smem:$0x3FFD];
	_ =	sdelay $0x3  }
0xe: {  	_ =	strace s3  }
0xf: {  	_ =	strace $0x8FFFFFFF  }
0x10: {  	s20 =	sld [smem:$0x3FDB];
	_ =	sdelay $0x1  }
0x11: {  	s4 =	simm.s32 $_scs_section_size  }
0x12: {  	s5 =	simm.s32 $_size__tile_overlayer_lowered;
	s6 =	simm.s32 $_tile_overlayer_lowered  }
0x13: {  	s23 =	simm.s32 $0x1BFF;
	s22 =	sshll.u32 s6, $0x1;
	s3 =	sadd.s32 s4, s20  }
0x14: {  	s7 =	simm.s32 $0x0;
	s21 =	sshll.u32 s5, $0x1;
	s5 =	sadd.s32 s22, s3  }
0x15: {  	[timem:s7], [sflag:s23] =	dma.local [hbm:s5], s21  }
0x16: {  	_ =	swait.ge [sflag:s23], s21  }
0x17: {  	s4 =	ssub.s32 $0x0, s21;
	[sflag:s23] =	ssyncset.done $0x0  }
0x18: {  	[sflag:s23] =	ssyncadd.s32 s4;
	_ =	sdelay $0x1  }
0x19: {  	s24 =	simm.s32 $0x1B8B  }
0x1a: {  	_ =	swait.ge [sflag:s24], $0x1  }
0x1b: {  	[sflag:s24] =	ssyncset.done $0x0  }
0x1c: {  	s26 =	simm.s32 $0x1B8E;
	s25 =	sld [smem:$0x3FFE];
	[sflag:s24] =	ssyncadd.s32 $0xFFFFFFFF  }
0x1d: {  	s27 =	simm.s32 $execute0_lowered;
	[smem:$0x3FD2] =	sst s26  }
0x1e: {  	s5 =	sshll.u32 s27, $0x1;
	_ =	strace $0x80000046;
	[dreg:$0x1] =	wrdreg $0xFFFFFFFF  }
0x1f: {  	s28 =	simm.s32 $_size_execute0_lowered;
	s3 =	sadd.s32 s3, s5;
	[dreg:$0x0] =	wrdreg $0x0  }
0x20: {  	s5 =	sshll.u32 s28, $0x1;
	[dreg:$0x2] =	wrdreg s3  }
0x21: {  	[dreg:$0x3] =	wrdreg s5  }
0x22: {  	[dreg:$0x4] =	wrdreg $0xC0  }
0x23: {  	_ =	task [dreg:s7], $0x5FFFF  }
0x24: {  	[dreg:$0x1] =	wrdreg $0xFFFFFFFF  }
0x25: {  	[dreg:$0x0] =	wrdreg $0x60  }
0x26: {  	[dreg:$0x2] =	wrdreg s2  }
0x27: {  	[dreg:$0x3] =	wrdreg s25  }
0x28: {  	[dreg:$0x4] =	wrdreg $0x9  }
0x29: {  	_ =	task.clear_ibuf [dreg:s7], $0x5FFFF;
	_ =	strace $0x90000046  }
0x2a: {  	s29 =	simm.s32 $0x9;
	_ =	strace $0x80000048  }
0x2b: {  	_ =	swait.ge [sflag:s29], $0x1  }
0x2c: {  	[sflag:s29] =	ssyncadd.s32 $0xFFFFFFFF  }
0x2d: {  	_ =	strace $0x90000048  }
0x2e: {  	_ =	sfence  }
0x2f: {  	s30 =	sld [smem:$0x0];
	_ =	sdelay $0x2  }
0x30: {  	s31 =	sshll.u32 s1, $0xD;
	s1 =	sshrl.u32 s1, $0x2  }
0x31: {  	s3 =	sand.u32 $0x4000, s31;
	s1 =	sadd.s32 s1, s30  }
0x32: {  	s0 =	sor.u32 s3, s0;
	s1 =	sshll.u32 s1, $0x11  }
0x33: {  	s0 =	sor.u32 s1, s0  }
0x34: {  	s0 =	sadd.s32 $0x8F2B, s0  }
0x35: {  	[sflag:s0] =	ssyncadd.remote.s32 $0x1  }
0x36: {  	_ =	sfence.sel $0xFFFF  }
0x37: {  	[dreg:$0x0] =	wrdreg $0xFFFFFFFF;
	(pc) =	sbr.abs _section_cstart, $3  }
0x38: {  	[dreg:$0x1] =	wrdreg $0xFFFFFFFF  }
0x39: {  	_ =	task.clear_ibuf [dreg:s7], $0x2FFFF;
	_ =	strace $0x9FFFFFFF  }
0x3a: {  	(tm) =	ssettm $0x7FFFFFFF  }
0x3b: {  	_ =	shalt  }
tec
execute0_lowered:
.L_overlay_start_1:
0x0: {  	(tag) =	ssettag $0x1  }
0x1: {  	s0 =	srdreg.scid;
	s2 =	rddreg [dreg:$0x0]  }
0x2: {  	s5 =	rddreg [dreg:$0x1];
	s1 =	stileid.u32  }
0x3: {  	s4 =	simm.s32 $0x1;
	s6 =	simm.s32 $0x2;
	s15 =	simm.s32 $0x0  }
0x4: {  	p0 =	por $0x0, $0x0;
	s8 =	simm.s32 $0x80;
	s0 =	sshll.u32 s0, $0x4  }
0x5: {  	s14 =	simm.s32 $0x0;
	s9 =	simm.s32 $0x0;
	s3 =	sand.u32 $0x10, s0  }
.Ltmp0:
0x6: {  	s10 =	simm.s32 $0x0;
	s3 =	sor.u32 s1, s3;
	(pc) =	sbr.rel .LBB1_1-.Ltmp0, $4  }
0x7: {  	s0 =	rddreg [dreg:$0x2];
	_ =	strace $0x80000047;
	s3 =	sshll.u32 s3, $0x7  }
0x8: {  	s12 =	simm.s32 $0x0;
	[sflag:s4] =	ssyncpa.u1 $0x0;
	s7 =	ssub.s32 $0xF4200, s3  }
0x9: {  	s13 =	simm.s32 $0x0;
	[sflag:s6] =	ssyncpa.u1 $0x0;
	s6 =	sshrl.u32 s7, $0xC  }
0xa: {  	s5 =	sadd.s32 $0xC00, s5;
	s11 =	smov.u32 s3;
	s7 =	sadd.s32 $0x2, s6  }
.LBB1_5:
0xb: {  	p1 =	slt.u32 s13, $0x2  }
0xc: {  	s17 =	smov.u32 s15;
	p2 =	sgt.s32 @!p1 s15, $0xF41C0;
	s16 =	sshra.s32 @!p1 s15, $0x1F  }
0xd: {  	p3 =	sgt.s32 @!p1 s14, $0x40;
	s18 =	sshra.s32 @!p1 s14, $0x1F;
	p2 =	por !p2, p1  }
0xe: {  	s15 =	sand.u32 @!p1 s16, s15;
	p3 =	por !p3, p1;
	s16 =	smov.u32 s14  }
0xf: {  	s14 =	sand.u32 @!p1 s18, s14;
	s17 =	simm.s32 @p2 $0xF41C0;
	s16 =	simm.s32 @p3 $0x40  }
0x10: {  	s15 =	ssub.s32 @!p1 s17, s15;
	s14 =	ssub.s32 @!p1 s16, s14  }
0x11: {  	s18 =	smov.u32 s12;
	s16 =	sadd.s32 @!p1 $0xFFF0BE40, s15;
	s17 =	sadd.s32 @!p1 $0xFFFFFFC0, s14  }
0x12: {  	s15 =	ssub.s32 @!p1 $0xF4240, s15;
	p2 =	sgt.s32 @!p1 s16, $0x7F;
	p3 =	sgt.s32 @!p1 s17, $0x3F  }
0x13: {  	s14 =	ssub.s32 @!p1 $0x80, s14;
	p2 =	por !p2, p1;
	p3 =	por !p3, p1  }
0x14: {  	s16 =	sadd.s32 $0x1000, s11;
	s15 =	simm.s32 @!p2 $0x0;
	s14 =	simm.s32 @!p3 $0x0  }
0x15: {  	p2 =	sgt.s32 s16, $0xF423F;
	s14 =	smul.u32 @!p1 s14, s15;
	s15 =	sadd.s32 $0x40, s12  }
0x16: {  	s18 =	smov.u32 @p2 s15  }
0x17: {  	s16 =	smov.u32 @p2 s3;
	p2 =	sgt.s32 s18, $0x3F  }
0x18: {  	s18 =	simm.s32 @p2 $0x0;
	p2 =	sne.s32 s13, s7  }
.Ltmp1:
0x19: {  	p0 =	por !p0, !p0;
	s17 =	simm.s32 @!p1 $0x2;
	(pc) =	sbr.rel @!p2 .LBB1_6-.Ltmp1, $4  }
0x1a: {  	s15 =	smov.u32 s9;
	s9 =	smov.u32 s11;
	s14 =	sand.u32 @!p1 $0x3FFFFFFF, s14  }
0x1b: {  	s11 =	smov.u32 s16;
	_ =	swait.ge @!p1 [sflag:s17], s14;
	s19 =	ssub.s32 @!p1 $0x0, s14  }
0x1c: {  	s14 =	smov.u32 s10;
	s13 =	sadd.s32 $0x1, s13;
	[sflag:s17] =	ssyncset.done @!p1 $0x0  }
0x1d: {  	s10 =	smov.u32 s12;
	s12 =	smov.u32 s18;
	[sflag:s17] =	ssyncadd.s32 @!p1 s19  }
.LBB1_1:
0x1e: {  	p1 =	sgt.u32 s13, s6  }
0x1f: {  	s16 =	sshrl.u32 @!p1 s12, $0x3  }
0x20: {  	s17 =	sshll.u32 @!p1 s11, $0x3;
	s16 =	smul.u32 @!p1 $0x7A1400, s16  }
0x21: {  	s18 =	sshll.u32 @!p1 s12, $0x7;
	s17 =	sand.u32 @!p1 $0xFFFFFC00, s17  }
0x22: {  	s16 =	sadd.s32 @!p1 s16, s17;
	s17 =	sand.u32 @!p1 $0x380, s18  }
0x23: {  	s18 =	sand.u32 @!p1 $0x7F, s11;
	s16 =	sor.u32 @!p1 s17, s16  }
0x24: {  	s17 =	sor.u32 @!p1 s18, s16  }
0x25: {  	s18 =	smulhi.u32 @!p1 $0x218D6287, s17;
	_ =	sdelay $0x1  }
0x26: {  	s16 =	smulhi.u32 @!p1 $0x218D6287, s16;
	s18 =	sshrl.u32 @!p1 s18, $0x11  }
0x27: {  	s18 =	smul.u32 @!p1 $0xF4280, s18  }
0x28: {  	s19 =	sxor.u32 @!p1 $0xFFFFFFFF, s13;
	s16 =	sshrl.u32 @!p1 s16, $0x11  }
0x29: {  	s19 =	sshll.u32 @!p1 s19, $0xD;
	s16 =	sand.u32 @!p1 $0x3F, s16;
	s17 =	ssub.s32 @!p1 s17, s18  }
0x2a: {  	s16 =	smul.u32 @!p1 $0x1E850, s16;
	s18 =	sshrl.u32 @!p1 s17, $0x3;
	s17 =	sand.u32 @!p1 $0x7, s17  }
0x2b: {  	s19 =	sand.u32 @!p1 $0x2000, s19;
	s18 =	sadd.s32 @!p1 s2, s18;
	s17 =	sshll.u32 @!p1 s17, $0x12  }
0x2c: {  	s16 =	sadd.s32 @!p1 s16, s18;
	s17 =	sor.u32 @!p1 $0x400, s17;
	s18 =	simm.s32 @!p1 $0x7A1400  }
0x2d: {  	[tilespmem:s19], [sflag:$0x1] =	stream.strided.gather @!p1 [hbm4b:s16+s17], $0x2000, s18, s17, $0x38;
	[tilespmem:$0x8100] =	vst v63  }
0x2e: {  	p1 =	seq.s32 s13, $0x0  }
0x2f: {  	p2 =	sge.u32 @!p1 s13, s7  }
0x30: {  	p1 =	por p1, p2  }
.Ltmp2:
0x31: {  	_ = 	snop;
	(pc) =	sbr.rel @p1 .LBB1_5-.Ltmp2, $1  }
0x32: {  	_ =	sdelay $0x3  }
0x33: {  	s16 =	simm.s32 $0x1  }
0x34: {  	_ =	swait.ge [sflag:s4], $0x2000;
	s16 =	simm.s32 @!p0 $0x0  }
0x35: {  	[sflag:s4] =	ssyncset.done $0x0;
	s17 =	sshll.u32 s16, $0xD  }
0x36: {  	[sflag:s4] =	ssyncadd.s32 $0xFFFFE000;
	s17 =	sor.u32 $0x40, s17  }
0x37: {  	s16 =	smul.u32 $0x8200, s16;
	v0 =	vld [tilespmem:s17+$0x30]  }
0x38: {  	v1 =	vld [tilespmem:s17+$0xFFFFFFD0]  }
0x39: {  	s16 =	sshrl.u32 s16, $0x2;
	v5 =	vld [tilespmem:s17+$0xFFFFFFE0]  }
0x3a: {  	v6 =	vld [tilespmem:s17+$0xFFFFFFF0];
	s19 =	sor.u32 $0x4000, s16  }
0x3b: {  	s31 =	sand.u32 $0x1, s13;
	v4 =	vld [tilespmem:s17+$0x0];
	s18 =	sadd.s32 $0x0, s19  }
0x3c: {  	v3 =	vld [tilespmem:s17+$0x10];
	s16 =	smul.u32 $0x8200, s31;
	[tilespmem:s18+$0x1C70 ss:$0x41] =	vst.msk $0xffff, v0  }
0x3d: {  	v2 =	vld [tilespmem:s17+$0x20];
	[tilespmem:s18+$0x410 ss:$0x41] =	vst.msk $0xffff, v1  }
0x3e: {  	s16 =	sshrl.u32 s16, $0x2;
	v1 =	vld [tilespmem:s17+$0xFFFFFFC0];
	[tilespmem:s18+$0x820 ss:$0x41] =	vst.msk $0xffff, v5;
	s17 =	sadd.s32 $0x80, s17  }
0x3f: {  	s20 =	simm.s32 $0x4;
	s21 =	simm.s32 $0x8;
	s16 =	sor.u32 $0x4000, s16;
	[tilespmem:s18+$0xC30 ss:$0x41] =	vst.msk $0xffff, v6;
	v0 =	vld [tilespmem:s17+$0x30]  }
.LBB1_3:
0x40: {  	p1 =	sne.s32 s21, $0xFC;
	v5 =	vld [tilespmem:s17+$0xFFFFFFD0];
	[tilespmem:s18+$0x1040 ss:$0x41] =	vst.msk $0xffff, v4  }
0x41: {  	v6 =	vld [tilespmem:s17+$0xFFFFFFE0];
	[tilespmem:s18+$0x1450 ss:$0x41] =	vst.msk $0xffff, v3  }
0x42: {  	s22 =	sshra.s32 s20, $0x2;
	s20 =	smov.u32 s21;
	v7 =	vld [tilespmem:s17+$0xFFFFFFF0];
	[tilespmem:s18+$0x1860 ss:$0x41] =	vst.msk $0xffff, v2  }
.Ltmp3:
0x43: {  	v4 =	vld [tilespmem:s17+$0x0];
	[tilespmem:s18+$0x0 ss:$0x41] =	vst.msk $0xffff, v1;
	s18 =	sadd.s32 s22, s19;
	(pc) =	sbr.rel @p1 .LBB1_3-.Ltmp3, $4  }
0x44: {  	v3 =	vld [tilespmem:s17+$0x10];
	[tilespmem:s18+$0x1C70 ss:$0x41] =	vst.msk $0xffff, v0  }
0x45: {  	[tilespmem:s18+$0x410 ss:$0x41] =	vst.msk $0xffff, v5;
	v2 =	vld [tilespmem:s17+$0x20]  }
0x46: {  	v1 =	vld [tilespmem:s17+$0xFFFFFFC0];
	[tilespmem:s18+$0x820 ss:$0x41] =	vst.msk $0xffff, v6;
	s17 =	sadd.s32 $0x80, s17  }
0x47: {  	s21 =	sadd.s32 $0x4, s21;
	v0 =	vld [tilespmem:s17+$0x30];
	[tilespmem:s18+$0xC30 ss:$0x41] =	vst.msk $0xffff, v7  }
0x48: {  	s21 =	sshll.u32 s9, $0x7;
	s22 =	sshll.u32 s10, $0x3;
	s20 =	sshra.s32 s20, $0x2  }
0x49: {  	p1 =	sgt.s32 s9, $0xF41C0;
	s30 =	sshra.s32 s9, $0x1F;
	s25 =	sshra.s32 s10, $0x1F  }
0x4a: {  	v5 =	vld [tilespmem:s17+$0xFFFFFFD0];
	s28 =	sshrl.u32 s10, $0x3;
	s23 =	sand.u32 $0xFFFFFC00, s21;
	s22 =	sand.u32 $0xFFFFFC00, s22  }
0x4b: {  	[tilespmem:s18+$0x1040 ss:$0x41] =	vst.msk $0xffff, v4;
	v58 =	vld [tilespmem:s17+$0xFFFFFFE0];
	s21 =	sand.u32 $0x380, s21;
	s19 =	sadd.s32 s20, s19;
	s22 =	sadd.s32 s22, s23  }
0x4c: {  	v59 =	vld [tilespmem:s17+$0xFFFFFFF0];
	[tilespmem:s18+$0x1450 ss:$0x41] =	vst.msk $0xffff, v3;
	s29 =	sor.u32 s21, s22;
	s21 =	smov.u32 s9;
	s22 =	sand.u32 s30, s9  }
0x4d: {  	v60 =	vld [tilespmem:s17+$0x0];
	[tilespmem:s18+$0x1860 ss:$0x41] =	vst.msk $0xffff, v2;
	s30 =	sand.u32 $0x7, s10;
	s20 =	sshrl.u32 s29, $0x7;
	s21 =	simm.s32 @!p1 $0xF41C0  }
0x4e: {  	v61 =	vld [tilespmem:s17+$0x10];
	[tilespmem:s18+$0x0 ss:$0x41] =	vst.msk $0xffff, v1;
	p1 =	sgt.s32 s10, $0x40;
	s24 =	ssub.s32 s21, s22;
	s21 =	smov.u32 s10  }
0x4f: {  	v62 =	vld [tilespmem:s17+$0x20];
	[tilespmem:s19+$0x1C70 ss:$0x41] =	vst.msk $0xffff, v0;
	s31 =	smulhi.u32 $0x218DEF5, s20;
	s22 =	sand.u32 s25, s10;
	s21 =	simm.s32 @!p1 $0x40  }
0x50: {  	v63 =	vld [tilespmem:s17+$0xFFFFFFC0];
	[tilespmem:s19+$0x410 ss:$0x41] =	vst.msk $0xffff, v5;
	s26 =	sadd.s32 $0xFFF0BE40, s24;
	s17 =	ssub.s32 $0xF4240, s24;
	s21 =	ssub.s32 s21, s22  }
0x51: {  	[tilespmem:s19+$0x820 ss:$0x41] =	vst.msk $0xffff, v58;
	s23 =	sshrl.u32 s31, $0xD;
	p1 =	sgt.s32 s26, $0x7F;
	s27 =	sadd.s32 $0xFFFFFFC0, s21  }
0x52: {  	[tilespmem:s19+$0xC30 ss:$0x41] =	vst.msk $0xffff, v59;
	s23 =	smul.u32 $0xF4240, s23;
	s18 =	ssub.s32 $0x80, s21;
	p2 =	sgt.s32 s27, $0x3F  }
.Ltmp4:
0x53: {  	[tilespmem:s19+$0x1040 ss:$0x41] =	vst.msk $0xffff, v60;
	s17 =	simm.s32 @p1 $0x0;
	s18 =	simm.s32 @p2 $0x0;
	(pc) =	sbr.rel .LBB1_5-.Ltmp4, $4  }
0x54: {  	s29 =	sand.u32 $0xF, s28;
	[tilespmem:s19+$0x1450 ss:$0x41] =	vst.msk $0xffff, v61;
	s20 =	ssub.s32 s20, s23;
	s17 =	smul.u32 s18, s17  }
0x55: {  	[tilespmem:s19+$0x1860 ss:$0x41] =	vst.msk $0xffff, v62;
	s21 =	sshll.u32 s30, $0x12;
	s20 =	sshll.u32 s20, $0x4;
	s18 =	sadd.s32 s5, s29  }
0x56: {  	[tilespmem:s19+$0x0 ss:$0x41] =	vst.msk $0xffff, v63;
	s31 =	sor.u32 $0x40, s21;
	s18 =	sadd.s32 s20, s18;
	s17 =	sand.u32 $0x3FFFFFFF, s17  }
0x57: {  	[hbm4b:s18+s31] =	stream.strided.scatter [tilespmem:s16], [sflag:$0x2], s17, s8, s31, $0x18;
	[tilespmem:$0x8100] =	vst v63  }
.LBB1_6:
0x58: {  	_ =	sfence.sel $0x180000  }
0x59: {  	s2 =	simm.s32 $0x1;
	[bflag:$0x0] =	sbarrier.arrive $0xFFFF  }
0x5a: {  	s31 =	simm.s32 $0x2;
	[sflag:s2] =	ssyncpa.u1 $0x1  }
0x5b: {  	[sflag:s31] =	ssyncpa.u1 $0x1  }
0x5c: {  	p0 =	sne.s32 s1, $0x0;
	_ =	strace $0x90000047  }
0x5d: {  	s0 =	sadd.s32 @!p0 $0x100000, s0;
	[bflag:$0x2] =	sbarrier.arrive $0xFFFF  }
0x5e: {  	[sflag:s0] =	ssyncadd.tile.s32 @!p0 $0x1;
	_ =	shalt  }
.Lfunc_end1:
_tile_overlayer_lowered:
.L_overlay_start_2:
0x5f: {  	(tag) =	ssettag $0x2  }
0x60: {  	s0 =	rddreg [dreg:$0x0];
	s2 =	stileid.u32  }
0x61: {  	s1 =	rddreg [dreg:$0x1];
	p0 =	sne.s32 s2, $0x0  }
0x62: {  	s3 =	rddreg [dreg:$0x2];
	[bflag:$0x3] =	sbarrier.arrive $0xFFFF;
	s2 =	simm.s32 @!p0 $0x1C01  }
0x63: {  	[timem:s3], [sflag:s2] =	dma.local @!p0 [hbm:s0], s1  }
0x64: {  	s0 =	simm.s32 @!p0 $0x1  }
0x65: {  	_ =	swait.ge @!p0 [sflag:s0], s1  }
0x66: {  	s1 =	ssub.s32 @!p0 $0x0, s1;
	[sflag:s0] =	ssyncset.done @!p0 $0x0  }
0x67: {  	[sflag:s0] =	ssyncadd.s32 @!p0 s1  }
0x68: {  	[bflag:$0x3] =	sbarrier.arrive $0xFFFF  }
0x69: {  	_ =	shalt  }

// kernel: sparse-core-data-format-call.cloned.1.call-start
scs
called_computation_lowered:
.L_overlay_start_0:
0x0: {  	s2 =	sld [smem:$0x3FD9]  }
0x1: {  	s3 =	sld [smem:$0x3FFE];
	_ =	sdelay $0x1  }
0x2: {  	s1 =	srdreg.scid  }
0x3: {  	s0 =	sand.u32 $0x1, s1  }
0x4: {  	s18 =	sshll.u32 s0, $0xA;
	s2 =	sadd.s32 s3, s2  }
0x5: {  	s2 =	sadd.s32 s2, s18  }
0x6: {  	[smem:$0x3FC6] =	sst s2  }
0x7: {  	_ = 	snop  }
0x8: {  	s2 =	sld [smem:$0x3FD0];
	(tm) =	ssettm $0x1  }
0x9: {  	s19 =	sld [smem:$0x3FFB];
	_ =	sdelay $0x3  }
0xa: {  	_ =	strace s19  }
0xb: {  	s3 =	sld [smem:$0x3FFC];
	_ =	sdelay $0x3  }
0xc: {  	_ =	strace s3  }
0xd: {  	s3 =	sld [smem:$0x3FFD];
	_ =	sdelay $0x3  }
0xe: {  	_ =	strace s3  }
0xf: {  	_ =	strace $0x8FFFFFFF  }
0x10: {  	s20 =	sld [smem:$0x3FDB];
	_ =	sdelay $0x1  }
0x11: {  	s4 =	simm.s32 $_scs_section_size  }
0x12: {  	s5 =	simm.s32 $_size__tile_overlayer_lowered;
	s6 =	simm.s32 $_tile_overlayer_lowered  }
0x13: {  	s23 =	simm.s32 $0x1BFF;
	s22 =	sshll.u32 s6, $0x1;
	s3 =	sadd.s32 s4, s20  }
0x14: {  	s7 =	simm.s32 $0x0;
	s21 =	sshll.u32 s5, $0x1;
	s5 =	sadd.s32 s22, s3  }
0x15: {  	[timem:s7], [sflag:s23] =	dma.local [hbm:s5], s21  }
0x16: {  	_ =	swait.ge [sflag:s23], s21  }
0x17: {  	s4 =	ssub.s32 $0x0, s21;
	[sflag:s23] =	ssyncset.done $0x0  }
0x18: {  	[sflag:s23] =	ssyncadd.s32 s4;
	_ =	sdelay $0x1  }
0x19: {  	s24 =	simm.s32 $0x1B8B  }
0x1a: {  	_ =	swait.ge [sflag:s24], $0x1  }
0x1b: {  	[sflag:s24] =	ssyncset.done $0x0  }
0x1c: {  	s26 =	simm.s32 $0x1B8E;
	s25 =	sld [smem:$0x3FFE];
	[sflag:s24] =	ssyncadd.s32 $0xFFFFFFFF  }
0x1d: {  	s27 =	simm.s32 $execute0_lowered;
	[smem:$0x3FD2] =	sst s26  }
0x1e: {  	s5 =	sshll.u32 s27, $0x1;
	_ =	strace $0x8000004C;
	[dreg:$0x1] =	wrdreg $0xFFFFFFFF  }
0x1f: {  	s28 =	simm.s32 $_size_execute0_lowered;
	s3 =	sadd.s32 s3, s5;
	[dreg:$0x0] =	wrdreg $0x0  }
0x20: {  	s5 =	sshll.u32 s28, $0x1;
	[dreg:$0x2] =	wrdreg s3  }
0x21: {  	[dreg:$0x3] =	wrdreg s5  }
0x22: {  	[dreg:$0x4] =	wrdreg $0xC0  }
0x23: {  	_ =	task [dreg:s7], $0x5FFFF  }
0x24: {  	[dreg:$0x1] =	wrdreg $0xFFFFFFFF  }
0x25: {  	[dreg:$0x0] =	wrdreg $0x60  }
0x26: {  	[dreg:$0x2] =	wrdreg s25  }
0x27: {  	[dreg:$0x3] =	wrdreg s2  }
0x28: {  	[dreg:$0x4] =	wrdreg $0x9  }
0x29: {  	_ =	task.clear_ibuf [dreg:s7], $0x5FFFF;
	_ =	strace $0x9000004C  }
0x2a: {  	s29 =	simm.s32 $0x9;
	_ =	strace $0x8000004E  }
0x2b: {  	_ =	swait.ge [sflag:s29], $0x1  }
0x2c: {  	[sflag:s29] =	ssyncadd.s32 $0xFFFFFFFF  }
0x2d: {  	_ =	strace $0x9000004E  }
0x2e: {  	_ =	sfence  }
0x2f: {  	s30 =	sld [smem:$0x0];
	_ =	sdelay $0x2  }
0x30: {  	s31 =	sshll.u32 s1, $0xD;
	s1 =	sshrl.u32 s1, $0x2  }
0x31: {  	s3 =	sand.u32 $0x4000, s31;
	s1 =	sadd.s32 s1, s30  }
0x32: {  	s0 =	sor.u32 s3, s0;
	s1 =	sshll.u32 s1, $0x11  }
0x33: {  	s0 =	sor.u32 s1, s0  }
0x34: {  	s0 =	sadd.s32 $0x8F2B, s0  }
0x35: {  	[sflag:s0] =	ssyncadd.remote.s32 $0x1  }
0x36: {  	_ =	sfence.sel $0xFFFF  }
0x37: {  	[dreg:$0x0] =	wrdreg $0xFFFFFFFF;
	(pc) =	sbr.abs _section_cstart, $3  }
0x38: {  	[dreg:$0x1] =	wrdreg $0xFFFFFFFF  }
0x39: {  	_ =	task.clear_ibuf [dreg:s7], $0x2FFFF;
	_ =	strace $0x9FFFFFFF  }
0x3a: {  	(tm) =	ssettm $0x7FFFFFFF  }
0x3b: {  	_ =	shalt  }
tec
execute0_lowered:
.L_overlay_start_1:
0x0: {  	(tag) =	ssettag $0x1  }
0x1: {  	s0 =	srdreg.scid  }
0x2: {  	s1 =	sshll.u32 s0, $0x4  }
0x3: {  	s0 =	stileid.u32;
	s1 =	sand.u32 $0x10, s1  }
0x4: {  	s1 =	sor.u32 s0, s1  }
0x5: {  	s6 =	rddreg [dreg:$0x0];
	s4 =	simm.s32 $0x1;
	s2 =	sshll.u32 s1, $0x7  }
0x6: {  	s7 =	simm.s32 $0x2;
	s12 =	simm.s32 $0x0;
	s1 =	ssub.s32 $0x1000, s2  }
0x7: {  	s8 =	simm.s32 $0x8000;
	s13 =	simm.s32 $0x0;
	s3 =	sand.u32 $0xF80, s1  }
0x8: {  	s9 =	simm.s32 $0x0;
	s5 =	sshrl.u32 s1, $0xC;
	p0 =	sne.s32 s3, $0x0  }
.Ltmp0:
0x9: {  	s1 =	rddreg [dreg:$0x2];
	s4 =	simm.s32 @!p0 $0x0;
	(pc) =	sbr.rel .LBB1_1-.Ltmp0, $4  }
0xa: {  	s11 =	simm.s32 $0x0;
	s3 =	rddreg [dreg:$0x1];
	s5 =	sadd.s32 s4, s5  }
0xb: {  	_ =	strace $0x8000004D;
	s4 =	simm.s32 $0x1;
	s5 =	smul.u32 $0xC8, s5  }
0xc: {  	s6 =	sadd.s32 $0xC00, s6;
	s10 =	smov.u32 s2;
	[sflag:s4] =	ssyncpa.u1 $0x0  }
0xd: {  	p0 =	por $0x0, $0x0;
	[sflag:s7] =	ssyncpa.u1 $0x0;
	s7 =	sor.u32 $0x1, s5  }
.LBB1_4:
0xe: {  	s16 =	sshll.u32 s13, $0x3;
	s17 =	sand.u32 $0x78, s13  }
0xf: {  	s30 =	sand.u32 $0x7E00, s13;
	s12 =	sshll.u32 s12, $0xF;
	s16 =	sand.u32 $0xC00, s16  }
0x10: {  	[tilespmem:s15+$0x810 ss:$0x81] =	vst.msk $0xffff, v2;
	s31 =	sand.u32 $0x7, s13;
	s16 =	sor.u32 s17, s16;
	s17 =	sadd.s32 s3, s30  }
0x11: {  	[tilespmem:s15+$0x1020 ss:$0x81] =	vst.msk $0xffff, v0;
	s13 =	sshll.u32 s31, $0x12;
	s12 =	sadd.s32 s12, s17;
	s16 =	sshrl.u32 s16, $0x3  }
0x12: {  	[tilespmem:s15+$0x0 ss:$0x81] =	vst.msk $0xffff, v1;
	s13 =	sor.u32 $0x400, s13;
	s12 =	sadd.s32 s16, s12  }
0x13: {  	[hbm4b:s12+s13] =	stream.strided.scatter [tilespmem:s14], [sflag:$0x2], $0x2000, s8, s13, $0x20;
	[tilespmem:$0x8080] =	vst v63  }
.LBB1_5:
0x14: {  	s14 =	sadd.s32 $0x1, s9  }
0x15: {  	s12 =	sadd.s32 $0x1000, s10;
	s16 =	smov.u32 s10;
	p2 =	sgt.s32 s14, $0xC7  }
0x16: {  	s16 =	smov.u32 @p2 s12  }
0x17: {  	s14 =	simm.s32 @p2 $0x0;
	p2 =	sgt.s32 s16, $0xFFF  }
0x18: {  	s16 =	smov.u32 @p2 s2;
	p2 =	sne.s32 s11, s7  }
.Ltmp1:
0x19: {  	p1 =	slt.u32 s11, $0x2;
	(pc) =	sbr.rel @!p2 .LBB1_6-.Ltmp1, $4  }
0x1a: {  	s15 =	simm.s32 @!p1 $0x2  }
0x1b: {  	s13 =	smov.u32 s10;
	p0 =	por !p0, !p0;
	_ =	swait.ge @!p1 [sflag:s15], $0x2000  }
0x1c: {  	s12 =	smov.u32 s9;
	[sflag:s15] =	ssyncset.done @!p1 $0x0;
	s9 =	smov.u32 s14  }
0x1d: {  	s11 =	sadd.s32 $0x1, s11;
	[sflag:s15] =	ssyncadd.s32 @!p1 $0xFFFFE000;
	s10 =	smov.u32 s16  }
.LBB1_1:
0x1e: {  	p1 =	sge.u32 s11, s5  }
0x1f: {  	s14 =	sand.u32 @!p1 $0x1FFFFFF, s9  }
0x20: {  	s15 =	smulhi.u32 @!p1 $0x147AE15, s14;
	_ =	sdelay $0x1  }
0x21: {  	s15 =	smul.u32 @!p1 $0xC8, s15  }
0x22: {  	s16 =	sxor.u32 @!p1 $0xFFFFFFFF, s11;
	s17 =	smul.u32 @!p1 $0xC80, s10  }
0x23: {  	s31 =	sadd.s32 $0xFFFFFFFF, s11;
	s16 =	sshll.u32 @!p1 s16, $0xD;
	s14 =	ssub.s32 @!p1 s14, s15  }
0x24: {  	s15 =	sand.u32 @!p1 $0x2000, s16;
	s16 =	sadd.s32 @!p1 s6, s17;
	s14 =	sshll.u32 @!p1 s14, $0x4  }
0x25: {  	s17 =	simm.s32 @!p1 $0x6400;
	s14 =	sadd.s32 @!p1 s14, s16;
	s16 =	simm.s32 @!p1 $0x40  }
0x26: {  	[tilespmem:s15], [sflag:$0x1] =	stream.strided.gather @!p1 [hbm4b:s14+s16], $0x2000, s17, s16, $0x38;
	[tilespmem:$0x8080] =	vst v63  }
0x27: {  	p1 =	sge.u32 s31, s5  }
.Ltmp2:
0x28: {  	_ = 	snop;
	(pc) =	sbr.rel @p1 .LBB1_5-.Ltmp2, $1  }
0x29: {  	_ =	sdelay $0x3  }
0x2a: {  	s14 =	simm.s32 $0x1  }
0x2b: {  	_ =	swait.ge [sflag:s4], $0x2000;
	s14 =	simm.s32 @!p0 $0x0  }
0x2c: {  	[sflag:s4] =	ssyncset.done $0x0;
	s15 =	sshll.u32 s14, $0xD  }
0x2d: {  	[sflag:s4] =	ssyncadd.s32 $0xFFFFE000;
	s18 =	sor.u32 $0x20, s15  }
0x2e: {  	s14 =	smul.u32 $0x8100, s14;
	v3 =	vld [tilespmem:s18+$0x10]  }
0x2f: {  	s30 =	sand.u32 $0x1, s11;
	v2 =	vld [tilespmem:s18+$0xFFFFFFF0]  }
0x30: {  	s15 =	smul.u32 $0x8100, s30;
	s14 =	sshrl.u32 s14, $0x2;
	v0 =	vld [tilespmem:s18+$0x0]  }
0x31: {  	v1 =	vld [tilespmem:s18+$0xFFFFFFE0];
	s16 =	sor.u32 $0x4000, s14  }
0x32: {  	s31 =	sshrl.u32 s15, $0x2;
	s15 =	sadd.s32 $0x0, s16  }
0x33: {  	s17 =	simm.s32 $0x4;
	s18 =	sadd.s32 $0x40, s18;
	s14 =	sor.u32 $0x4000, s31;
	[tilespmem:s15+$0x1830 ss:$0x81] =	vst.msk $0xffff, v3  }
.LBB1_3:
0x34: {  	v3 =	vld [tilespmem:s18+$0x10];
	p1 =	sne.s32 s17, $0x1FC;
	[tilespmem:s15+$0x810 ss:$0x81] =	vst.msk $0xffff, v2;
	s19 =	smov.u32 s17;
	s17 =	sadd.s32 $0x4, s17  }
.Ltmp3:
0x35: {  	v2 =	vld [tilespmem:s18+$0xFFFFFFF0];
	[tilespmem:s15+$0x1020 ss:$0x81] =	vst.msk $0xffff, v0;
	(pc) =	sbr.rel @p1 .LBB1_3-.Ltmp3, $4  }
0x36: {  	v0 =	vld [tilespmem:s18+$0x0];
	[tilespmem:s15+$0x0 ss:$0x81] =	vst.msk $0xffff, v1  }
0x37: {  	s15 =	sshra.s32 s19, $0x2;
	v1 =	vld [tilespmem:s18+$0xFFFFFFE0]  }
0x38: {  	s15 =	sadd.s32 s15, s16  }
0x39: {  	s18 =	sadd.s32 $0x40, s18;
	[tilespmem:s15+$0x1830 ss:$0x81] =	vst.msk $0xffff, v3  }
.Ltmp4:
0x3a: {  	_ = 	snop;
	(pc) =	sbr.rel .LBB1_4-.Ltmp4, $1  }
0x3b: {  	_ =	sdelay $0x3  }
.LBB1_6:
0x3c: {  	_ =	sfence.sel $0x180000  }
0x3d: {  	s2 =	simm.s32 $0x1;
	[bflag:$0x0] =	sbarrier.arrive $0xFFFF  }
0x3e: {  	s31 =	simm.s32 $0x2;
	[sflag:s2] =	ssyncpa.u1 $0x1  }
0x3f: {  	[sflag:s31] =	ssyncpa.u1 $0x1  }
0x40: {  	p0 =	sne.s32 s0, $0x0;
	_ =	strace $0x9000004D  }
0x41: {  	s0 =	sadd.s32 @!p0 $0x100000, s1;
	[bflag:$0x2] =	sbarrier.arrive $0xFFFF  }
0x42: {  	[sflag:s0] =	ssyncadd.tile.s32 @!p0 $0x1;
	_ =	shalt  }
.Lfunc_end1:
_tile_overlayer_lowered:
.L_overlay_start_2:
0x43: {  	(tag) =	ssettag $0x2  }
0x44: {  	s0 =	rddreg [dreg:$0x0];
	s2 =	stileid.u32  }
0x45: {  	s1 =	rddreg [dreg:$0x1];
	p0 =	sne.s32 s2, $0x0  }
0x46: {  	s3 =	rddreg [dreg:$0x2];
	[bflag:$0x3] =	sbarrier.arrive $0xFFFF;
	s2 =	simm.s32 @!p0 $0x1C01  }
0x47: {  	[timem:s3], [sflag:s2] =	dma.local @!p0 [hbm:s0], s1  }
0x48: {  	s0 =	simm.s32 @!p0 $0x1  }
0x49: {  	_ =	swait.ge @!p0 [sflag:s0], s1  }
0x4a: {  	s1 =	ssub.s32 @!p0 $0x0, s1;
	[sflag:s0] =	ssyncset.done @!p0 $0x0  }
0x4b: {  	[sflag:s0] =	ssyncadd.s32 @!p0 s1  }
0x4c: {  	[bflag:$0x3] =	sbarrier.arrive $0xFFFF  }
0x4d: {  	_ =	shalt  }

</sc_bundles>
